<compile_context>
chip_gen: v7x
topology: tpu7x:2x2x1
jax: 0.10.2.dev20260603
libtpu: 0.0.44.dev20260713+nightly
codegen_flags: <defaults>
</compile_context>

<pallas_src>
import functools

import jax
import jax.numpy as jnp
from jax import lax
from jax.experimental import pallas as pl
from jax.experimental.pallas import tpu as pltpu
from jax.experimental.pallas import tpu_sc as plsc

NUM_CORES = 2
NUM_SUBCORES = 16
LANES = 16
NW = NUM_CORES * NUM_SUBCORES
SPLIT = 624


def _build_sc_call(seq: int, table_rows: int, hid: int):
    max_len = (table_rows + 1) // 2
    rows_per_w = seq // NW
    rows_per_sc = rows_per_w * NUM_SUBCORES
    rest = seq - SPLIT

    win_t = ((rows_per_w + SPLIT - 1 + 7) // 8) * 8
    idx_t = ((win_t + LANES - 1) // LANES) * LANES
    win_s = ((rows_per_sc + seq - 1 + NUM_SUBCORES * LANES - 1)
             // (NUM_SUBCORES * LANES)) * (NUM_SUBCORES * LANES)
    shard = win_s // NUM_SUBCORES

    mesh = plsc.VectorSubcoreMesh(
        core_axis_name="c", subcore_axis_name="s",
        num_cores=NUM_CORES, num_subcores=NUM_SUBCORES)

    @functools.partial(
        pl.kernel,
        out_type=jax.ShapeDtypeStruct((seq, seq, hid), jnp.float32),
        mesh=mesh,
        scratch_types=[
            pltpu.VMEM((idx_t,), jnp.int32),
            pltpu.VMEM((win_t, hid), jnp.float32),
            pltpu.VMEM((shard, hid), jnp.float32),
            pltpu.VMEM_SHARED((win_s, hid), jnp.float32),
            pltpu.SemaphoreType.DMA,
            pltpu.SemaphoreType.DMA,
            pltpu.SemaphoreType.DMA,
        ],
    )
    def sc_gather(table_hbm, out_hbm, idx, wbuf, tbuf, shared, gsem, wsem, ssem):
        c = lax.axis_index("c")
        s = lax.axis_index("s")
        lane = lax.iota(jnp.int32, LANES)
        sc_i0 = c * rows_per_sc
        i0 = sc_i0 + s * rows_per_w

        hi_s = sc_i0 + (rows_per_sc - 1) + (max_len - 1)
        off = s * shard
        for g in range(shard // LANES):
            idx[pl.ds(g * LANES, LANES)] = jnp.maximum(
                (hi_s - off - g * LANES) - lane, 0)
        g1 = pltpu.make_async_copy(
            table_hbm.at[idx.at[pl.ds(0, shard)]], tbuf, gsem)
        g1.start()
        g1.wait()
        pltpu.sync_copy(tbuf, shared.at[pl.ds(off, shard), :])

        hi_t = i0 + (rows_per_w - 1) + (max_len - 1)
        for g in range(win_t // LANES):
            idx[pl.ds(g * LANES, LANES)] = jnp.maximum(
                (hi_t - g * LANES) - lane, 0)
        g2 = pltpu.make_async_copy(
            table_hbm.at[idx.at[pl.ds(0, win_t)]], wbuf, gsem)
        g2.start()
        g2.wait()

        plsc.subcore_barrier()

        def stream_copy(di):
            return pltpu.make_async_copy(
                wbuf.at[pl.ds(rows_per_w - 1 - di, SPLIT), :],
                out_hbm.at[i0 + di, pl.ds(0, SPLIT), :],
                wsem)

        def spmem_copy(di):
            dd = (i0 - sc_i0) + di
            return pltpu.make_async_copy(
                shared.at[pl.ds((rows_per_sc - 1) - dd + SPLIT, rest), :],
                out_hbm.at[i0 + di, pl.ds(SPLIT, rest), :],
                ssem)

        for di in range(rows_per_w):
            stream_copy(di).start()
            spmem_copy(di).start()
        for di in range(rows_per_w):
            stream_copy(di).wait()
            spmem_copy(di).wait()

    return sc_gather


def kernel(x, relative_positions):
    seq = x.shape[1]
    table_rows, hid = relative_positions.shape
    call = _build_sc_call(seq, table_rows, hid)
    return call(relative_positions)

# --- scband reference (transcript-rebuilt; emitter-appended) ---
"""Pipeline reference for scband-se3-positional-encoding-30580167147933 (READ-ONLY COPY).

The authoritative reference and input builder live on the scoring server;
editing this copy changes nothing except your own understanding.
"""

import jax, jax.numpy as jnp
import numpy as np

HIDDEN_DIM = 128
MAX_LEN = 1024
BATCH = 4
SEQ_LEN = 1024

def setup_inputs(seed: int = 0) -> dict:
    key = jax.random.key(seed)
    k1, k2 = jax.random.split(key)
    x = jax.random.normal(k1, (BATCH, SEQ_LEN, HIDDEN_DIM), dtype=jnp.float32)
    relative_positions = jax.random.normal(k2, (2 * MAX_LEN - 1, HIDDEN_DIM), dtype=jnp.float32)
    return {"x": x, "relative_positions": relative_positions}

def reference(x, relative_positions):
    seq_len = x.shape[1]
    max_len = (relative_positions.shape[0] + 1) // 2
    positions = jnp.arange(seq_len)[:, None] - jnp.arange(seq_len)[None, :]
    positions = positions + max_len - 1
    # gather: [seq_len, seq_len] int indices into [2*max_len-1, hidden_dim] table
    relative_encodings = jnp.take(relative_positions, positions, axis=0)
    return relative_encodings

if __name__ == "__main__":
    import jax
    _d = setup_inputs()
    print(jax.jit(kernel)(*tuple(_d.values())))

</pallas_src>

<mosaic_0001>
#map = affine_map<(d0, d1) -> (0, 0)>
#map1 = affine_map<(d0, d1) -> (0, 0, 0)>
module attributes {stable_mosaic.version = 14 : i64} {
  func.func @sc_gather(%arg0: i32, %arg1: i32, %arg2: memref<2047x128xf32, #tpu.memory_space<hbm>>, %arg3: memref<1024x1024x128xf32, #tpu.memory_space<hbm>>, %arg4: memref<656xi32, #tpu.memory_space<vmem>>, %arg5: memref<656x128xf32, #tpu.memory_space<vmem>>, %arg6: memref<96x128xf32, #tpu.memory_space<vmem>>, %arg7: memref<1536x128xf32, #tpu.memory_space<vmem_shared>>, %arg8: memref<!tpu.dma_semaphore, #tpu.memory_space<semaphore_mem>>, %arg9: memref<!tpu.dma_semaphore, #tpu.memory_space<semaphore_mem>>, %arg10: memref<!tpu.dma_semaphore, #tpu.memory_space<semaphore_mem>>) attributes {dimension_semantics = [#tpu.dimension_semantics<core_parallel>, #tpu.dimension_semantics<subcore_parallel>], iteration_bounds = array<i64: 2, 16>, scalar_prefetch = 0 : i64, scratch_operands = 7 : i64, tpu.core_type = #tpu.core_type<sc_vector_subcore>, window_params = [{transform_indices = #map}, {transform_indices = #map1}]} {
    %iota3A = tpu.iota {dimensions = array<i32: 0>} : vector<16xi32>
    %mul3A = arith.constant 512 : i32
    %mul3A_0 = arith.muli %arg0, %mul3A : i32
    %mul3A_1 = arith.constant 32 : i32
    %mul3A_2 = arith.muli %arg1, %mul3A_1 : i32
    %add3A = arith.addi %mul3A_0, %mul3A_2 : i32
    %add3A_3 = arith.constant 511 : i32
    %add3A_4 = arith.addi %mul3A_0, %add3A_3 : i32
    %add3A_5 = arith.constant 1023 : i32
    %add3A_6 = arith.addi %add3A_4, %add3A_5 : i32
    %mul3A_7 = arith.constant 96 : i32
    %mul3A_8 = arith.muli %arg1, %mul3A_7 : i32
    %sub3A = arith.subi %add3A_6, %mul3A_8 : i32
    %sub3A_9 = arith.constant 0 : i32
    %sub3A_10 = arith.subi %sub3A, %sub3A_9 : i32
    %sub3A_11 = vector.broadcast %sub3A_10 : i32 to vector<16xi32>
    %sub3A_12 = arith.subi %sub3A_11, %iota3A : vector<16xi32>
    %max3A = arith.constant 0 : i32
    %max3A_13 = vector.broadcast %max3A : i32 to vector<16xi32>
    %max3A_14 = arith.maxsi %sub3A_12, %max3A_13 : vector<16xi32>
    %swap3A = arith.constant 0 : index
    %swap3A_15 = tpu.vector_load %arg4[%swap3A] {strides = array<i32>} : memref<656xi32, #tpu.memory_space<vmem>>, vector<16xi32>,
    %swap3A_16 = vector.shape_cast %swap3A_15 : vector<16xi32> to vector<16xi32>
    %swap3A_17 = vector.shape_cast %max3A_14 : vector<16xi32> to vector<16xi32>
    tpu.vector_store %arg4[%swap3A], %swap3A_17 {strides = array<i32>} : memref<656xi32, #tpu.memory_space<vmem>>, vector<16xi32>,
    %sub3A_18 = arith.subi %add3A_6, %mul3A_8 : i32
    %sub3A_19 = arith.constant 16 : i32
    %sub3A_20 = arith.subi %sub3A_18, %sub3A_19 : i32
    %sub3A_21 = vector.broadcast %sub3A_20 : i32 to vector<16xi32>
    %sub3A_22 = arith.subi %sub3A_21, %iota3A : vector<16xi32>
    %max3A_23 = arith.constant 0 : i32
    %max3A_24 = vector.broadcast %max3A_23 : i32 to vector<16xi32>
    %max3A_25 = arith.maxsi %sub3A_22, %max3A_24 : vector<16xi32>
    %swap3A_26 = arith.constant 16 : index
    %swap3A_27 = tpu.vector_load %arg4[%swap3A_26] {strides = array<i32>} : memref<656xi32, #tpu.memory_space<vmem>>, vector<16xi32>,
    %swap3A_28 = vector.shape_cast %swap3A_27 : vector<16xi32> to vector<16xi32>
    %swap3A_29 = vector.shape_cast %max3A_25 : vector<16xi32> to vector<16xi32>
    tpu.vector_store %arg4[%swap3A_26], %swap3A_29 {strides = array<i32>} : memref<656xi32, #tpu.memory_space<vmem>>, vector<16xi32>,
    %sub3A_30 = arith.subi %add3A_6, %mul3A_8 : i32
    %sub3A_31 = arith.constant 32 : i32
    %sub3A_32 = arith.subi %sub3A_30, %sub3A_31 : i32
    %sub3A_33 = vector.broadcast %sub3A_32 : i32 to vector<16xi32>
    %sub3A_34 = arith.subi %sub3A_33, %iota3A : vector<16xi32>
    %max3A_35 = arith.constant 0 : i32
    %max3A_36 = vector.broadcast %max3A_35 : i32 to vector<16xi32>
    %max3A_37 = arith.maxsi %sub3A_34, %max3A_36 : vector<16xi32>
    %swap3A_38 = arith.constant 32 : index
    %swap3A_39 = tpu.vector_load %arg4[%swap3A_38] {strides = array<i32>} : memref<656xi32, #tpu.memory_space<vmem>>, vector<16xi32>,
    %swap3A_40 = vector.shape_cast %swap3A_39 : vector<16xi32> to vector<16xi32>
    %swap3A_41 = vector.shape_cast %max3A_37 : vector<16xi32> to vector<16xi32>
    tpu.vector_store %arg4[%swap3A_38], %swap3A_41 {strides = array<i32>} : memref<656xi32, #tpu.memory_space<vmem>>, vector<16xi32>,
    %sub3A_42 = arith.subi %add3A_6, %mul3A_8 : i32
    %sub3A_43 = arith.constant 48 : i32
    %sub3A_44 = arith.subi %sub3A_42, %sub3A_43 : i32
    %sub3A_45 = vector.broadcast %sub3A_44 : i32 to vector<16xi32>
    %sub3A_46 = arith.subi %sub3A_45, %iota3A : vector<16xi32>
    %max3A_47 = arith.constant 0 : i32
    %max3A_48 = vector.broadcast %max3A_47 : i32 to vector<16xi32>
    %max3A_49 = arith.maxsi %sub3A_46, %max3A_48 : vector<16xi32>
    %swap3A_50 = arith.constant 48 : index
    %swap3A_51 = tpu.vector_load %arg4[%swap3A_50] {strides = array<i32>} : memref<656xi32, #tpu.memory_space<vmem>>, vector<16xi32>,
    %swap3A_52 = vector.shape_cast %swap3A_51 : vector<16xi32> to vector<16xi32>
    %swap3A_53 = vector.shape_cast %max3A_49 : vector<16xi32> to vector<16xi32>
    tpu.vector_store %arg4[%swap3A_50], %swap3A_53 {strides = array<i32>} : memref<656xi32, #tpu.memory_space<vmem>>, vector<16xi32>,
    %sub3A_54 = arith.subi %add3A_6, %mul3A_8 : i32
    %sub3A_55 = arith.constant 64 : i32
    %sub3A_56 = arith.subi %sub3A_54, %sub3A_55 : i32
    %sub3A_57 = vector.broadcast %sub3A_56 : i32 to vector<16xi32>
    %sub3A_58 = arith.subi %sub3A_57, %iota3A : vector<16xi32>
    %max3A_59 = arith.constant 0 : i32
    %max3A_60 = vector.broadcast %max3A_59 : i32 to vector<16xi32>
    %max3A_61 = arith.maxsi %sub3A_58, %max3A_60 : vector<16xi32>
    %swap3A_62 = arith.constant 64 : index
    %swap3A_63 = tpu.vector_load %arg4[%swap3A_62] {strides = array<i32>} : memref<656xi32, #tpu.memory_space<vmem>>, vector<16xi32>,
    %swap3A_64 = vector.shape_cast %swap3A_63 : vector<16xi32> to vector<16xi32>
    %swap3A_65 = vector.shape_cast %max3A_61 : vector<16xi32> to vector<16xi32>
    tpu.vector_store %arg4[%swap3A_62], %swap3A_65 {strides = array<i32>} : memref<656xi32, #tpu.memory_space<vmem>>, vector<16xi32>,
    %sub3A_66 = arith.subi %add3A_6, %mul3A_8 : i32
    %sub3A_67 = arith.constant 80 : i32
    %sub3A_68 = arith.subi %sub3A_66, %sub3A_67 : i32
    %sub3A_69 = vector.broadcast %sub3A_68 : i32 to vector<16xi32>
    %sub3A_70 = arith.subi %sub3A_69, %iota3A : vector<16xi32>
    %max3A_71 = arith.constant 0 : i32
    %max3A_72 = vector.broadcast %max3A_71 : i32 to vector<16xi32>
    %max3A_73 = arith.maxsi %sub3A_70, %max3A_72 : vector<16xi32>
    %swap3A_74 = arith.constant 80 : index
    %swap3A_75 = tpu.vector_load %arg4[%swap3A_74] {strides = array<i32>} : memref<656xi32, #tpu.memory_space<vmem>>, vector<16xi32>,
    %swap3A_76 = vector.shape_cast %swap3A_75 : vector<16xi32> to vector<16xi32>
    %swap3A_77 = vector.shape_cast %max3A_73 : vector<16xi32> to vector<16xi32>
    tpu.vector_store %arg4[%swap3A_74], %swap3A_77 {strides = array<i32>} : memref<656xi32, #tpu.memory_space<vmem>>, vector<16xi32>,
    %dma_start3A = arith.constant 0 : i32
    %dma_start3A_78 = tpu.memref_slice %arg4[%dma_start3A] : memref<656xi32, #tpu.memory_space<vmem>> -> memref<96xi32, #tpu.memory_space<vmem>>
    %dma_start3A_79 = arith.constant 0 : i32
    %dma_start3A_80 = arith.constant 0 : i32
    %dma_start3A_81 = tpu.memref_slice %arg2[%dma_start3A_79, %dma_start3A_80] : memref<2047x128xf32, #tpu.memory_space<hbm>> -> memref<2047x128xf32, #tpu.memory_space<hbm>>
    tpu.enqueue_indirect_dma source(%dma_start3A_81 : memref<2047x128xf32, #tpu.memory_space<hbm>>) target(%arg6 : memref<96x128xf32, #tpu.memory_space<vmem>>) offsets(%dma_start3A_78 : memref<96xi32, #tpu.memory_space<vmem>>) semaphore(%arg8 : memref<!tpu.dma_semaphore, #tpu.memory_space<semaphore_mem>>)
    %dma_wait3A = arith.constant 0 : i32
    %dma_wait3A_82 = tpu.memref_slice %arg4[%dma_wait3A] : memref<656xi32, #tpu.memory_space<vmem>> -> memref<96xi32, #tpu.memory_space<vmem>>
    %dma_wait3A_83 = arith.constant 0 : i32
    %dma_wait3A_84 = arith.constant 0 : i32
    %dma_wait3A_85 = tpu.memref_slice %arg2[%dma_wait3A_83, %dma_wait3A_84] : memref<2047x128xf32, #tpu.memory_space<hbm>> -> memref<2047x128xf32, #tpu.memory_space<hbm>>
    tpu.wait_indirect_dma semaphore(%arg8 : memref<!tpu.dma_semaphore, #tpu.memory_space<semaphore_mem>>) src(%dma_wait3A_85 : memref<2047x128xf32, #tpu.memory_space<hbm>>) dst(%arg6 : memref<96x128xf32, #tpu.memory_space<vmem>>)
    "tpu.region"() ({
      %run_scoped3A = tpu.sem_alloc : memref<!tpu.dma_semaphore, #tpu.memory_space<semaphore_mem>>
      %dma_start3A_2535 = arith.constant 0 : i32
      %dma_start3A_2536 = tpu.memref_slice %arg7[%mul3A_8, %dma_start3A_2535] : memref<1536x128xf32, #tpu.memory_space<vmem_shared>> -> memref<96x128xf32, #tpu.memory_space<vmem_shared>>
      %dma_start3A_2537 = arith.constant 0 : i32
      %dma_start3A_2538 = tpu.memref_slice %arg7[%mul3A_8, %dma_start3A_2537] : memref<1536x128xf32, #tpu.memory_space<vmem_shared>> -> memref<96x128xf32, #tpu.memory_space<vmem_shared>>
      tpu.enqueue_dma source(%arg6 : memref<96x128xf32, #tpu.memory_space<vmem>>) target(%dma_start3A_2538 : memref<96x128xf32, #tpu.memory_space<vmem_shared>>) target_semaphore(%run_scoped3A : memref<!tpu.dma_semaphore, #tpu.memory_space<semaphore_mem>>)
      %dma_wait3A_2539 = arith.constant 0 : i32
      %dma_wait3A_2540 = tpu.memref_slice %arg7[%mul3A_8, %dma_wait3A_2539] : memref<1536x128xf32, #tpu.memory_space<vmem_shared>> -> memref<96x128xf32, #tpu.memory_space<vmem_shared>>
      %dma_wait3A_2541 = arith.constant 0 : i32
      %dma_wait3A_2542 = tpu.memref_slice %arg7[%mul3A_8, %dma_wait3A_2541] : memref<1536x128xf32, #tpu.memory_space<vmem_shared>> -> memref<96x128xf32, #tpu.memory_space<vmem_shared>>
      tpu.wait_dma2 semaphore(%run_scoped3A : memref<!tpu.dma_semaphore, #tpu.memory_space<semaphore_mem>>) src(%arg6 : memref<96x128xf32, #tpu.memory_space<vmem>>) dst(%dma_wait3A_2542 : memref<96x128xf32, #tpu.memory_space<vmem_shared>>)
      tpu.yield
    }) : () -> ()
    %add3A_86 = arith.constant 31 : i32
    %add3A_87 = arith.addi %add3A, %add3A_86 : i32
    %add3A_88 = arith.constant 1023 : i32
    %add3A_89 = arith.addi %add3A_87, %add3A_88 : i32
    %sub3A_90 = arith.constant 0 : i32
    %sub3A_91 = arith.subi %add3A_89, %sub3A_90 : i32
    %sub3A_92 = vector.broadcast %sub3A_91 : i32 to vector<16xi32>
    %sub3A_93 = arith.subi %sub3A_92, %iota3A : vector<16xi32>
    %max3A_94 = arith.constant 0 : i32
    %max3A_95 = vector.broadcast %max3A_94 : i32 to vector<16xi32>
    %max3A_96 = arith.maxsi %sub3A_93, %max3A_95 : vector<16xi32>
    %swap3A_97 = arith.constant 0 : index
    %swap3A_98 = tpu.vector_load %arg4[%swap3A_97] {strides = array<i32>} : memref<656xi32, #tpu.memory_space<vmem>>, vector<16xi32>,
    %swap3A_99 = vector.shape_cast %swap3A_98 : vector<16xi32> to vector<16xi32>
    %swap3A_100 = vector.shape_cast %max3A_96 : vector<16xi32> to vector<16xi32>
    tpu.vector_store %arg4[%swap3A_97], %swap3A_100 {strides = array<i32>} : memref<656xi32, #tpu.memory_space<vmem>>, vector<16xi32>,
    %sub3A_101 = arith.constant 16 : i32
    %sub3A_102 = arith.subi %add3A_89, %sub3A_101 : i32
    %sub3A_103 = vector.broadcast %sub3A_102 : i32 to vector<16xi32>
    %sub3A_104 = arith.subi %sub3A_103, %iota3A : vector<16xi32>
    %max3A_105 = arith.constant 0 : i32
    %max3A_106 = vector.broadcast %max3A_105 : i32 to vector<16xi32>
    %max3A_107 = arith.maxsi %sub3A_104, %max3A_106 : vector<16xi32>
    %swap3A_108 = arith.constant 16 : index
    %swap3A_109 = tpu.vector_load %arg4[%swap3A_108] {strides = array<i32>} : memref<656xi32, #tpu.memory_space<vmem>>, vector<16xi32>,
    %swap3A_110 = vector.shape_cast %swap3A_109 : vector<16xi32> to vector<16xi32>
    %swap3A_111 = vector.shape_cast %max3A_107 : vector<16xi32> to vector<16xi32>
    tpu.vector_store %arg4[%swap3A_108], %swap3A_111 {strides = array<i32>} : memref<656xi32, #tpu.memory_space<vmem>>, vector<16xi32>,
    %sub3A_112 = arith.constant 32 : i32
    %sub3A_113 = arith.subi %add3A_89, %sub3A_112 : i32
    %sub3A_114 = vector.broadcast %sub3A_113 : i32 to vector<16xi32>
    %sub3A_115 = arith.subi %sub3A_114, %iota3A : vector<16xi32>
    %max3A_116 = arith.constant 0 : i32
    %max3A_117 = vector.broadcast %max3A_116 : i32 to vector<16xi32>
    %max3A_118 = arith.maxsi %sub3A_115, %max3A_117 : vector<16xi32>
    %swap3A_119 = arith.constant 32 : index
    %swap3A_120 = tpu.vector_load %arg4[%swap3A_119] {strides = array<i32>} : memref<656xi32, #tpu.memory_space<vmem>>, vector<16xi32>,
    %swap3A_121 = vector.shape_cast %swap3A_120 : vector<16xi32> to vector<16xi32>
    %swap3A_122 = vector.shape_cast %max3A_118 : vector<16xi32> to vector<16xi32>
    tpu.vector_store %arg4[%swap3A_119], %swap3A_122 {strides = array<i32>} : memref<656xi32, #tpu.memory_space<vmem>>, vector<16xi32>,
    %sub3A_123 = arith.constant 48 : i32
    %sub3A_124 = arith.subi %add3A_89, %sub3A_123 : i32
    %sub3A_125 = vector.broadcast %sub3A_124 : i32 to vector<16xi32>
    %sub3A_126 = arith.subi %sub3A_125, %iota3A : vector<16xi32>
    %max3A_127 = arith.constant 0 : i32
    %max3A_128 = vector.broadcast %max3A_127 : i32 to vector<16xi32>
    %max3A_129 = arith.maxsi %sub3A_126, %max3A_128 : vector<16xi32>
    %swap3A_130 = arith.constant 48 : index
    %swap3A_131 = tpu.vector_load %arg4[%swap3A_130] {strides = array<i32>} : memref<656xi32, #tpu.memory_space<vmem>>, vector<16xi32>,
    %swap3A_132 = vector.shape_cast %swap3A_131 : vector<16xi32> to vector<16xi32>
    %swap3A_133 = vector.shape_cast %max3A_129 : vector<16xi32> to vector<16xi32>
    tpu.vector_store %arg4[%swap3A_130], %swap3A_133 {strides = array<i32>} : memref<656xi32, #tpu.memory_space<vmem>>, vector<16xi32>,
    %sub3A_134 = arith.constant 64 : i32
    %sub3A_135 = arith.subi %add3A_89, %sub3A_134 : i32
    %sub3A_136 = vector.broadcast %sub3A_135 : i32 to vector<16xi32>
    %sub3A_137 = arith.subi %sub3A_136, %iota3A : vector<16xi32>
    %max3A_138 = arith.constant 0 : i32
    %max3A_139 = vector.broadcast %max3A_138 : i32 to vector<16xi32>
    %max3A_140 = arith.maxsi %sub3A_137, %max3A_139 : vector<16xi32>
    %swap3A_141 = arith.constant 64 : index
    %swap3A_142 = tpu.vector_load %arg4[%swap3A_141] {strides = array<i32>} : memref<656xi32, #tpu.memory_space<vmem>>, vector<16xi32>,
    %swap3A_143 = vector.shape_cast %swap3A_142 : vector<16xi32> to vector<16xi32>
    %swap3A_144 = vector.shape_cast %max3A_140 : vector<16xi32> to vector<16xi32>
    tpu.vector_store %arg4[%swap3A_141], %swap3A_144 {strides = array<i32>} : memref<656xi32, #tpu.memory_space<vmem>>, vector<16xi32>,
    %sub3A_145 = arith.constant 80 : i32
    %sub3A_146 = arith.subi %add3A_89, %sub3A_145 : i32
    %sub3A_147 = vector.broadcast %sub3A_146 : i32 to vector<16xi32>
    %sub3A_148 = arith.subi %sub3A_147, %iota3A : vector<16xi32>
    %max3A_149 = arith.constant 0 : i32
    %max3A_150 = vector.broadcast %max3A_149 : i32 to vector<16xi32>
    %max3A_151 = arith.maxsi %sub3A_148, %max3A_150 : vector<16xi32>
    %swap3A_152 = arith.constant 80 : index
    %swap3A_153 = tpu.vector_load %arg4[%swap3A_152] {strides = array<i32>} : memref<656xi32, #tpu.memory_space<vmem>>, vector<16xi32>,
    %swap3A_154 = vector.shape_cast %swap3A_153 : vector<16xi32> to vector<16xi32>
    %swap3A_155 = vector.shape_cast %max3A_151 : vector<16xi32> to vector<16xi32>
    tpu.vector_store %arg4[%swap3A_152], %swap3A_155 {strides = array<i32>} : memref<656xi32, #tpu.memory_space<vmem>>, vector<16xi32>,
    %sub3A_156 = arith.constant 96 : i32
    %sub3A_157 = arith.subi %add3A_89, %sub3A_156 : i32
    %sub3A_158 = vector.broadcast %sub3A_157 : i32 to vector<16xi32>
    %sub3A_159 = arith.subi %sub3A_158, %iota3A : vector<16xi32>
    %max3A_160 = arith.constant 0 : i32
    %max3A_161 = vector.broadcast %max3A_160 : i32 to vector<16xi32>
    %max3A_162 = arith.maxsi %sub3A_159, %max3A_161 : vector<16xi32>
    %swap3A_163 = arith.constant 96 : index
    %swap3A_164 = tpu.vector_load %arg4[%swap3A_163] {strides = array<i32>} : memref<656xi32, #tpu.memory_space<vmem>>, vector<16xi32>,
    %swap3A_165 = vector.shape_cast %swap3A_164 : vector<16xi32> to vector<16xi32>
    %swap3A_166 = vector.shape_cast %max3A_162 : vector<16xi32> to vector<16xi32>
    tpu.vector_store %arg4[%swap3A_163], %swap3A_166 {strides = array<i32>} : memref<656xi32, #tpu.memory_space<vmem>>, vector<16xi32>,
    %sub3A_167 = arith.constant 112 : i32
    %sub3A_168 = arith.subi %add3A_89, %sub3A_167 : i32
    %sub3A_169 = vector.broadcast %sub3A_168 : i32 to vector<16xi32>
    %sub3A_170 = arith.subi %sub3A_169, %iota3A : vector<16xi32>
    %max3A_171 = arith.constant 0 : i32
    %max3A_172 = vector.broadcast %max3A_171 : i32 to vector<16xi32>
    %max3A_173 = arith.maxsi %sub3A_170, %max3A_172 : vector<16xi32>
    %swap3A_174 = arith.constant 112 : index
    %swap3A_175 = tpu.vector_load %arg4[%swap3A_174] {strides = array<i32>} : memref<656xi32, #tpu.memory_space<vmem>>, vector<16xi32>,
    %swap3A_176 = vector.shape_cast %swap3A_175 : vector<16xi32> to vector<16xi32>
    %swap3A_177 = vector.shape_cast %max3A_173 : vector<16xi32> to vector<16xi32>
    tpu.vector_store %arg4[%swap3A_174], %swap3A_177 {strides = array<i32>} : memref<656xi32, #tpu.memory_space<vmem>>, vector<16xi32>,
    %sub3A_178 = arith.constant 128 : i32
    %sub3A_179 = arith.subi %add3A_89, %sub3A_178 : i32
    %sub3A_180 = vector.broadcast %sub3A_179 : i32 to vector<16xi32>
    %sub3A_181 = arith.subi %sub3A_180, %iota3A : vector<16xi32>
    %max3A_182 = arith.constant 0 : i32
    %max3A_183 = vector.broadcast %max3A_182 : i32 to vector<16xi32>
    %max3A_184 = arith.maxsi %sub3A_181, %max3A_183 : vector<16xi32>
    %swap3A_185 = arith.constant 128 : index
    %swap3A_186 = tpu.vector_load %arg4[%swap3A_185] {strides = array<i32>} : memref<656xi32, #tpu.memory_space<vmem>>, vector<16xi32>,
    %swap3A_187 = vector.shape_cast %swap3A_186 : vector<16xi32> to vector<16xi32>
    %swap3A_188 = vector.shape_cast %max3A_184 : vector<16xi32> to vector<16xi32>
    tpu.vector_store %arg4[%swap3A_185], %swap3A_188 {strides = array<i32>} : memref<656xi32, #tpu.memory_space<vmem>>, vector<16xi32>,
    %sub3A_189 = arith.constant 144 : i32
    %sub3A_190 = arith.subi %add3A_89, %sub3A_189 : i32
    %sub3A_191 = vector.broadcast %sub3A_190 : i32 to vector<16xi32>
    %sub3A_192 = arith.subi %sub3A_191, %iota3A : vector<16xi32>
    %max3A_193 = arith.constant 0 : i32
    %max3A_194 = vector.broadcast %max3A_193 : i32 to vector<16xi32>
    %max3A_195 = arith.maxsi %sub3A_192, %max3A_194 : vector<16xi32>
    %swap3A_196 = arith.constant 144 : index
    %swap3A_197 = tpu.vector_load %arg4[%swap3A_196] {strides = array<i32>} : memref<656xi32, #tpu.memory_space<vmem>>, vector<16xi32>,
    %swap3A_198 = vector.shape_cast %swap3A_197 : vector<16xi32> to vector<16xi32>
    %swap3A_199 = vector.shape_cast %max3A_195 : vector<16xi32> to vector<16xi32>
    tpu.vector_store %arg4[%swap3A_196], %swap3A_199 {strides = array<i32>} : memref<656xi32, #tpu.memory_space<vmem>>, vector<16xi32>,
    %sub3A_200 = arith.constant 160 : i32
    %sub3A_201 = arith.subi %add3A_89, %sub3A_200 : i32
    %sub3A_202 = vector.broadcast %sub3A_201 : i32 to vector<16xi32>
    %sub3A_203 = arith.subi %sub3A_202, %iota3A : vector<16xi32>
    %max3A_204 = arith.constant 0 : i32
    %max3A_205 = vector.broadcast %max3A_204 : i32 to vector<16xi32>
    %max3A_206 = arith.maxsi %sub3A_203, %max3A_205 : vector<16xi32>
    %swap3A_207 = arith.constant 160 : index
    %swap3A_208 = tpu.vector_load %arg4[%swap3A_207] {strides = array<i32>} : memref<656xi32, #tpu.memory_space<vmem>>, vector<16xi32>,
    %swap3A_209 = vector.shape_cast %swap3A_208 : vector<16xi32> to vector<16xi32>
    %swap3A_210 = vector.shape_cast %max3A_206 : vector<16xi32> to vector<16xi32>
    tpu.vector_store %arg4[%swap3A_207], %swap3A_210 {strides = array<i32>} : memref<656xi32, #tpu.memory_space<vmem>>, vector<16xi32>,
    %sub3A_211 = arith.constant 176 : i32
    %sub3A_212 = arith.subi %add3A_89, %sub3A_211 : i32
    %sub3A_213 = vector.broadcast %sub3A_212 : i32 to vector<16xi32>
    %sub3A_214 = arith.subi %sub3A_213, %iota3A : vector<16xi32>
    %max3A_215 = arith.constant 0 : i32
    %max3A_216 = vector.broadcast %max3A_215 : i32 to vector<16xi32>
    %max3A_217 = arith.maxsi %sub3A_214, %max3A_216 : vector<16xi32>
    %swap3A_218 = arith.constant 176 : index
    %swap3A_219 = tpu.vector_load %arg4[%swap3A_218] {strides = array<i32>} : memref<656xi32, #tpu.memory_space<vmem>>, vector<16xi32>,
    %swap3A_220 = vector.shape_cast %swap3A_219 : vector<16xi32> to vector<16xi32>
    %swap3A_221 = vector.shape_cast %max3A_217 : vector<16xi32> to vector<16xi32>
    tpu.vector_store %arg4[%swap3A_218], %swap3A_221 {strides = array<i32>} : memref<656xi32, #tpu.memory_space<vmem>>, vector<16xi32>,
    %sub3A_222 = arith.constant 192 : i32
    %sub3A_223 = arith.subi %add3A_89, %sub3A_222 : i32
    %sub3A_224 = vector.broadcast %sub3A_223 : i32 to vector<16xi32>
    %sub3A_225 = arith.subi %sub3A_224, %iota3A : vector<16xi32>
    %max3A_226 = arith.constant 0 : i32
    %max3A_227 = vector.broadcast %max3A_226 : i32 to vector<16xi32>
    %max3A_228 = arith.maxsi %sub3A_225, %max3A_227 : vector<16xi32>
    %swap3A_229 = arith.constant 192 : index
    %swap3A_230 = tpu.vector_load %arg4[%swap3A_229] {strides = array<i32>} : memref<656xi32, #tpu.memory_space<vmem>>, vector<16xi32>,
    %swap3A_231 = vector.shape_cast %swap3A_230 : vector<16xi32> to vector<16xi32>
    %swap3A_232 = vector.shape_cast %max3A_228 : vector<16xi32> to vector<16xi32>
    tpu.vector_store %arg4[%swap3A_229], %swap3A_232 {strides = array<i32>} : memref<656xi32, #tpu.memory_space<vmem>>, vector<16xi32>,
    %sub3A_233 = arith.constant 208 : i32
    %sub3A_234 = arith.subi %add3A_89, %sub3A_233 : i32
    %sub3A_235 = vector.broadcast %sub3A_234 : i32 to vector<16xi32>
    %sub3A_236 = arith.subi %sub3A_235, %iota3A : vector<16xi32>
    %max3A_237 = arith.constant 0 : i32
    %max3A_238 = vector.broadcast %max3A_237 : i32 to vector<16xi32>
    %max3A_239 = arith.maxsi %sub3A_236, %max3A_238 : vector<16xi32>
    %swap3A_240 = arith.constant 208 : index
    %swap3A_241 = tpu.vector_load %arg4[%swap3A_240] {strides = array<i32>} : memref<656xi32, #tpu.memory_space<vmem>>, vector<16xi32>,
    %swap3A_242 = vector.shape_cast %swap3A_241 : vector<16xi32> to vector<16xi32>
    %swap3A_243 = vector.shape_cast %max3A_239 : vector<16xi32> to vector<16xi32>
    tpu.vector_store %arg4[%swap3A_240], %swap3A_243 {strides = array<i32>} : memref<656xi32, #tpu.memory_space<vmem>>, vector<16xi32>,
    %sub3A_244 = arith.constant 224 : i32
    %sub3A_245 = arith.subi %add3A_89, %sub3A_244 : i32
    %sub3A_246 = vector.broadcast %sub3A_245 : i32 to vector<16xi32>
    %sub3A_247 = arith.subi %sub3A_246, %iota3A : vector<16xi32>
    %max3A_248 = arith.constant 0 : i32
    %max3A_249 = vector.broadcast %max3A_248 : i32 to vector<16xi32>
    %max3A_250 = arith.maxsi %sub3A_247, %max3A_249 : vector<16xi32>
    %swap3A_251 = arith.constant 224 : index
    %swap3A_252 = tpu.vector_load %arg4[%swap3A_251] {strides = array<i32>} : memref<656xi32, #tpu.memory_space<vmem>>, vector<16xi32>,
    %swap3A_253 = vector.shape_cast %swap3A_252 : vector<16xi32> to vector<16xi32>
    %swap3A_254 = vector.shape_cast %max3A_250 : vector<16xi32> to vector<16xi32>
    tpu.vector_store %arg4[%swap3A_251], %swap3A_254 {strides = array<i32>} : memref<656xi32, #tpu.memory_space<vmem>>, vector<16xi32>,
    %sub3A_255 = arith.constant 240 : i32
    %sub3A_256 = arith.subi %add3A_89, %sub3A_255 : i32
    %sub3A_257 = vector.broadcast %sub3A_256 : i32 to vector<16xi32>
    %sub3A_258 = arith.subi %sub3A_257, %iota3A : vector<16xi32>
    %max3A_259 = arith.constant 0 : i32
    %max3A_260 = vector.broadcast %max3A_259 : i32 to vector<16xi32>
    %max3A_261 = arith.maxsi %sub3A_258, %max3A_260 : vector<16xi32>
    %swap3A_262 = arith.constant 240 : index
    %swap3A_263 = tpu.vector_load %arg4[%swap3A_262] {strides = array<i32>} : memref<656xi32, #tpu.memory_space<vmem>>, vector<16xi32>,
    %swap3A_264 = vector.shape_cast %swap3A_263 : vector<16xi32> to vector<16xi32>
    %swap3A_265 = vector.shape_cast %max3A_261 : vector<16xi32> to vector<16xi32>
    tpu.vector_store %arg4[%swap3A_262], %swap3A_265 {strides = array<i32>} : memref<656xi32, #tpu.memory_space<vmem>>, vector<16xi32>,
    %sub3A_266 = arith.constant 256 : i32
    %sub3A_267 = arith.subi %add3A_89, %sub3A_266 : i32
    %sub3A_268 = vector.broadcast %sub3A_267 : i32 to vector<16xi32>
    %sub3A_269 = arith.subi %sub3A_268, %iota3A : vector<16xi32>
    %max3A_270 = arith.constant 0 : i32
    %max3A_271 = vector.broadcast %max3A_270 : i32 to vector<16xi32>
    %max3A_272 = arith.maxsi %sub3A_269, %max3A_271 : vector<16xi32>
    %swap3A_273 = arith.constant 256 : index
    %swap3A_274 = tpu.vector_load %arg4[%swap3A_273] {strides = array<i32>} : memref<656xi32, #tpu.memory_space<vmem>>, vector<16xi32>,
    %swap3A_275 = vector.shape_cast %swap3A_274 : vector<16xi32> to vector<16xi32>
    %swap3A_276 = vector.shape_cast %max3A_272 : vector<16xi32> to vector<16xi32>
    tpu.vector_store %arg4[%swap3A_273], %swap3A_276 {strides = array<i32>} : memref<656xi32, #tpu.memory_space<vmem>>, vector<16xi32>,
    %sub3A_277 = arith.constant 272 : i32
    %sub3A_278 = arith.subi %add3A_89, %sub3A_277 : i32
    %sub3A_279 = vector.broadcast %sub3A_278 : i32 to vector<16xi32>
    %sub3A_280 = arith.subi %sub3A_279, %iota3A : vector<16xi32>
    %max3A_281 = arith.constant 0 : i32
    %max3A_282 = vector.broadcast %max3A_281 : i32 to vector<16xi32>
    %max3A_283 = arith.maxsi %sub3A_280, %max3A_282 : vector<16xi32>
    %swap3A_284 = arith.constant 272 : index
    %swap3A_285 = tpu.vector_load %arg4[%swap3A_284] {strides = array<i32>} : memref<656xi32, #tpu.memory_space<vmem>>, vector<16xi32>,
    %swap3A_286 = vector.shape_cast %swap3A_285 : vector<16xi32> to vector<16xi32>
    %swap3A_287 = vector.shape_cast %max3A_283 : vector<16xi32> to vector<16xi32>
    tpu.vector_store %arg4[%swap3A_284], %swap3A_287 {strides = array<i32>} : memref<656xi32, #tpu.memory_space<vmem>>, vector<16xi32>,
    %sub3A_288 = arith.constant 288 : i32
    %sub3A_289 = arith.subi %add3A_89, %sub3A_288 : i32
    %sub3A_290 = vector.broadcast %sub3A_289 : i32 to vector<16xi32>
    %sub3A_291 = arith.subi %sub3A_290, %iota3A : vector<16xi32>
    %max3A_292 = arith.constant 0 : i32
    %max3A_293 = vector.broadcast %max3A_292 : i32 to vector<16xi32>
    %max3A_294 = arith.maxsi %sub3A_291, %max3A_293 : vector<16xi32>
    %swap3A_295 = arith.constant 288 : index
    %swap3A_296 = tpu.vector_load %arg4[%swap3A_295] {strides = array<i32>} : memref<656xi32, #tpu.memory_space<vmem>>, vector<16xi32>,
    %swap3A_297 = vector.shape_cast %swap3A_296 : vector<16xi32> to vector<16xi32>
    %swap3A_298 = vector.shape_cast %max3A_294 : vector<16xi32> to vector<16xi32>
    tpu.vector_store %arg4[%swap3A_295], %swap3A_298 {strides = array<i32>} : memref<656xi32, #tpu.memory_space<vmem>>, vector<16xi32>,
    %sub3A_299 = arith.constant 304 : i32
    %sub3A_300 = arith.subi %add3A_89, %sub3A_299 : i32
    %sub3A_301 = vector.broadcast %sub3A_300 : i32 to vector<16xi32>
    %sub3A_302 = arith.subi %sub3A_301, %iota3A : vector<16xi32>
    %max3A_303 = arith.constant 0 : i32
    %max3A_304 = vector.broadcast %max3A_303 : i32 to vector<16xi32>
    %max3A_305 = arith.maxsi %sub3A_302, %max3A_304 : vector<16xi32>
    %swap3A_306 = arith.constant 304 : index
    %swap3A_307 = tpu.vector_load %arg4[%swap3A_306] {strides = array<i32>} : memref<656xi32, #tpu.memory_space<vmem>>, vector<16xi32>,
    %swap3A_308 = vector.shape_cast %swap3A_307 : vector<16xi32> to vector<16xi32>
    %swap3A_309 = vector.shape_cast %max3A_305 : vector<16xi32> to vector<16xi32>
    tpu.vector_store %arg4[%swap3A_306], %swap3A_309 {strides = array<i32>} : memref<656xi32, #tpu.memory_space<vmem>>, vector<16xi32>,
    %sub3A_310 = arith.constant 320 : i32
    %sub3A_311 = arith.subi %add3A_89, %sub3A_310 : i32
    %sub3A_312 = vector.broadcast %sub3A_311 : i32 to vector<16xi32>
    %sub3A_313 = arith.subi %sub3A_312, %iota3A : vector<16xi32>
    %max3A_314 = arith.constant 0 : i32
    %max3A_315 = vector.broadcast %max3A_314 : i32 to vector<16xi32>
    %max3A_316 = arith.maxsi %sub3A_313, %max3A_315 : vector<16xi32>
    %swap3A_317 = arith.constant 320 : index
    %swap3A_318 = tpu.vector_load %arg4[%swap3A_317] {strides = array<i32>} : memref<656xi32, #tpu.memory_space<vmem>>, vector<16xi32>,
    %swap3A_319 = vector.shape_cast %swap3A_318 : vector<16xi32> to vector<16xi32>
    %swap3A_320 = vector.shape_cast %max3A_316 : vector<16xi32> to vector<16xi32>
    tpu.vector_store %arg4[%swap3A_317], %swap3A_320 {strides = array<i32>} : memref<656xi32, #tpu.memory_space<vmem>>, vector<16xi32>,
    %sub3A_321 = arith.constant 336 : i32
    %sub3A_322 = arith.subi %add3A_89, %sub3A_321 : i32
    %sub3A_323 = vector.broadcast %sub3A_322 : i32 to vector<16xi32>
    %sub3A_324 = arith.subi %sub3A_323, %iota3A : vector<16xi32>
    %max3A_325 = arith.constant 0 : i32
    %max3A_326 = vector.broadcast %max3A_325 : i32 to vector<16xi32>
    %max3A_327 = arith.maxsi %sub3A_324, %max3A_326 : vector<16xi32>
    %swap3A_328 = arith.constant 336 : index
    %swap3A_329 = tpu.vector_load %arg4[%swap3A_328] {strides = array<i32>} : memref<656xi32, #tpu.memory_space<vmem>>, vector<16xi32>,
    %swap3A_330 = vector.shape_cast %swap3A_329 : vector<16xi32> to vector<16xi32>
    %swap3A_331 = vector.shape_cast %max3A_327 : vector<16xi32> to vector<16xi32>
    tpu.vector_store %arg4[%swap3A_328], %swap3A_331 {strides = array<i32>} : memref<656xi32, #tpu.memory_space<vmem>>, vector<16xi32>,
    %sub3A_332 = arith.constant 352 : i32
    %sub3A_333 = arith.subi %add3A_89, %sub3A_332 : i32
    %sub3A_334 = vector.broadcast %sub3A_333 : i32 to vector<16xi32>
    %sub3A_335 = arith.subi %sub3A_334, %iota3A : vector<16xi32>
    %max3A_336 = arith.constant 0 : i32
    %max3A_337 = vector.broadcast %max3A_336 : i32 to vector<16xi32>
    %max3A_338 = arith.maxsi %sub3A_335, %max3A_337 : vector<16xi32>
    %swap3A_339 = arith.constant 352 : index
    %swap3A_340 = tpu.vector_load %arg4[%swap3A_339] {strides = array<i32>} : memref<656xi32, #tpu.memory_space<vmem>>, vector<16xi32>,
    %swap3A_341 = vector.shape_cast %swap3A_340 : vector<16xi32> to vector<16xi32>
    %swap3A_342 = vector.shape_cast %max3A_338 : vector<16xi32> to vector<16xi32>
    tpu.vector_store %arg4[%swap3A_339], %swap3A_342 {strides = array<i32>} : memref<656xi32, #tpu.memory_space<vmem>>, vector<16xi32>,
    %sub3A_343 = arith.constant 368 : i32
    %sub3A_344 = arith.subi %add3A_89, %sub3A_343 : i32
    %sub3A_345 = vector.broadcast %sub3A_344 : i32 to vector<16xi32>
    %sub3A_346 = arith.subi %sub3A_345, %iota3A : vector<16xi32>
    %max3A_347 = arith.constant 0 : i32
    %max3A_348 = vector.broadcast %max3A_347 : i32 to vector<16xi32>
    %max3A_349 = arith.maxsi %sub3A_346, %max3A_348 : vector<16xi32>
    %swap3A_350 = arith.constant 368 : index
    %swap3A_351 = tpu.vector_load %arg4[%swap3A_350] {strides = array<i32>} : memref<656xi32, #tpu.memory_space<vmem>>, vector<16xi32>,
    %swap3A_352 = vector.shape_cast %swap3A_351 : vector<16xi32> to vector<16xi32>
    %swap3A_353 = vector.shape_cast %max3A_349 : vector<16xi32> to vector<16xi32>
    tpu.vector_store %arg4[%swap3A_350], %swap3A_353 {strides = array<i32>} : memref<656xi32, #tpu.memory_space<vmem>>, vector<16xi32>,
    %sub3A_354 = arith.constant 384 : i32
    %sub3A_355 = arith.subi %add3A_89, %sub3A_354 : i32
    %sub3A_356 = vector.broadcast %sub3A_355 : i32 to vector<16xi32>
    %sub3A_357 = arith.subi %sub3A_356, %iota3A : vector<16xi32>
    %max3A_358 = arith.constant 0 : i32
    %max3A_359 = vector.broadcast %max3A_358 : i32 to vector<16xi32>
    %max3A_360 = arith.maxsi %sub3A_357, %max3A_359 : vector<16xi32>
    %swap3A_361 = arith.constant 384 : index
    %swap3A_362 = tpu.vector_load %arg4[%swap3A_361] {strides = array<i32>} : memref<656xi32, #tpu.memory_space<vmem>>, vector<16xi32>,
    %swap3A_363 = vector.shape_cast %swap3A_362 : vector<16xi32> to vector<16xi32>
    %swap3A_364 = vector.shape_cast %max3A_360 : vector<16xi32> to vector<16xi32>
    tpu.vector_store %arg4[%swap3A_361], %swap3A_364 {strides = array<i32>} : memref<656xi32, #tpu.memory_space<vmem>>, vector<16xi32>,
    %sub3A_365 = arith.constant 400 : i32
    %sub3A_366 = arith.subi %add3A_89, %sub3A_365 : i32
    %sub3A_367 = vector.broadcast %sub3A_366 : i32 to vector<16xi32>
    %sub3A_368 = arith.subi %sub3A_367, %iota3A : vector<16xi32>
    %max3A_369 = arith.constant 0 : i32
    %max3A_370 = vector.broadcast %max3A_369 : i32 to vector<16xi32>
    %max3A_371 = arith.maxsi %sub3A_368, %max3A_370 : vector<16xi32>
    %swap3A_372 = arith.constant 400 : index
    %swap3A_373 = tpu.vector_load %arg4[%swap3A_372] {strides = array<i32>} : memref<656xi32, #tpu.memory_space<vmem>>, vector<16xi32>,
    %swap3A_374 = vector.shape_cast %swap3A_373 : vector<16xi32> to vector<16xi32>
    %swap3A_375 = vector.shape_cast %max3A_371 : vector<16xi32> to vector<16xi32>
    tpu.vector_store %arg4[%swap3A_372], %swap3A_375 {strides = array<i32>} : memref<656xi32, #tpu.memory_space<vmem>>, vector<16xi32>,
    %sub3A_376 = arith.constant 416 : i32
    %sub3A_377 = arith.subi %add3A_89, %sub3A_376 : i32
    %sub3A_378 = vector.broadcast %sub3A_377 : i32 to vector<16xi32>
    %sub3A_379 = arith.subi %sub3A_378, %iota3A : vector<16xi32>
    %max3A_380 = arith.constant 0 : i32
    %max3A_381 = vector.broadcast %max3A_380 : i32 to vector<16xi32>
    %max3A_382 = arith.maxsi %sub3A_379, %max3A_381 : vector<16xi32>
    %swap3A_383 = arith.constant 416 : index
    %swap3A_384 = tpu.vector_load %arg4[%swap3A_383] {strides = array<i32>} : memref<656xi32, #tpu.memory_space<vmem>>, vector<16xi32>,
    %swap3A_385 = vector.shape_cast %swap3A_384 : vector<16xi32> to vector<16xi32>
    %swap3A_386 = vector.shape_cast %max3A_382 : vector<16xi32> to vector<16xi32>
    tpu.vector_store %arg4[%swap3A_383], %swap3A_386 {strides = array<i32>} : memref<656xi32, #tpu.memory_space<vmem>>, vector<16xi32>,
    %sub3A_387 = arith.constant 432 : i32
    %sub3A_388 = arith.subi %add3A_89, %sub3A_387 : i32
    %sub3A_389 = vector.broadcast %sub3A_388 : i32 to vector<16xi32>
    %sub3A_390 = arith.subi %sub3A_389, %iota3A : vector<16xi32>
    %max3A_391 = arith.constant 0 : i32
    %max3A_392 = vector.broadcast %max3A_391 : i32 to vector<16xi32>
    %max3A_393 = arith.maxsi %sub3A_390, %max3A_392 : vector<16xi32>
    %swap3A_394 = arith.constant 432 : index
    %swap3A_395 = tpu.vector_load %arg4[%swap3A_394] {strides = array<i32>} : memref<656xi32, #tpu.memory_space<vmem>>, vector<16xi32>,
    %swap3A_396 = vector.shape_cast %swap3A_395 : vector<16xi32> to vector<16xi32>
    %swap3A_397 = vector.shape_cast %max3A_393 : vector<16xi32> to vector<16xi32>
    tpu.vector_store %arg4[%swap3A_394], %swap3A_397 {strides = array<i32>} : memref<656xi32, #tpu.memory_space<vmem>>, vector<16xi32>,
    %sub3A_398 = arith.constant 448 : i32
    %sub3A_399 = arith.subi %add3A_89, %sub3A_398 : i32
    %sub3A_400 = vector.broadcast %sub3A_399 : i32 to vector<16xi32>
    %sub3A_401 = arith.subi %sub3A_400, %iota3A : vector<16xi32>
    %max3A_402 = arith.constant 0 : i32
    %max3A_403 = vector.broadcast %max3A_402 : i32 to vector<16xi32>
    %max3A_404 = arith.maxsi %sub3A_401, %max3A_403 : vector<16xi32>
    %swap3A_405 = arith.constant 448 : index
    %swap3A_406 = tpu.vector_load %arg4[%swap3A_405] {strides = array<i32>} : memref<656xi32, #tpu.memory_space<vmem>>, vector<16xi32>,
    %swap3A_407 = vector.shape_cast %swap3A_406 : vector<16xi32> to vector<16xi32>
    %swap3A_408 = vector.shape_cast %max3A_404 : vector<16xi32> to vector<16xi32>
    tpu.vector_store %arg4[%swap3A_405], %swap3A_408 {strides = array<i32>} : memref<656xi32, #tpu.memory_space<vmem>>, vector<16xi32>,
    %sub3A_409 = arith.constant 464 : i32
    %sub3A_410 = arith.subi %add3A_89, %sub3A_409 : i32
    %sub3A_411 = vector.broadcast %sub3A_410 : i32 to vector<16xi32>
    %sub3A_412 = arith.subi %sub3A_411, %iota3A : vector<16xi32>
    %max3A_413 = arith.constant 0 : i32
    %max3A_414 = vector.broadcast %max3A_413 : i32 to vector<16xi32>
    %max3A_415 = arith.maxsi %sub3A_412, %max3A_414 : vector<16xi32>
    %swap3A_416 = arith.constant 464 : index
    %swap3A_417 = tpu.vector_load %arg4[%swap3A_416] {strides = array<i32>} : memref<656xi32, #tpu.memory_space<vmem>>, vector<16xi32>,
    %swap3A_418 = vector.shape_cast %swap3A_417 : vector<16xi32> to vector<16xi32>
    %swap3A_419 = vector.shape_cast %max3A_415 : vector<16xi32> to vector<16xi32>
    tpu.vector_store %arg4[%swap3A_416], %swap3A_419 {strides = array<i32>} : memref<656xi32, #tpu.memory_space<vmem>>, vector<16xi32>,
    %sub3A_420 = arith.constant 480 : i32
    %sub3A_421 = arith.subi %add3A_89, %sub3A_420 : i32
    %sub3A_422 = vector.broadcast %sub3A_421 : i32 to vector<16xi32>
    %sub3A_423 = arith.subi %sub3A_422, %iota3A : vector<16xi32>
    %max3A_424 = arith.constant 0 : i32
    %max3A_425 = vector.broadcast %max3A_424 : i32 to vector<16xi32>
    %max3A_426 = arith.maxsi %sub3A_423, %max3A_425 : vector<16xi32>
    %swap3A_427 = arith.constant 480 : index
    %swap3A_428 = tpu.vector_load %arg4[%swap3A_427] {strides = array<i32>} : memref<656xi32, #tpu.memory_space<vmem>>, vector<16xi32>,
    %swap3A_429 = vector.shape_cast %swap3A_428 : vector<16xi32> to vector<16xi32>
    %swap3A_430 = vector.shape_cast %max3A_426 : vector<16xi32> to vector<16xi32>
    tpu.vector_store %arg4[%swap3A_427], %swap3A_430 {strides = array<i32>} : memref<656xi32, #tpu.memory_space<vmem>>, vector<16xi32>,
    %sub3A_431 = arith.constant 496 : i32
    %sub3A_432 = arith.subi %add3A_89, %sub3A_431 : i32
    %sub3A_433 = vector.broadcast %sub3A_432 : i32 to vector<16xi32>
    %sub3A_434 = arith.subi %sub3A_433, %iota3A : vector<16xi32>
    %max3A_435 = arith.constant 0 : i32
    %max3A_436 = vector.broadcast %max3A_435 : i32 to vector<16xi32>
    %max3A_437 = arith.maxsi %sub3A_434, %max3A_436 : vector<16xi32>
    %swap3A_438 = arith.constant 496 : index
    %swap3A_439 = tpu.vector_load %arg4[%swap3A_438] {strides = array<i32>} : memref<656xi32, #tpu.memory_space<vmem>>, vector<16xi32>,
    %swap3A_440 = vector.shape_cast %swap3A_439 : vector<16xi32> to vector<16xi32>
    %swap3A_441 = vector.shape_cast %max3A_437 : vector<16xi32> to vector<16xi32>
    tpu.vector_store %arg4[%swap3A_438], %swap3A_441 {strides = array<i32>} : memref<656xi32, #tpu.memory_space<vmem>>, vector<16xi32>,
    %sub3A_442 = arith.constant 512 : i32
    %sub3A_443 = arith.subi %add3A_89, %sub3A_442 : i32
    %sub3A_444 = vector.broadcast %sub3A_443 : i32 to vector<16xi32>
    %sub3A_445 = arith.subi %sub3A_444, %iota3A : vector<16xi32>
    %max3A_446 = arith.constant 0 : i32
    %max3A_447 = vector.broadcast %max3A_446 : i32 to vector<16xi32>
    %max3A_448 = arith.maxsi %sub3A_445, %max3A_447 : vector<16xi32>
    %swap3A_449 = arith.constant 512 : index
    %swap3A_450 = tpu.vector_load %arg4[%swap3A_449] {strides = array<i32>} : memref<656xi32, #tpu.memory_space<vmem>>, vector<16xi32>,
    %swap3A_451 = vector.shape_cast %swap3A_450 : vector<16xi32> to vector<16xi32>
    %swap3A_452 = vector.shape_cast %max3A_448 : vector<16xi32> to vector<16xi32>
    tpu.vector_store %arg4[%swap3A_449], %swap3A_452 {strides = array<i32>} : memref<656xi32, #tpu.memory_space<vmem>>, vector<16xi32>,
    %sub3A_453 = arith.constant 528 : i32
    %sub3A_454 = arith.subi %add3A_89, %sub3A_453 : i32
    %sub3A_455 = vector.broadcast %sub3A_454 : i32 to vector<16xi32>
    %sub3A_456 = arith.subi %sub3A_455, %iota3A : vector<16xi32>
    %max3A_457 = arith.constant 0 : i32
    %max3A_458 = vector.broadcast %max3A_457 : i32 to vector<16xi32>
    %max3A_459 = arith.maxsi %sub3A_456, %max3A_458 : vector<16xi32>
    %swap3A_460 = arith.constant 528 : index
    %swap3A_461 = tpu.vector_load %arg4[%swap3A_460] {strides = array<i32>} : memref<656xi32, #tpu.memory_space<vmem>>, vector<16xi32>,
    %swap3A_462 = vector.shape_cast %swap3A_461 : vector<16xi32> to vector<16xi32>
    %swap3A_463 = vector.shape_cast %max3A_459 : vector<16xi32> to vector<16xi32>
    tpu.vector_store %arg4[%swap3A_460], %swap3A_463 {strides = array<i32>} : memref<656xi32, #tpu.memory_space<vmem>>, vector<16xi32>,
    %sub3A_464 = arith.constant 544 : i32
    %sub3A_465 = arith.subi %add3A_89, %sub3A_464 : i32
    %sub3A_466 = vector.broadcast %sub3A_465 : i32 to vector<16xi32>
    %sub3A_467 = arith.subi %sub3A_466, %iota3A : vector<16xi32>
    %max3A_468 = arith.constant 0 : i32
    %max3A_469 = vector.broadcast %max3A_468 : i32 to vector<16xi32>
    %max3A_470 = arith.maxsi %sub3A_467, %max3A_469 : vector<16xi32>
    %swap3A_471 = arith.constant 544 : index
    %swap3A_472 = tpu.vector_load %arg4[%swap3A_471] {strides = array<i32>} : memref<656xi32, #tpu.memory_space<vmem>>, vector<16xi32>,
    %swap3A_473 = vector.shape_cast %swap3A_472 : vector<16xi32> to vector<16xi32>
    %swap3A_474 = vector.shape_cast %max3A_470 : vector<16xi32> to vector<16xi32>
    tpu.vector_store %arg4[%swap3A_471], %swap3A_474 {strides = array<i32>} : memref<656xi32, #tpu.memory_space<vmem>>, vector<16xi32>,
    %sub3A_475 = arith.constant 560 : i32
    %sub3A_476 = arith.subi %add3A_89, %sub3A_475 : i32
    %sub3A_477 = vector.broadcast %sub3A_476 : i32 to vector<16xi32>
    %sub3A_478 = arith.subi %sub3A_477, %iota3A : vector<16xi32>
    %max3A_479 = arith.constant 0 : i32
    %max3A_480 = vector.broadcast %max3A_479 : i32 to vector<16xi32>
    %max3A_481 = arith.maxsi %sub3A_478, %max3A_480 : vector<16xi32>
    %swap3A_482 = arith.constant 560 : index
    %swap3A_483 = tpu.vector_load %arg4[%swap3A_482] {strides = array<i32>} : memref<656xi32, #tpu.memory_space<vmem>>, vector<16xi32>,
    %swap3A_484 = vector.shape_cast %swap3A_483 : vector<16xi32> to vector<16xi32>
    %swap3A_485 = vector.shape_cast %max3A_481 : vector<16xi32> to vector<16xi32>
    tpu.vector_store %arg4[%swap3A_482], %swap3A_485 {strides = array<i32>} : memref<656xi32, #tpu.memory_space<vmem>>, vector<16xi32>,
    %sub3A_486 = arith.constant 576 : i32
    %sub3A_487 = arith.subi %add3A_89, %sub3A_486 : i32
    %sub3A_488 = vector.broadcast %sub3A_487 : i32 to vector<16xi32>
    %sub3A_489 = arith.subi %sub3A_488, %iota3A : vector<16xi32>
    %max3A_490 = arith.constant 0 : i32
    %max3A_491 = vector.broadcast %max3A_490 : i32 to vector<16xi32>
    %max3A_492 = arith.maxsi %sub3A_489, %max3A_491 : vector<16xi32>
    %swap3A_493 = arith.constant 576 : index
    %swap3A_494 = tpu.vector_load %arg4[%swap3A_493] {strides = array<i32>} : memref<656xi32, #tpu.memory_space<vmem>>, vector<16xi32>,
    %swap3A_495 = vector.shape_cast %swap3A_494 : vector<16xi32> to vector<16xi32>
    %swap3A_496 = vector.shape_cast %max3A_492 : vector<16xi32> to vector<16xi32>
    tpu.vector_store %arg4[%swap3A_493], %swap3A_496 {strides = array<i32>} : memref<656xi32, #tpu.memory_space<vmem>>, vector<16xi32>,
    %sub3A_497 = arith.constant 592 : i32
    %sub3A_498 = arith.subi %add3A_89, %sub3A_497 : i32
    %sub3A_499 = vector.broadcast %sub3A_498 : i32 to vector<16xi32>
    %sub3A_500 = arith.subi %sub3A_499, %iota3A : vector<16xi32>
    %max3A_501 = arith.constant 0 : i32
    %max3A_502 = vector.broadcast %max3A_501 : i32 to vector<16xi32>
    %max3A_503 = arith.maxsi %sub3A_500, %max3A_502 : vector<16xi32>
    %swap3A_504 = arith.constant 592 : index
    %swap3A_505 = tpu.vector_load %arg4[%swap3A_504] {strides = array<i32>} : memref<656xi32, #tpu.memory_space<vmem>>, vector<16xi32>,
    %swap3A_506 = vector.shape_cast %swap3A_505 : vector<16xi32> to vector<16xi32>
    %swap3A_507 = vector.shape_cast %max3A_503 : vector<16xi32> to vector<16xi32>
    tpu.vector_store %arg4[%swap3A_504], %swap3A_507 {strides = array<i32>} : memref<656xi32, #tpu.memory_space<vmem>>, vector<16xi32>,
    %sub3A_508 = arith.constant 608 : i32
    %sub3A_509 = arith.subi %add3A_89, %sub3A_508 : i32
    %sub3A_510 = vector.broadcast %sub3A_509 : i32 to vector<16xi32>
    %sub3A_511 = arith.subi %sub3A_510, %iota3A : vector<16xi32>
    %max3A_512 = arith.constant 0 : i32
    %max3A_513 = vector.broadcast %max3A_512 : i32 to vector<16xi32>
    %max3A_514 = arith.maxsi %sub3A_511, %max3A_513 : vector<16xi32>
    %swap3A_515 = arith.constant 608 : index
    %swap3A_516 = tpu.vector_load %arg4[%swap3A_515] {strides = array<i32>} : memref<656xi32, #tpu.memory_space<vmem>>, vector<16xi32>,
    %swap3A_517 = vector.shape_cast %swap3A_516 : vector<16xi32> to vector<16xi32>
    %swap3A_518 = vector.shape_cast %max3A_514 : vector<16xi32> to vector<16xi32>
    tpu.vector_store %arg4[%swap3A_515], %swap3A_518 {strides = array<i32>} : memref<656xi32, #tpu.memory_space<vmem>>, vector<16xi32>,
    %sub3A_519 = arith.constant 624 : i32
    %sub3A_520 = arith.subi %add3A_89, %sub3A_519 : i32
    %sub3A_521 = vector.broadcast %sub3A_520 : i32 to vector<16xi32>
    %sub3A_522 = arith.subi %sub3A_521, %iota3A : vector<16xi32>
    %max3A_523 = arith.constant 0 : i32
    %max3A_524 = vector.broadcast %max3A_523 : i32 to vector<16xi32>
    %max3A_525 = arith.maxsi %sub3A_522, %max3A_524 : vector<16xi32>
    %swap3A_526 = arith.constant 624 : index
    %swap3A_527 = tpu.vector_load %arg4[%swap3A_526] {strides = array<i32>} : memref<656xi32, #tpu.memory_space<vmem>>, vector<16xi32>,
    %swap3A_528 = vector.shape_cast %swap3A_527 : vector<16xi32> to vector<16xi32>
    %swap3A_529 = vector.shape_cast %max3A_525 : vector<16xi32> to vector<16xi32>
    tpu.vector_store %arg4[%swap3A_526], %swap3A_529 {strides = array<i32>} : memref<656xi32, #tpu.memory_space<vmem>>, vector<16xi32>,
    %sub3A_530 = arith.constant 640 : i32
    %sub3A_531 = arith.subi %add3A_89, %sub3A_530 : i32
    %sub3A_532 = vector.broadcast %sub3A_531 : i32 to vector<16xi32>
    %sub3A_533 = arith.subi %sub3A_532, %iota3A : vector<16xi32>
    %max3A_534 = arith.constant 0 : i32
    %max3A_535 = vector.broadcast %max3A_534 : i32 to vector<16xi32>
    %max3A_536 = arith.maxsi %sub3A_533, %max3A_535 : vector<16xi32>
    %swap3A_537 = arith.constant 640 : index
    %swap3A_538 = tpu.vector_load %arg4[%swap3A_537] {strides = array<i32>} : memref<656xi32, #tpu.memory_space<vmem>>, vector<16xi32>,
    %swap3A_539 = vector.shape_cast %swap3A_538 : vector<16xi32> to vector<16xi32>
    %swap3A_540 = vector.shape_cast %max3A_536 : vector<16xi32> to vector<16xi32>
    tpu.vector_store %arg4[%swap3A_537], %swap3A_540 {strides = array<i32>} : memref<656xi32, #tpu.memory_space<vmem>>, vector<16xi32>,
    %dma_start3A_541 = arith.constant 0 : i32
    %dma_start3A_542 = tpu.memref_slice %arg4[%dma_start3A_541] : memref<656xi32, #tpu.memory_space<vmem>> -> memref<656xi32, #tpu.memory_space<vmem>>
    %dma_start3A_543 = arith.constant 0 : i32
    %dma_start3A_544 = arith.constant 0 : i32
    %dma_start3A_545 = tpu.memref_slice %arg2[%dma_start3A_543, %dma_start3A_544] : memref<2047x128xf32, #tpu.memory_space<hbm>> -> memref<2047x128xf32, #tpu.memory_space<hbm>>
    tpu.enqueue_indirect_dma source(%dma_start3A_545 : memref<2047x128xf32, #tpu.memory_space<hbm>>) target(%arg5 : memref<656x128xf32, #tpu.memory_space<vmem>>) offsets(%dma_start3A_542 : memref<656xi32, #tpu.memory_space<vmem>>) semaphore(%arg8 : memref<!tpu.dma_semaphore, #tpu.memory_space<semaphore_mem>>)
    %dma_wait3A_546 = arith.constant 0 : i32
    %dma_wait3A_547 = tpu.memref_slice %arg4[%dma_wait3A_546] : memref<656xi32, #tpu.memory_space<vmem>> -> memref<656xi32, #tpu.memory_space<vmem>>
    %dma_wait3A_548 = arith.constant 0 : i32
    %dma_wait3A_549 = arith.constant 0 : i32
    %dma_wait3A_550 = tpu.memref_slice %arg2[%dma_wait3A_548, %dma_wait3A_549] : memref<2047x128xf32, #tpu.memory_space<hbm>> -> memref<2047x128xf32, #tpu.memory_space<hbm>>
    tpu.wait_indirect_dma semaphore(%arg8 : memref<!tpu.dma_semaphore, #tpu.memory_space<semaphore_mem>>) src(%dma_wait3A_550 : memref<2047x128xf32, #tpu.memory_space<hbm>>) dst(%arg5 : memref<656x128xf32, #tpu.memory_space<vmem>>)
    %barrier3A = arith.constant 0 : index
    tpu.barrier barrier_id(%barrier3A)
    %add3A_551 = arith.constant 0 : i32
    %add3A_552 = arith.addi %add3A, %add3A_551 : i32
    %dma_start3A_553 = arith.constant 31 : i32
    %dma_start3A_554 = arith.constant 0 : i32
    %dma_start3A_555 = tpu.memref_slice %arg5[%dma_start3A_553, %dma_start3A_554] : memref<656x128xf32, #tpu.memory_space<vmem>> -> memref<624x128xf32, #tpu.memory_space<vmem>>
    %dma_start3A_556 = arith.constant 0 : i32
    %dma_start3A_557 = arith.constant 0 : i32
    %dma_start3A_558 = tpu.memref_slice %arg3[%add3A_552, %dma_start3A_556, %dma_start3A_557] : memref<1024x1024x128xf32, #tpu.memory_space<hbm>> -> memref<1x624x128xf32, #tpu.memory_space<hbm>>
    %dma_start3A_559 = tpu.memref_squeeze %dma_start3A_558 : memref<1x624x128xf32, #tpu.memory_space<hbm>> -> memref<624x128xf32, #tpu.memory_space<hbm>>
    %dma_start3A_560 = arith.constant 0 : i32
    %dma_start3A_561 = arith.constant 0 : i32
    %dma_start3A_562 = tpu.memref_slice %arg3[%add3A_552, %dma_start3A_560, %dma_start3A_561] : memref<1024x1024x128xf32, #tpu.memory_space<hbm>> -> memref<1x624x128xf32, #tpu.memory_space<hbm>>
    %dma_start3A_563 = tpu.memref_squeeze %dma_start3A_562 : memref<1x624x128xf32, #tpu.memory_space<hbm>> -> memref<624x128xf32, #tpu.memory_space<hbm>>
    %dma_start3A_564 = arith.constant 31 : i32
    %dma_start3A_565 = arith.constant 0 : i32
    %dma_start3A_566 = tpu.memref_slice %arg5[%dma_start3A_564, %dma_start3A_565] : memref<656x128xf32, #tpu.memory_space<vmem>> -> memref<624x128xf32, #tpu.memory_space<vmem>>
    tpu.enqueue_dma source(%dma_start3A_566 : memref<624x128xf32, #tpu.memory_space<vmem>>) target(%dma_start3A_563 : memref<624x128xf32, #tpu.memory_space<hbm>>) target_semaphore(%arg9 : memref<!tpu.dma_semaphore, #tpu.memory_space<semaphore_mem>>)
    %sub3A_567 = arith.subi %add3A, %mul3A_0 : i32
    %add3A_568 = arith.constant 0 : i32
    %add3A_569 = arith.addi %sub3A_567, %add3A_568 : i32
    %sub3A_570 = arith.constant 511 : i32
    %sub3A_571 = arith.subi %sub3A_570, %add3A_569 : i32
    %add3A_572 = arith.constant 624 : i32
    %add3A_573 = arith.addi %sub3A_571, %add3A_572 : i32
    %add3A_574 = arith.constant 0 : i32
    %add3A_575 = arith.addi %add3A, %add3A_574 : i32
    %dma_start3A_576 = arith.constant 624 : i32
    %dma_start3A_577 = arith.constant 0 : i32
    %dma_start3A_578 = tpu.memref_slice %arg3[%add3A_575, %dma_start3A_576, %dma_start3A_577] : memref<1024x1024x128xf32, #tpu.memory_space<hbm>> -> memref<1x400x128xf32, #tpu.memory_space<hbm>>
    %dma_start3A_579 = tpu.memref_squeeze %dma_start3A_578 : memref<1x400x128xf32, #tpu.memory_space<hbm>> -> memref<400x128xf32, #tpu.memory_space<hbm>>
    %dma_start3A_580 = arith.constant 0 : i32
    %dma_start3A_581 = tpu.memref_slice %arg7[%add3A_573, %dma_start3A_580] : memref<1536x128xf32, #tpu.memory_space<vmem_shared>> -> memref<400x128xf32, #tpu.memory_space<vmem_shared>>
    tpu.enqueue_dma source(%dma_start3A_581 : memref<400x128xf32, #tpu.memory_space<vmem_shared>>) target(%dma_start3A_579 : memref<400x128xf32, #tpu.memory_space<hbm>>) target_semaphore(%arg10 : memref<!tpu.dma_semaphore, #tpu.memory_space<semaphore_mem>>)
    %add3A_582 = arith.constant 1 : i32
    %add3A_583 = arith.addi %add3A, %add3A_582 : i32
    %dma_start3A_584 = arith.constant 30 : i32
    %dma_start3A_585 = arith.constant 0 : i32
    %dma_start3A_586 = tpu.memref_slice %arg5[%dma_start3A_584, %dma_start3A_585] : memref<656x128xf32, #tpu.memory_space<vmem>> -> memref<624x128xf32, #tpu.memory_space<vmem>>
    %dma_start3A_587 = arith.constant 0 : i32
    %dma_start3A_588 = arith.constant 0 : i32
    %dma_start3A_589 = tpu.memref_slice %arg3[%add3A_583, %dma_start3A_587, %dma_start3A_588] : memref<1024x1024x128xf32, #tpu.memory_space<hbm>> -> memref<1x624x128xf32, #tpu.memory_space<hbm>>
    %dma_start3A_590 = tpu.memref_squeeze %dma_start3A_589 : memref<1x624x128xf32, #tpu.memory_space<hbm>> -> memref<624x128xf32, #tpu.memory_space<hbm>>
    %dma_start3A_591 = arith.constant 0 : i32
    %dma_start3A_592 = arith.constant 0 : i32
    %dma_start3A_593 = tpu.memref_slice %arg3[%add3A_583, %dma_start3A_591, %dma_start3A_592] : memref<1024x1024x128xf32, #tpu.memory_space<hbm>> -> memref<1x624x128xf32, #tpu.memory_space<hbm>>
    %dma_start3A_594 = tpu.memref_squeeze %dma_start3A_593 : memref<1x624x128xf32, #tpu.memory_space<hbm>> -> memref<624x128xf32, #tpu.memory_space<hbm>>
    %dma_start3A_595 = arith.constant 30 : i32
    %dma_start3A_596 = arith.constant 0 : i32
    %dma_start3A_597 = tpu.memref_slice %arg5[%dma_start3A_595, %dma_start3A_596] : memref<656x128xf32, #tpu.memory_space<vmem>> -> memref<624x128xf32, #tpu.memory_space<vmem>>
    tpu.enqueue_dma source(%dma_start3A_597 : memref<624x128xf32, #tpu.memory_space<vmem>>) target(%dma_start3A_594 : memref<624x128xf32, #tpu.memory_space<hbm>>) target_semaphore(%arg9 : memref<!tpu.dma_semaphore, #tpu.memory_space<semaphore_mem>>)
    %sub3A_598 = arith.subi %add3A, %mul3A_0 : i32
    %add3A_599 = arith.constant 1 : i32
    %add3A_600 = arith.addi %sub3A_598, %add3A_599 : i32
    %sub3A_601 = arith.constant 511 : i32
    %sub3A_602 = arith.subi %sub3A_601, %add3A_600 : i32
    %add3A_603 = arith.constant 624 : i32
    %add3A_604 = arith.addi %sub3A_602, %add3A_603 : i32
    %add3A_605 = arith.constant 1 : i32
    %add3A_606 = arith.addi %add3A, %add3A_605 : i32
    %dma_start3A_607 = arith.constant 624 : i32
    %dma_start3A_608 = arith.constant 0 : i32
    %dma_start3A_609 = tpu.memref_slice %arg3[%add3A_606, %dma_start3A_607, %dma_start3A_608] : memref<1024x1024x128xf32, #tpu.memory_space<hbm>> -> memref<1x400x128xf32, #tpu.memory_space<hbm>>
    %dma_start3A_610 = tpu.memref_squeeze %dma_start3A_609 : memref<1x400x128xf32, #tpu.memory_space<hbm>> -> memref<400x128xf32, #tpu.memory_space<hbm>>
    %dma_start3A_611 = arith.constant 0 : i32
    %dma_start3A_612 = tpu.memref_slice %arg7[%add3A_604, %dma_start3A_611] : memref<1536x128xf32, #tpu.memory_space<vmem_shared>> -> memref<400x128xf32, #tpu.memory_space<vmem_shared>>
    tpu.enqueue_dma source(%dma_start3A_612 : memref<400x128xf32, #tpu.memory_space<vmem_shared>>) target(%dma_start3A_610 : memref<400x128xf32, #tpu.memory_space<hbm>>) target_semaphore(%arg10 : memref<!tpu.dma_semaphore, #tpu.memory_space<semaphore_mem>>)
    %add3A_613 = arith.constant 2 : i32
    %add3A_614 = arith.addi %add3A, %add3A_613 : i32
    %dma_start3A_615 = arith.constant 29 : i32
    %dma_start3A_616 = arith.constant 0 : i32
    %dma_start3A_617 = tpu.memref_slice %arg5[%dma_start3A_615, %dma_start3A_616] : memref<656x128xf32, #tpu.memory_space<vmem>> -> memref<624x128xf32, #tpu.memory_space<vmem>>
    %dma_start3A_618 = arith.constant 0 : i32
    %dma_start3A_619 = arith.constant 0 : i32
    %dma_start3A_620 = tpu.memref_slice %arg3[%add3A_614, %dma_start3A_618, %dma_start3A_619] : memref<1024x1024x128xf32, #tpu.memory_space<hbm>> -> memref<1x624x128xf32, #tpu.memory_space<hbm>>
    %dma_start3A_621 = tpu.memref_squeeze %dma_start3A_620 : memref<1x624x128xf32, #tpu.memory_space<hbm>> -> memref<624x128xf32, #tpu.memory_space<hbm>>
    %dma_start3A_622 = arith.constant 0 : i32
    %dma_start3A_623 = arith.constant 0 : i32
    %dma_start3A_624 = tpu.memref_slice %arg3[%add3A_614, %dma_start3A_622, %dma_start3A_623] : memref<1024x1024x128xf32, #tpu.memory_space<hbm>> -> memref<1x624x128xf32, #tpu.memory_space<hbm>>
    %dma_start3A_625 = tpu.memref_squeeze %dma_start3A_624 : memref<1x624x128xf32, #tpu.memory_space<hbm>> -> memref<624x128xf32, #tpu.memory_space<hbm>>
    %dma_start3A_626 = arith.constant 29 : i32
    %dma_start3A_627 = arith.constant 0 : i32
    %dma_start3A_628 = tpu.memref_slice %arg5[%dma_start3A_626, %dma_start3A_627] : memref<656x128xf32, #tpu.memory_space<vmem>> -> memref<624x128xf32, #tpu.memory_space<vmem>>
    tpu.enqueue_dma source(%dma_start3A_628 : memref<624x128xf32, #tpu.memory_space<vmem>>) target(%dma_start3A_625 : memref<624x128xf32, #tpu.memory_space<hbm>>) target_semaphore(%arg9 : memref<!tpu.dma_semaphore, #tpu.memory_space<semaphore_mem>>)
    %sub3A_629 = arith.subi %add3A, %mul3A_0 : i32
    %add3A_630 = arith.constant 2 : i32
    %add3A_631 = arith.addi %sub3A_629, %add3A_630 : i32
    %sub3A_632 = arith.constant 511 : i32
    %sub3A_633 = arith.subi %sub3A_632, %add3A_631 : i32
    %add3A_634 = arith.constant 624 : i32
    %add3A_635 = arith.addi %sub3A_633, %add3A_634 : i32
    %add3A_636 = arith.constant 2 : i32
    %add3A_637 = arith.addi %add3A, %add3A_636 : i32
    %dma_start3A_638 = arith.constant 624 : i32
    %dma_start3A_639 = arith.constant 0 : i32
    %dma_start3A_640 = tpu.memref_slice %arg3[%add3A_637, %dma_start3A_638, %dma_start3A_639] : memref<1024x1024x128xf32, #tpu.memory_space<hbm>> -> memref<1x400x128xf32, #tpu.memory_space<hbm>>
    %dma_start3A_641 = tpu.memref_squeeze %dma_start3A_640 : memref<1x400x128xf32, #tpu.memory_space<hbm>> -> memref<400x128xf32, #tpu.memory_space<hbm>>
    %dma_start3A_642 = arith.constant 0 : i32
    %dma_start3A_643 = tpu.memref_slice %arg7[%add3A_635, %dma_start3A_642] : memref<1536x128xf32, #tpu.memory_space<vmem_shared>> -> memref<400x128xf32, #tpu.memory_space<vmem_shared>>
    tpu.enqueue_dma source(%dma_start3A_643 : memref<400x128xf32, #tpu.memory_space<vmem_shared>>) target(%dma_start3A_641 : memref<400x128xf32, #tpu.memory_space<hbm>>) target_semaphore(%arg10 : memref<!tpu.dma_semaphore, #tpu.memory_space<semaphore_mem>>)
    %add3A_644 = arith.constant 3 : i32
    %add3A_645 = arith.addi %add3A, %add3A_644 : i32
    %dma_start3A_646 = arith.constant 28 : i32
    %dma_start3A_647 = arith.constant 0 : i32
    %dma_start3A_648 = tpu.memref_slice %arg5[%dma_start3A_646, %dma_start3A_647] : memref<656x128xf32, #tpu.memory_space<vmem>> -> memref<624x128xf32, #tpu.memory_space<vmem>>
    %dma_start3A_649 = arith.constant 0 : i32
    %dma_start3A_650 = arith.constant 0 : i32
    %dma_start3A_651 = tpu.memref_slice %arg3[%add3A_645, %dma_start3A_649, %dma_start3A_650] : memref<1024x1024x128xf32, #tpu.memory_space<hbm>> -> memref<1x624x128xf32, #tpu.memory_space<hbm>>
    %dma_start3A_652 = tpu.memref_squeeze %dma_start3A_651 : memref<1x624x128xf32, #tpu.memory_space<hbm>> -> memref<624x128xf32, #tpu.memory_space<hbm>>
    %dma_start3A_653 = arith.constant 0 : i32
    %dma_start3A_654 = arith.constant 0 : i32
    %dma_start3A_655 = tpu.memref_slice %arg3[%add3A_645, %dma_start3A_653, %dma_start3A_654] : memref<1024x1024x128xf32, #tpu.memory_space<hbm>> -> memref<1x624x128xf32, #tpu.memory_space<hbm>>
    %dma_start3A_656 = tpu.memref_squeeze %dma_start3A_655 : memref<1x624x128xf32, #tpu.memory_space<hbm>> -> memref<624x128xf32, #tpu.memory_space<hbm>>
    %dma_start3A_657 = arith.constant 28 : i32
    %dma_start3A_658 = arith.constant 0 : i32
    %dma_start3A_659 = tpu.memref_slice %arg5[%dma_start3A_657, %dma_start3A_658] : memref<656x128xf32, #tpu.memory_space<vmem>> -> memref<624x128xf32, #tpu.memory_space<vmem>>
    tpu.enqueue_dma source(%dma_start3A_659 : memref<624x128xf32, #tpu.memory_space<vmem>>) target(%dma_start3A_656 : memref<624x128xf32, #tpu.memory_space<hbm>>) target_semaphore(%arg9 : memref<!tpu.dma_semaphore, #tpu.memory_space<semaphore_mem>>)
    %sub3A_660 = arith.subi %add3A, %mul3A_0 : i32
    %add3A_661 = arith.constant 3 : i32
    %add3A_662 = arith.addi %sub3A_660, %add3A_661 : i32
    %sub3A_663 = arith.constant 511 : i32
    %sub3A_664 = arith.subi %sub3A_663, %add3A_662 : i32
    %add3A_665 = arith.constant 624 : i32
    %add3A_666 = arith.addi %sub3A_664, %add3A_665 : i32
    %add3A_667 = arith.constant 3 : i32
    %add3A_668 = arith.addi %add3A, %add3A_667 : i32
    %dma_start3A_669 = arith.constant 624 : i32
    %dma_start3A_670 = arith.constant 0 : i32
    %dma_start3A_671 = tpu.memref_slice %arg3[%add3A_668, %dma_start3A_669, %dma_start3A_670] : memref<1024x1024x128xf32, #tpu.memory_space<hbm>> -> memref<1x400x128xf32, #tpu.memory_space<hbm>>
    %dma_start3A_672 = tpu.memref_squeeze %dma_start3A_671 : memref<1x400x128xf32, #tpu.memory_space<hbm>> -> memref<400x128xf32, #tpu.memory_space<hbm>>
    %dma_start3A_673 = arith.constant 0 : i32
    %dma_start3A_674 = tpu.memref_slice %arg7[%add3A_666, %dma_start3A_673] : memref<1536x128xf32, #tpu.memory_space<vmem_shared>> -> memref<400x128xf32, #tpu.memory_space<vmem_shared>>
    tpu.enqueue_dma source(%dma_start3A_674 : memref<400x128xf32, #tpu.memory_space<vmem_shared>>) target(%dma_start3A_672 : memref<400x128xf32, #tpu.memory_space<hbm>>) target_semaphore(%arg10 : memref<!tpu.dma_semaphore, #tpu.memory_space<semaphore_mem>>)
    %add3A_675 = arith.constant 4 : i32
    %add3A_676 = arith.addi %add3A, %add3A_675 : i32
    %dma_start3A_677 = arith.constant 27 : i32
    %dma_start3A_678 = arith.constant 0 : i32
    %dma_start3A_679 = tpu.memref_slice %arg5[%dma_start3A_677, %dma_start3A_678] : memref<656x128xf32, #tpu.memory_space<vmem>> -> memref<624x128xf32, #tpu.memory_space<vmem>>
    %dma_start3A_680 = arith.constant 0 : i32
    %dma_start3A_681 = arith.constant 0 : i32
    %dma_start3A_682 = tpu.memref_slice %arg3[%add3A_676, %dma_start3A_680, %dma_start3A_681] : memref<1024x1024x128xf32, #tpu.memory_space<hbm>> -> memref<1x624x128xf32, #tpu.memory_space<hbm>>
    %dma_start3A_683 = tpu.memref_squeeze %dma_start3A_682 : memref<1x624x128xf32, #tpu.memory_space<hbm>> -> memref<624x128xf32, #tpu.memory_space<hbm>>
    %dma_start3A_684 = arith.constant 0 : i32
    %dma_start3A_685 = arith.constant 0 : i32
    %dma_start3A_686 = tpu.memref_slice %arg3[%add3A_676, %dma_start3A_684, %dma_start3A_685] : memref<1024x1024x128xf32, #tpu.memory_space<hbm>> -> memref<1x624x128xf32, #tpu.memory_space<hbm>>
    %dma_start3A_687 = tpu.memref_squeeze %dma_start3A_686 : memref<1x624x128xf32, #tpu.memory_space<hbm>> -> memref<624x128xf32, #tpu.memory_space<hbm>>
    %dma_start3A_688 = arith.constant 27 : i32
    %dma_start3A_689 = arith.constant 0 : i32
    %dma_start3A_690 = tpu.memref_slice %arg5[%dma_start3A_688, %dma_start3A_689] : memref<656x128xf32, #tpu.memory_space<vmem>> -> memref<624x128xf32, #tpu.memory_space<vmem>>
    tpu.enqueue_dma source(%dma_start3A_690 : memref<624x128xf32, #tpu.memory_space<vmem>>) target(%dma_start3A_687 : memref<624x128xf32, #tpu.memory_space<hbm>>) target_semaphore(%arg9 : memref<!tpu.dma_semaphore, #tpu.memory_space<semaphore_mem>>)
    %sub3A_691 = arith.subi %add3A, %mul3A_0 : i32
    %add3A_692 = arith.constant 4 : i32
    %add3A_693 = arith.addi %sub3A_691, %add3A_692 : i32
    %sub3A_694 = arith.constant 511 : i32
    %sub3A_695 = arith.subi %sub3A_694, %add3A_693 : i32
    %add3A_696 = arith.constant 624 : i32
    %add3A_697 = arith.addi %sub3A_695, %add3A_696 : i32
    %add3A_698 = arith.constant 4 : i32
    %add3A_699 = arith.addi %add3A, %add3A_698 : i32
    %dma_start3A_700 = arith.constant 624 : i32
    %dma_start3A_701 = arith.constant 0 : i32
    %dma_start3A_702 = tpu.memref_slice %arg3[%add3A_699, %dma_start3A_700, %dma_start3A_701] : memref<1024x1024x128xf32, #tpu.memory_space<hbm>> -> memref<1x400x128xf32, #tpu.memory_space<hbm>>
    %dma_start3A_703 = tpu.memref_squeeze %dma_start3A_702 : memref<1x400x128xf32, #tpu.memory_space<hbm>> -> memref<400x128xf32, #tpu.memory_space<hbm>>
    %dma_start3A_704 = arith.constant 0 : i32
    %dma_start3A_705 = tpu.memref_slice %arg7[%add3A_697, %dma_start3A_704] : memref<1536x128xf32, #tpu.memory_space<vmem_shared>> -> memref<400x128xf32, #tpu.memory_space<vmem_shared>>
    tpu.enqueue_dma source(%dma_start3A_705 : memref<400x128xf32, #tpu.memory_space<vmem_shared>>) target(%dma_start3A_703 : memref<400x128xf32, #tpu.memory_space<hbm>>) target_semaphore(%arg10 : memref<!tpu.dma_semaphore, #tpu.memory_space<semaphore_mem>>)
    %add3A_706 = arith.constant 5 : i32
    %add3A_707 = arith.addi %add3A, %add3A_706 : i32
    %dma_start3A_708 = arith.constant 26 : i32
    %dma_start3A_709 = arith.constant 0 : i32
    %dma_start3A_710 = tpu.memref_slice %arg5[%dma_start3A_708, %dma_start3A_709] : memref<656x128xf32, #tpu.memory_space<vmem>> -> memref<624x128xf32, #tpu.memory_space<vmem>>
    %dma_start3A_711 = arith.constant 0 : i32
    %dma_start3A_712 = arith.constant 0 : i32
    %dma_start3A_713 = tpu.memref_slice %arg3[%add3A_707, %dma_start3A_711, %dma_start3A_712] : memref<1024x1024x128xf32, #tpu.memory_space<hbm>> -> memref<1x624x128xf32, #tpu.memory_space<hbm>>
    %dma_start3A_714 = tpu.memref_squeeze %dma_start3A_713 : memref<1x624x128xf32, #tpu.memory_space<hbm>> -> memref<624x128xf32, #tpu.memory_space<hbm>>
    %dma_start3A_715 = arith.constant 0 : i32
    %dma_start3A_716 = arith.constant 0 : i32
    %dma_start3A_717 = tpu.memref_slice %arg3[%add3A_707, %dma_start3A_715, %dma_start3A_716] : memref<1024x1024x128xf32, #tpu.memory_space<hbm>> -> memref<1x624x128xf32, #tpu.memory_space<hbm>>
    %dma_start3A_718 = tpu.memref_squeeze %dma_start3A_717 : memref<1x624x128xf32, #tpu.memory_space<hbm>> -> memref<624x128xf32, #tpu.memory_space<hbm>>
    %dma_start3A_719 = arith.constant 26 : i32
    %dma_start3A_720 = arith.constant 0 : i32
    %dma_start3A_721 = tpu.memref_slice %arg5[%dma_start3A_719, %dma_start3A_720] : memref<656x128xf32, #tpu.memory_space<vmem>> -> memref<624x128xf32, #tpu.memory_space<vmem>>
    tpu.enqueue_dma source(%dma_start3A_721 : memref<624x128xf32, #tpu.memory_space<vmem>>) target(%dma_start3A_718 : memref<624x128xf32, #tpu.memory_space<hbm>>) target_semaphore(%arg9 : memref<!tpu.dma_semaphore, #tpu.memory_space<semaphore_mem>>)
    %sub3A_722 = arith.subi %add3A, %mul3A_0 : i32
    %add3A_723 = arith.constant 5 : i32
    %add3A_724 = arith.addi %sub3A_722, %add3A_723 : i32
    %sub3A_725 = arith.constant 511 : i32
    %sub3A_726 = arith.subi %sub3A_725, %add3A_724 : i32
    %add3A_727 = arith.constant 624 : i32
    %add3A_728 = arith.addi %sub3A_726, %add3A_727 : i32
    %add3A_729 = arith.constant 5 : i32
    %add3A_730 = arith.addi %add3A, %add3A_729 : i32
    %dma_start3A_731 = arith.constant 624 : i32
    %dma_start3A_732 = arith.constant 0 : i32
    %dma_start3A_733 = tpu.memref_slice %arg3[%add3A_730, %dma_start3A_731, %dma_start3A_732] : memref<1024x1024x128xf32, #tpu.memory_space<hbm>> -> memref<1x400x128xf32, #tpu.memory_space<hbm>>
    %dma_start3A_734 = tpu.memref_squeeze %dma_start3A_733 : memref<1x400x128xf32, #tpu.memory_space<hbm>> -> memref<400x128xf32, #tpu.memory_space<hbm>>
    %dma_start3A_735 = arith.constant 0 : i32
    %dma_start3A_736 = tpu.memref_slice %arg7[%add3A_728, %dma_start3A_735] : memref<1536x128xf32, #tpu.memory_space<vmem_shared>> -> memref<400x128xf32, #tpu.memory_space<vmem_shared>>
    tpu.enqueue_dma source(%dma_start3A_736 : memref<400x128xf32, #tpu.memory_space<vmem_shared>>) target(%dma_start3A_734 : memref<400x128xf32, #tpu.memory_space<hbm>>) target_semaphore(%arg10 : memref<!tpu.dma_semaphore, #tpu.memory_space<semaphore_mem>>)
    %add3A_737 = arith.constant 6 : i32
    %add3A_738 = arith.addi %add3A, %add3A_737 : i32
    %dma_start3A_739 = arith.constant 25 : i32
    %dma_start3A_740 = arith.constant 0 : i32
    %dma_start3A_741 = tpu.memref_slice %arg5[%dma_start3A_739, %dma_start3A_740] : memref<656x128xf32, #tpu.memory_space<vmem>> -> memref<624x128xf32, #tpu.memory_space<vmem>>
    %dma_start3A_742 = arith.constant 0 : i32
    %dma_start3A_743 = arith.constant 0 : i32
    %dma_start3A_744 = tpu.memref_slice %arg3[%add3A_738, %dma_start3A_742, %dma_start3A_743] : memref<1024x1024x128xf32, #tpu.memory_space<hbm>> -> memref<1x624x128xf32, #tpu.memory_space<hbm>>
    %dma_start3A_745 = tpu.memref_squeeze %dma_start3A_744 : memref<1x624x128xf32, #tpu.memory_space<hbm>> -> memref<624x128xf32, #tpu.memory_space<hbm>>
    %dma_start3A_746 = arith.constant 0 : i32
    %dma_start3A_747 = arith.constant 0 : i32
    %dma_start3A_748 = tpu.memref_slice %arg3[%add3A_738, %dma_start3A_746, %dma_start3A_747] : memref<1024x1024x128xf32, #tpu.memory_space<hbm>> -> memref<1x624x128xf32, #tpu.memory_space<hbm>>
    %dma_start3A_749 = tpu.memref_squeeze %dma_start3A_748 : memref<1x624x128xf32, #tpu.memory_space<hbm>> -> memref<624x128xf32, #tpu.memory_space<hbm>>
    %dma_start3A_750 = arith.constant 25 : i32
    %dma_start3A_751 = arith.constant 0 : i32
    %dma_start3A_752 = tpu.memref_slice %arg5[%dma_start3A_750, %dma_start3A_751] : memref<656x128xf32, #tpu.memory_space<vmem>> -> memref<624x128xf32, #tpu.memory_space<vmem>>
    tpu.enqueue_dma source(%dma_start3A_752 : memref<624x128xf32, #tpu.memory_space<vmem>>) target(%dma_start3A_749 : memref<624x128xf32, #tpu.memory_space<hbm>>) target_semaphore(%arg9 : memref<!tpu.dma_semaphore, #tpu.memory_space<semaphore_mem>>)
    %sub3A_753 = arith.subi %add3A, %mul3A_0 : i32
    %add3A_754 = arith.constant 6 : i32
    %add3A_755 = arith.addi %sub3A_753, %add3A_754 : i32
    %sub3A_756 = arith.constant 511 : i32
    %sub3A_757 = arith.subi %sub3A_756, %add3A_755 : i32
    %add3A_758 = arith.constant 624 : i32
    %add3A_759 = arith.addi %sub3A_757, %add3A_758 : i32
    %add3A_760 = arith.constant 6 : i32
    %add3A_761 = arith.addi %add3A, %add3A_760 : i32
    %dma_start3A_762 = arith.constant 624 : i32
    %dma_start3A_763 = arith.constant 0 : i32
    %dma_start3A_764 = tpu.memref_slice %arg3[%add3A_761, %dma_start3A_762, %dma_start3A_763] : memref<1024x1024x128xf32, #tpu.memory_space<hbm>> -> memref<1x400x128xf32, #tpu.memory_space<hbm>>
    %dma_start3A_765 = tpu.memref_squeeze %dma_start3A_764 : memref<1x400x128xf32, #tpu.memory_space<hbm>> -> memref<400x128xf32, #tpu.memory_space<hbm>>
    %dma_start3A_766 = arith.constant 0 : i32
    %dma_start3A_767 = tpu.memref_slice %arg7[%add3A_759, %dma_start3A_766] : memref<1536x128xf32, #tpu.memory_space<vmem_shared>> -> memref<400x128xf32, #tpu.memory_space<vmem_shared>>
    tpu.enqueue_dma source(%dma_start3A_767 : memref<400x128xf32, #tpu.memory_space<vmem_shared>>) target(%dma_start3A_765 : memref<400x128xf32, #tpu.memory_space<hbm>>) target_semaphore(%arg10 : memref<!tpu.dma_semaphore, #tpu.memory_space<semaphore_mem>>)
    %add3A_768 = arith.constant 7 : i32
    %add3A_769 = arith.addi %add3A, %add3A_768 : i32
    %dma_start3A_770 = arith.constant 24 : i32
    %dma_start3A_771 = arith.constant 0 : i32
    %dma_start3A_772 = tpu.memref_slice %arg5[%dma_start3A_770, %dma_start3A_771] : memref<656x128xf32, #tpu.memory_space<vmem>> -> memref<624x128xf32, #tpu.memory_space<vmem>>
    %dma_start3A_773 = arith.constant 0 : i32
    %dma_start3A_774 = arith.constant 0 : i32
    %dma_start3A_775 = tpu.memref_slice %arg3[%add3A_769, %dma_start3A_773, %dma_start3A_774] : memref<1024x1024x128xf32, #tpu.memory_space<hbm>> -> memref<1x624x128xf32, #tpu.memory_space<hbm>>
    %dma_start3A_776 = tpu.memref_squeeze %dma_start3A_775 : memref<1x624x128xf32, #tpu.memory_space<hbm>> -> memref<624x128xf32, #tpu.memory_space<hbm>>
    %dma_start3A_777 = arith.constant 0 : i32
    %dma_start3A_778 = arith.constant 0 : i32
    %dma_start3A_779 = tpu.memref_slice %arg3[%add3A_769, %dma_start3A_777, %dma_start3A_778] : memref<1024x1024x128xf32, #tpu.memory_space<hbm>> -> memref<1x624x128xf32, #tpu.memory_space<hbm>>
    %dma_start3A_780 = tpu.memref_squeeze %dma_start3A_779 : memref<1x624x128xf32, #tpu.memory_space<hbm>> -> memref<624x128xf32, #tpu.memory_space<hbm>>
    %dma_start3A_781 = arith.constant 24 : i32
    %dma_start3A_782 = arith.constant 0 : i32
    %dma_start3A_783 = tpu.memref_slice %arg5[%dma_start3A_781, %dma_start3A_782] : memref<656x128xf32, #tpu.memory_space<vmem>> -> memref<624x128xf32, #tpu.memory_space<vmem>>
    tpu.enqueue_dma source(%dma_start3A_783 : memref<624x128xf32, #tpu.memory_space<vmem>>) target(%dma_start3A_780 : memref<624x128xf32, #tpu.memory_space<hbm>>) target_semaphore(%arg9 : memref<!tpu.dma_semaphore, #tpu.memory_space<semaphore_mem>>)
    %sub3A_784 = arith.subi %add3A, %mul3A_0 : i32
    %add3A_785 = arith.constant 7 : i32
    %add3A_786 = arith.addi %sub3A_784, %add3A_785 : i32
    %sub3A_787 = arith.constant 511 : i32
    %sub3A_788 = arith.subi %sub3A_787, %add3A_786 : i32
    %add3A_789 = arith.constant 624 : i32
    %add3A_790 = arith.addi %sub3A_788, %add3A_789 : i32
    %add3A_791 = arith.constant 7 : i32
    %add3A_792 = arith.addi %add3A, %add3A_791 : i32
    %dma_start3A_793 = arith.constant 624 : i32
    %dma_start3A_794 = arith.constant 0 : i32
    %dma_start3A_795 = tpu.memref_slice %arg3[%add3A_792, %dma_start3A_793, %dma_start3A_794] : memref<1024x1024x128xf32, #tpu.memory_space<hbm>> -> memref<1x400x128xf32, #tpu.memory_space<hbm>>
    %dma_start3A_796 = tpu.memref_squeeze %dma_start3A_795 : memref<1x400x128xf32, #tpu.memory_space<hbm>> -> memref<400x128xf32, #tpu.memory_space<hbm>>
    %dma_start3A_797 = arith.constant 0 : i32
    %dma_start3A_798 = tpu.memref_slice %arg7[%add3A_790, %dma_start3A_797] : memref<1536x128xf32, #tpu.memory_space<vmem_shared>> -> memref<400x128xf32, #tpu.memory_space<vmem_shared>>
    tpu.enqueue_dma source(%dma_start3A_798 : memref<400x128xf32, #tpu.memory_space<vmem_shared>>) target(%dma_start3A_796 : memref<400x128xf32, #tpu.memory_space<hbm>>) target_semaphore(%arg10 : memref<!tpu.dma_semaphore, #tpu.memory_space<semaphore_mem>>)
    %add3A_799 = arith.constant 8 : i32
    %add3A_800 = arith.addi %add3A, %add3A_799 : i32
    %dma_start3A_801 = arith.constant 23 : i32
    %dma_start3A_802 = arith.constant 0 : i32
    %dma_start3A_803 = tpu.memref_slice %arg5[%dma_start3A_801, %dma_start3A_802] : memref<656x128xf32, #tpu.memory_space<vmem>> -> memref<624x128xf32, #tpu.memory_space<vmem>>
    %dma_start3A_804 = arith.constant 0 : i32
    %dma_start3A_805 = arith.constant 0 : i32
    %dma_start3A_806 = tpu.memref_slice %arg3[%add3A_800, %dma_start3A_804, %dma_start3A_805] : memref<1024x1024x128xf32, #tpu.memory_space<hbm>> -> memref<1x624x128xf32, #tpu.memory_space<hbm>>
    %dma_start3A_807 = tpu.memref_squeeze %dma_start3A_806 : memref<1x624x128xf32, #tpu.memory_space<hbm>> -> memref<624x128xf32, #tpu.memory_space<hbm>>
    %dma_start3A_808 = arith.constant 0 : i32
    %dma_start3A_809 = arith.constant 0 : i32
    %dma_start3A_810 = tpu.memref_slice %arg3[%add3A_800, %dma_start3A_808, %dma_start3A_809] : memref<1024x1024x128xf32, #tpu.memory_space<hbm>> -> memref<1x624x128xf32, #tpu.memory_space<hbm>>
    %dma_start3A_811 = tpu.memref_squeeze %dma_start3A_810 : memref<1x624x128xf32, #tpu.memory_space<hbm>> -> memref<624x128xf32, #tpu.memory_space<hbm>>
    %dma_start3A_812 = arith.constant 23 : i32
    %dma_start3A_813 = arith.constant 0 : i32
    %dma_start3A_814 = tpu.memref_slice %arg5[%dma_start3A_812, %dma_start3A_813] : memref<656x128xf32, #tpu.memory_space<vmem>> -> memref<624x128xf32, #tpu.memory_space<vmem>>
    tpu.enqueue_dma source(%dma_start3A_814 : memref<624x128xf32, #tpu.memory_space<vmem>>) target(%dma_start3A_811 : memref<624x128xf32, #tpu.memory_space<hbm>>) target_semaphore(%arg9 : memref<!tpu.dma_semaphore, #tpu.memory_space<semaphore_mem>>)
    %sub3A_815 = arith.subi %add3A, %mul3A_0 : i32
    %add3A_816 = arith.constant 8 : i32
    %add3A_817 = arith.addi %sub3A_815, %add3A_816 : i32
    %sub3A_818 = arith.constant 511 : i32
    %sub3A_819 = arith.subi %sub3A_818, %add3A_817 : i32
    %add3A_820 = arith.constant 624 : i32
    %add3A_821 = arith.addi %sub3A_819, %add3A_820 : i32
    %add3A_822 = arith.constant 8 : i32
    %add3A_823 = arith.addi %add3A, %add3A_822 : i32
    %dma_start3A_824 = arith.constant 624 : i32
    %dma_start3A_825 = arith.constant 0 : i32
    %dma_start3A_826 = tpu.memref_slice %arg3[%add3A_823, %dma_start3A_824, %dma_start3A_825] : memref<1024x1024x128xf32, #tpu.memory_space<hbm>> -> memref<1x400x128xf32, #tpu.memory_space<hbm>>
    %dma_start3A_827 = tpu.memref_squeeze %dma_start3A_826 : memref<1x400x128xf32, #tpu.memory_space<hbm>> -> memref<400x128xf32, #tpu.memory_space<hbm>>
    %dma_start3A_828 = arith.constant 0 : i32
    %dma_start3A_829 = tpu.memref_slice %arg7[%add3A_821, %dma_start3A_828] : memref<1536x128xf32, #tpu.memory_space<vmem_shared>> -> memref<400x128xf32, #tpu.memory_space<vmem_shared>>
    tpu.enqueue_dma source(%dma_start3A_829 : memref<400x128xf32, #tpu.memory_space<vmem_shared>>) target(%dma_start3A_827 : memref<400x128xf32, #tpu.memory_space<hbm>>) target_semaphore(%arg10 : memref<!tpu.dma_semaphore, #tpu.memory_space<semaphore_mem>>)
    %add3A_830 = arith.constant 9 : i32
    %add3A_831 = arith.addi %add3A, %add3A_830 : i32
    %dma_start3A_832 = arith.constant 22 : i32
    %dma_start3A_833 = arith.constant 0 : i32
    %dma_start3A_834 = tpu.memref_slice %arg5[%dma_start3A_832, %dma_start3A_833] : memref<656x128xf32, #tpu.memory_space<vmem>> -> memref<624x128xf32, #tpu.memory_space<vmem>>
    %dma_start3A_835 = arith.constant 0 : i32
    %dma_start3A_836 = arith.constant 0 : i32
    %dma_start3A_837 = tpu.memref_slice %arg3[%add3A_831, %dma_start3A_835, %dma_start3A_836] : memref<1024x1024x128xf32, #tpu.memory_space<hbm>> -> memref<1x624x128xf32, #tpu.memory_space<hbm>>
    %dma_start3A_838 = tpu.memref_squeeze %dma_start3A_837 : memref<1x624x128xf32, #tpu.memory_space<hbm>> -> memref<624x128xf32, #tpu.memory_space<hbm>>
    %dma_start3A_839 = arith.constant 0 : i32
    %dma_start3A_840 = arith.constant 0 : i32
    %dma_start3A_841 = tpu.memref_slice %arg3[%add3A_831, %dma_start3A_839, %dma_start3A_840] : memref<1024x1024x128xf32, #tpu.memory_space<hbm>> -> memref<1x624x128xf32, #tpu.memory_space<hbm>>
    %dma_start3A_842 = tpu.memref_squeeze %dma_start3A_841 : memref<1x624x128xf32, #tpu.memory_space<hbm>> -> memref<624x128xf32, #tpu.memory_space<hbm>>
    %dma_start3A_843 = arith.constant 22 : i32
    %dma_start3A_844 = arith.constant 0 : i32
    %dma_start3A_845 = tpu.memref_slice %arg5[%dma_start3A_843, %dma_start3A_844] : memref<656x128xf32, #tpu.memory_space<vmem>> -> memref<624x128xf32, #tpu.memory_space<vmem>>
    tpu.enqueue_dma source(%dma_start3A_845 : memref<624x128xf32, #tpu.memory_space<vmem>>) target(%dma_start3A_842 : memref<624x128xf32, #tpu.memory_space<hbm>>) target_semaphore(%arg9 : memref<!tpu.dma_semaphore, #tpu.memory_space<semaphore_mem>>)
    %sub3A_846 = arith.subi %add3A, %mul3A_0 : i32
    %add3A_847 = arith.constant 9 : i32
    %add3A_848 = arith.addi %sub3A_846, %add3A_847 : i32
    %sub3A_849 = arith.constant 511 : i32
    %sub3A_850 = arith.subi %sub3A_849, %add3A_848 : i32
    %add3A_851 = arith.constant 624 : i32
    %add3A_852 = arith.addi %sub3A_850, %add3A_851 : i32
    %add3A_853 = arith.constant 9 : i32
    %add3A_854 = arith.addi %add3A, %add3A_853 : i32
    %dma_start3A_855 = arith.constant 624 : i32
    %dma_start3A_856 = arith.constant 0 : i32
    %dma_start3A_857 = tpu.memref_slice %arg3[%add3A_854, %dma_start3A_855, %dma_start3A_856] : memref<1024x1024x128xf32, #tpu.memory_space<hbm>> -> memref<1x400x128xf32, #tpu.memory_space<hbm>>
    %dma_start3A_858 = tpu.memref_squeeze %dma_start3A_857 : memref<1x400x128xf32, #tpu.memory_space<hbm>> -> memref<400x128xf32, #tpu.memory_space<hbm>>
    %dma_start3A_859 = arith.constant 0 : i32
    %dma_start3A_860 = tpu.memref_slice %arg7[%add3A_852, %dma_start3A_859] : memref<1536x128xf32, #tpu.memory_space<vmem_shared>> -> memref<400x128xf32, #tpu.memory_space<vmem_shared>>
    tpu.enqueue_dma source(%dma_start3A_860 : memref<400x128xf32, #tpu.memory_space<vmem_shared>>) target(%dma_start3A_858 : memref<400x128xf32, #tpu.memory_space<hbm>>) target_semaphore(%arg10 : memref<!tpu.dma_semaphore, #tpu.memory_space<semaphore_mem>>)
    %add3A_861 = arith.constant 10 : i32
    %add3A_862 = arith.addi %add3A, %add3A_861 : i32
    %dma_start3A_863 = arith.constant 21 : i32
    %dma_start3A_864 = arith.constant 0 : i32
    %dma_start3A_865 = tpu.memref_slice %arg5[%dma_start3A_863, %dma_start3A_864] : memref<656x128xf32, #tpu.memory_space<vmem>> -> memref<624x128xf32, #tpu.memory_space<vmem>>
    %dma_start3A_866 = arith.constant 0 : i32
    %dma_start3A_867 = arith.constant 0 : i32
    %dma_start3A_868 = tpu.memref_slice %arg3[%add3A_862, %dma_start3A_866, %dma_start3A_867] : memref<1024x1024x128xf32, #tpu.memory_space<hbm>> -> memref<1x624x128xf32, #tpu.memory_space<hbm>>
    %dma_start3A_869 = tpu.memref_squeeze %dma_start3A_868 : memref<1x624x128xf32, #tpu.memory_space<hbm>> -> memref<624x128xf32, #tpu.memory_space<hbm>>
    %dma_start3A_870 = arith.constant 0 : i32
    %dma_start3A_871 = arith.constant 0 : i32
    %dma_start3A_872 = tpu.memref_slice %arg3[%add3A_862, %dma_start3A_870, %dma_start3A_871] : memref<1024x1024x128xf32, #tpu.memory_space<hbm>> -> memref<1x624x128xf32, #tpu.memory_space<hbm>>
    %dma_start3A_873 = tpu.memref_squeeze %dma_start3A_872 : memref<1x624x128xf32, #tpu.memory_space<hbm>> -> memref<624x128xf32, #tpu.memory_space<hbm>>
    %dma_start3A_874 = arith.constant 21 : i32
    %dma_start3A_875 = arith.constant 0 : i32
    %dma_start3A_876 = tpu.memref_slice %arg5[%dma_start3A_874, %dma_start3A_875] : memref<656x128xf32, #tpu.memory_space<vmem>> -> memref<624x128xf32, #tpu.memory_space<vmem>>
    tpu.enqueue_dma source(%dma_start3A_876 : memref<624x128xf32, #tpu.memory_space<vmem>>) target(%dma_start3A_873 : memref<624x128xf32, #tpu.memory_space<hbm>>) target_semaphore(%arg9 : memref<!tpu.dma_semaphore, #tpu.memory_space<semaphore_mem>>)
    %sub3A_877 = arith.subi %add3A, %mul3A_0 : i32
    %add3A_878 = arith.constant 10 : i32
    %add3A_879 = arith.addi %sub3A_877, %add3A_878 : i32
    %sub3A_880 = arith.constant 511 : i32
    %sub3A_881 = arith.subi %sub3A_880, %add3A_879 : i32
    %add3A_882 = arith.constant 624 : i32
    %add3A_883 = arith.addi %sub3A_881, %add3A_882 : i32
    %add3A_884 = arith.constant 10 : i32
    %add3A_885 = arith.addi %add3A, %add3A_884 : i32
    %dma_start3A_886 = arith.constant 624 : i32
    %dma_start3A_887 = arith.constant 0 : i32
    %dma_start3A_888 = tpu.memref_slice %arg3[%add3A_885, %dma_start3A_886, %dma_start3A_887] : memref<1024x1024x128xf32, #tpu.memory_space<hbm>> -> memref<1x400x128xf32, #tpu.memory_space<hbm>>
    %dma_start3A_889 = tpu.memref_squeeze %dma_start3A_888 : memref<1x400x128xf32, #tpu.memory_space<hbm>> -> memref<400x128xf32, #tpu.memory_space<hbm>>
    %dma_start3A_890 = arith.constant 0 : i32
    %dma_start3A_891 = tpu.memref_slice %arg7[%add3A_883, %dma_start3A_890] : memref<1536x128xf32, #tpu.memory_space<vmem_shared>> -> memref<400x128xf32, #tpu.memory_space<vmem_shared>>
    tpu.enqueue_dma source(%dma_start3A_891 : memref<400x128xf32, #tpu.memory_space<vmem_shared>>) target(%dma_start3A_889 : memref<400x128xf32, #tpu.memory_space<hbm>>) target_semaphore(%arg10 : memref<!tpu.dma_semaphore, #tpu.memory_space<semaphore_mem>>)
    %add3A_892 = arith.constant 11 : i32
    %add3A_893 = arith.addi %add3A, %add3A_892 : i32
    %dma_start3A_894 = arith.constant 20 : i32
    %dma_start3A_895 = arith.constant 0 : i32
    %dma_start3A_896 = tpu.memref_slice %arg5[%dma_start3A_894, %dma_start3A_895] : memref<656x128xf32, #tpu.memory_space<vmem>> -> memref<624x128xf32, #tpu.memory_space<vmem>>
    %dma_start3A_897 = arith.constant 0 : i32
    %dma_start3A_898 = arith.constant 0 : i32
    %dma_start3A_899 = tpu.memref_slice %arg3[%add3A_893, %dma_start3A_897, %dma_start3A_898] : memref<1024x1024x128xf32, #tpu.memory_space<hbm>> -> memref<1x624x128xf32, #tpu.memory_space<hbm>>
    %dma_start3A_900 = tpu.memref_squeeze %dma_start3A_899 : memref<1x624x128xf32, #tpu.memory_space<hbm>> -> memref<624x128xf32, #tpu.memory_space<hbm>>
    %dma_start3A_901 = arith.constant 0 : i32
    %dma_start3A_902 = arith.constant 0 : i32
    %dma_start3A_903 = tpu.memref_slice %arg3[%add3A_893, %dma_start3A_901, %dma_start3A_902] : memref<1024x1024x128xf32, #tpu.memory_space<hbm>> -> memref<1x624x128xf32, #tpu.memory_space<hbm>>
    %dma_start3A_904 = tpu.memref_squeeze %dma_start3A_903 : memref<1x624x128xf32, #tpu.memory_space<hbm>> -> memref<624x128xf32, #tpu.memory_space<hbm>>
    %dma_start3A_905 = arith.constant 20 : i32
    %dma_start3A_906 = arith.constant 0 : i32
    %dma_start3A_907 = tpu.memref_slice %arg5[%dma_start3A_905, %dma_start3A_906] : memref<656x128xf32, #tpu.memory_space<vmem>> -> memref<624x128xf32, #tpu.memory_space<vmem>>
    tpu.enqueue_dma source(%dma_start3A_907 : memref<624x128xf32, #tpu.memory_space<vmem>>) target(%dma_start3A_904 : memref<624x128xf32, #tpu.memory_space<hbm>>) target_semaphore(%arg9 : memref<!tpu.dma_semaphore, #tpu.memory_space<semaphore_mem>>)
    %sub3A_908 = arith.subi %add3A, %mul3A_0 : i32
    %add3A_909 = arith.constant 11 : i32
    %add3A_910 = arith.addi %sub3A_908, %add3A_909 : i32
    %sub3A_911 = arith.constant 511 : i32
    %sub3A_912 = arith.subi %sub3A_911, %add3A_910 : i32
    %add3A_913 = arith.constant 624 : i32
    %add3A_914 = arith.addi %sub3A_912, %add3A_913 : i32
    %add3A_915 = arith.constant 11 : i32
    %add3A_916 = arith.addi %add3A, %add3A_915 : i32
    %dma_start3A_917 = arith.constant 624 : i32
    %dma_start3A_918 = arith.constant 0 : i32
    %dma_start3A_919 = tpu.memref_slice %arg3[%add3A_916, %dma_start3A_917, %dma_start3A_918] : memref<1024x1024x128xf32, #tpu.memory_space<hbm>> -> memref<1x400x128xf32, #tpu.memory_space<hbm>>
    %dma_start3A_920 = tpu.memref_squeeze %dma_start3A_919 : memref<1x400x128xf32, #tpu.memory_space<hbm>> -> memref<400x128xf32, #tpu.memory_space<hbm>>
    %dma_start3A_921 = arith.constant 0 : i32
    %dma_start3A_922 = tpu.memref_slice %arg7[%add3A_914, %dma_start3A_921] : memref<1536x128xf32, #tpu.memory_space<vmem_shared>> -> memref<400x128xf32, #tpu.memory_space<vmem_shared>>
    tpu.enqueue_dma source(%dma_start3A_922 : memref<400x128xf32, #tpu.memory_space<vmem_shared>>) target(%dma_start3A_920 : memref<400x128xf32, #tpu.memory_space<hbm>>) target_semaphore(%arg10 : memref<!tpu.dma_semaphore, #tpu.memory_space<semaphore_mem>>)
    %add3A_923 = arith.constant 12 : i32
    %add3A_924 = arith.addi %add3A, %add3A_923 : i32
    %dma_start3A_925 = arith.constant 19 : i32
    %dma_start3A_926 = arith.constant 0 : i32
    %dma_start3A_927 = tpu.memref_slice %arg5[%dma_start3A_925, %dma_start3A_926] : memref<656x128xf32, #tpu.memory_space<vmem>> -> memref<624x128xf32, #tpu.memory_space<vmem>>
    %dma_start3A_928 = arith.constant 0 : i32
    %dma_start3A_929 = arith.constant 0 : i32
    %dma_start3A_930 = tpu.memref_slice %arg3[%add3A_924, %dma_start3A_928, %dma_start3A_929] : memref<1024x1024x128xf32, #tpu.memory_space<hbm>> -> memref<1x624x128xf32, #tpu.memory_space<hbm>>
    %dma_start3A_931 = tpu.memref_squeeze %dma_start3A_930 : memref<1x624x128xf32, #tpu.memory_space<hbm>> -> memref<624x128xf32, #tpu.memory_space<hbm>>
    %dma_start3A_932 = arith.constant 0 : i32
    %dma_start3A_933 = arith.constant 0 : i32
    %dma_start3A_934 = tpu.memref_slice %arg3[%add3A_924, %dma_start3A_932, %dma_start3A_933] : memref<1024x1024x128xf32, #tpu.memory_space<hbm>> -> memref<1x624x128xf32, #tpu.memory_space<hbm>>
    %dma_start3A_935 = tpu.memref_squeeze %dma_start3A_934 : memref<1x624x128xf32, #tpu.memory_space<hbm>> -> memref<624x128xf32, #tpu.memory_space<hbm>>
    %dma_start3A_936 = arith.constant 19 : i32
    %dma_start3A_937 = arith.constant 0 : i32
    %dma_start3A_938 = tpu.memref_slice %arg5[%dma_start3A_936, %dma_start3A_937] : memref<656x128xf32, #tpu.memory_space<vmem>> -> memref<624x128xf32, #tpu.memory_space<vmem>>
    tpu.enqueue_dma source(%dma_start3A_938 : memref<624x128xf32, #tpu.memory_space<vmem>>) target(%dma_start3A_935 : memref<624x128xf32, #tpu.memory_space<hbm>>) target_semaphore(%arg9 : memref<!tpu.dma_semaphore, #tpu.memory_space<semaphore_mem>>)
    %sub3A_939 = arith.subi %add3A, %mul3A_0 : i32
    %add3A_940 = arith.constant 12 : i32
    %add3A_941 = arith.addi %sub3A_939, %add3A_940 : i32
    %sub3A_942 = arith.constant 511 : i32
    %sub3A_943 = arith.subi %sub3A_942, %add3A_941 : i32
    %add3A_944 = arith.constant 624 : i32
    %add3A_945 = arith.addi %sub3A_943, %add3A_944 : i32
    %add3A_946 = arith.constant 12 : i32
    %add3A_947 = arith.addi %add3A, %add3A_946 : i32
    %dma_start3A_948 = arith.constant 624 : i32
    %dma_start3A_949 = arith.constant 0 : i32
    %dma_start3A_950 = tpu.memref_slice %arg3[%add3A_947, %dma_start3A_948, %dma_start3A_949] : memref<1024x1024x128xf32, #tpu.memory_space<hbm>> -> memref<1x400x128xf32, #tpu.memory_space<hbm>>
    %dma_start3A_951 = tpu.memref_squeeze %dma_start3A_950 : memref<1x400x128xf32, #tpu.memory_space<hbm>> -> memref<400x128xf32, #tpu.memory_space<hbm>>
    %dma_start3A_952 = arith.constant 0 : i32
    %dma_start3A_953 = tpu.memref_slice %arg7[%add3A_945, %dma_start3A_952] : memref<1536x128xf32, #tpu.memory_space<vmem_shared>> -> memref<400x128xf32, #tpu.memory_space<vmem_shared>>
    tpu.enqueue_dma source(%dma_start3A_953 : memref<400x128xf32, #tpu.memory_space<vmem_shared>>) target(%dma_start3A_951 : memref<400x128xf32, #tpu.memory_space<hbm>>) target_semaphore(%arg10 : memref<!tpu.dma_semaphore, #tpu.memory_space<semaphore_mem>>)
    %add3A_954 = arith.constant 13 : i32
    %add3A_955 = arith.addi %add3A, %add3A_954 : i32
    %dma_start3A_956 = arith.constant 18 : i32
    %dma_start3A_957 = arith.constant 0 : i32
    %dma_start3A_958 = tpu.memref_slice %arg5[%dma_start3A_956, %dma_start3A_957] : memref<656x128xf32, #tpu.memory_space<vmem>> -> memref<624x128xf32, #tpu.memory_space<vmem>>
    %dma_start3A_959 = arith.constant 0 : i32
    %dma_start3A_960 = arith.constant 0 : i32
    %dma_start3A_961 = tpu.memref_slice %arg3[%add3A_955, %dma_start3A_959, %dma_start3A_960] : memref<1024x1024x128xf32, #tpu.memory_space<hbm>> -> memref<1x624x128xf32, #tpu.memory_space<hbm>>
    %dma_start3A_962 = tpu.memref_squeeze %dma_start3A_961 : memref<1x624x128xf32, #tpu.memory_space<hbm>> -> memref<624x128xf32, #tpu.memory_space<hbm>>
    %dma_start3A_963 = arith.constant 0 : i32
    %dma_start3A_964 = arith.constant 0 : i32
    %dma_start3A_965 = tpu.memref_slice %arg3[%add3A_955, %dma_start3A_963, %dma_start3A_964] : memref<1024x1024x128xf32, #tpu.memory_space<hbm>> -> memref<1x624x128xf32, #tpu.memory_space<hbm>>
    %dma_start3A_966 = tpu.memref_squeeze %dma_start3A_965 : memref<1x624x128xf32, #tpu.memory_space<hbm>> -> memref<624x128xf32, #tpu.memory_space<hbm>>
    %dma_start3A_967 = arith.constant 18 : i32
    %dma_start3A_968 = arith.constant 0 : i32
    %dma_start3A_969 = tpu.memref_slice %arg5[%dma_start3A_967, %dma_start3A_968] : memref<656x128xf32, #tpu.memory_space<vmem>> -> memref<624x128xf32, #tpu.memory_space<vmem>>
    tpu.enqueue_dma source(%dma_start3A_969 : memref<624x128xf32, #tpu.memory_space<vmem>>) target(%dma_start3A_966 : memref<624x128xf32, #tpu.memory_space<hbm>>) target_semaphore(%arg9 : memref<!tpu.dma_semaphore, #tpu.memory_space<semaphore_mem>>)
    %sub3A_970 = arith.subi %add3A, %mul3A_0 : i32
    %add3A_971 = arith.constant 13 : i32
    %add3A_972 = arith.addi %sub3A_970, %add3A_971 : i32
    %sub3A_973 = arith.constant 511 : i32
    %sub3A_974 = arith.subi %sub3A_973, %add3A_972 : i32
    %add3A_975 = arith.constant 624 : i32
    %add3A_976 = arith.addi %sub3A_974, %add3A_975 : i32
    %add3A_977 = arith.constant 13 : i32
    %add3A_978 = arith.addi %add3A, %add3A_977 : i32
    %dma_start3A_979 = arith.constant 624 : i32
    %dma_start3A_980 = arith.constant 0 : i32
    %dma_start3A_981 = tpu.memref_slice %arg3[%add3A_978, %dma_start3A_979, %dma_start3A_980] : memref<1024x1024x128xf32, #tpu.memory_space<hbm>> -> memref<1x400x128xf32, #tpu.memory_space<hbm>>
    %dma_start3A_982 = tpu.memref_squeeze %dma_start3A_981 : memref<1x400x128xf32, #tpu.memory_space<hbm>> -> memref<400x128xf32, #tpu.memory_space<hbm>>
    %dma_start3A_983 = arith.constant 0 : i32
    %dma_start3A_984 = tpu.memref_slice %arg7[%add3A_976, %dma_start3A_983] : memref<1536x128xf32, #tpu.memory_space<vmem_shared>> -> memref<400x128xf32, #tpu.memory_space<vmem_shared>>
    tpu.enqueue_dma source(%dma_start3A_984 : memref<400x128xf32, #tpu.memory_space<vmem_shared>>) target(%dma_start3A_982 : memref<400x128xf32, #tpu.memory_space<hbm>>) target_semaphore(%arg10 : memref<!tpu.dma_semaphore, #tpu.memory_space<semaphore_mem>>)
    %add3A_985 = arith.constant 14 : i32
    %add3A_986 = arith.addi %add3A, %add3A_985 : i32
    %dma_start3A_987 = arith.constant 17 : i32
    %dma_start3A_988 = arith.constant 0 : i32
    %dma_start3A_989 = tpu.memref_slice %arg5[%dma_start3A_987, %dma_start3A_988] : memref<656x128xf32, #tpu.memory_space<vmem>> -> memref<624x128xf32, #tpu.memory_space<vmem>>
    %dma_start3A_990 = arith.constant 0 : i32
    %dma_start3A_991 = arith.constant 0 : i32
    %dma_start3A_992 = tpu.memref_slice %arg3[%add3A_986, %dma_start3A_990, %dma_start3A_991] : memref<1024x1024x128xf32, #tpu.memory_space<hbm>> -> memref<1x624x128xf32, #tpu.memory_space<hbm>>
    %dma_start3A_993 = tpu.memref_squeeze %dma_start3A_992 : memref<1x624x128xf32, #tpu.memory_space<hbm>> -> memref<624x128xf32, #tpu.memory_space<hbm>>
    %dma_start3A_994 = arith.constant 0 : i32
    %dma_start3A_995 = arith.constant 0 : i32
    %dma_start3A_996 = tpu.memref_slice %arg3[%add3A_986, %dma_start3A_994, %dma_start3A_995] : memref<1024x1024x128xf32, #tpu.memory_space<hbm>> -> memref<1x624x128xf32, #tpu.memory_space<hbm>>
    %dma_start3A_997 = tpu.memref_squeeze %dma_start3A_996 : memref<1x624x128xf32, #tpu.memory_space<hbm>> -> memref<624x128xf32, #tpu.memory_space<hbm>>
    %dma_start3A_998 = arith.constant 17 : i32
    %dma_start3A_999 = arith.constant 0 : i32
    %dma_start3A_1000 = tpu.memref_slice %arg5[%dma_start3A_998, %dma_start3A_999] : memref<656x128xf32, #tpu.memory_space<vmem>> -> memref<624x128xf32, #tpu.memory_space<vmem>>
    tpu.enqueue_dma source(%dma_start3A_1000 : memref<624x128xf32, #tpu.memory_space<vmem>>) target(%dma_start3A_997 : memref<624x128xf32, #tpu.memory_space<hbm>>) target_semaphore(%arg9 : memref<!tpu.dma_semaphore, #tpu.memory_space<semaphore_mem>>)
    %sub3A_1001 = arith.subi %add3A, %mul3A_0 : i32
    %add3A_1002 = arith.constant 14 : i32
    %add3A_1003 = arith.addi %sub3A_1001, %add3A_1002 : i32
    %sub3A_1004 = arith.constant 511 : i32
    %sub3A_1005 = arith.subi %sub3A_1004, %add3A_1003 : i32
    %add3A_1006 = arith.constant 624 : i32
    %add3A_1007 = arith.addi %sub3A_1005, %add3A_1006 : i32
    %add3A_1008 = arith.constant 14 : i32
    %add3A_1009 = arith.addi %add3A, %add3A_1008 : i32
    %dma_start3A_1010 = arith.constant 624 : i32
    %dma_start3A_1011 = arith.constant 0 : i32
    %dma_start3A_1012 = tpu.memref_slice %arg3[%add3A_1009, %dma_start3A_1010, %dma_start3A_1011] : memref<1024x1024x128xf32, #tpu.memory_space<hbm>> -> memref<1x400x128xf32, #tpu.memory_space<hbm>>
    %dma_start3A_1013 = tpu.memref_squeeze %dma_start3A_1012 : memref<1x400x128xf32, #tpu.memory_space<hbm>> -> memref<400x128xf32, #tpu.memory_space<hbm>>
    %dma_start3A_1014 = arith.constant 0 : i32
    %dma_start3A_1015 = tpu.memref_slice %arg7[%add3A_1007, %dma_start3A_1014] : memref<1536x128xf32, #tpu.memory_space<vmem_shared>> -> memref<400x128xf32, #tpu.memory_space<vmem_shared>>
    tpu.enqueue_dma source(%dma_start3A_1015 : memref<400x128xf32, #tpu.memory_space<vmem_shared>>) target(%dma_start3A_1013 : memref<400x128xf32, #tpu.memory_space<hbm>>) target_semaphore(%arg10 : memref<!tpu.dma_semaphore, #tpu.memory_space<semaphore_mem>>)
    %add3A_1016 = arith.constant 15 : i32
    %add3A_1017 = arith.addi %add3A, %add3A_1016 : i32
    %dma_start3A_1018 = arith.constant 16 : i32
    %dma_start3A_1019 = arith.constant 0 : i32
    %dma_start3A_1020 = tpu.memref_slice %arg5[%dma_start3A_1018, %dma_start3A_1019] : memref<656x128xf32, #tpu.memory_space<vmem>> -> memref<624x128xf32, #tpu.memory_space<vmem>>
    %dma_start3A_1021 = arith.constant 0 : i32
    %dma_start3A_1022 = arith.constant 0 : i32
    %dma_start3A_1023 = tpu.memref_slice %arg3[%add3A_1017, %dma_start3A_1021, %dma_start3A_1022] : memref<1024x1024x128xf32, #tpu.memory_space<hbm>> -> memref<1x624x128xf32, #tpu.memory_space<hbm>>
    %dma_start3A_1024 = tpu.memref_squeeze %dma_start3A_1023 : memref<1x624x128xf32, #tpu.memory_space<hbm>> -> memref<624x128xf32, #tpu.memory_space<hbm>>
    %dma_start3A_1025 = arith.constant 0 : i32
    %dma_start3A_1026 = arith.constant 0 : i32
    %dma_start3A_1027 = tpu.memref_slice %arg3[%add3A_1017, %dma_start3A_1025, %dma_start3A_1026] : memref<1024x1024x128xf32, #tpu.memory_space<hbm>> -> memref<1x624x128xf32, #tpu.memory_space<hbm>>
    %dma_start3A_1028 = tpu.memref_squeeze %dma_start3A_1027 : memref<1x624x128xf32, #tpu.memory_space<hbm>> -> memref<624x128xf32, #tpu.memory_space<hbm>>
    %dma_start3A_1029 = arith.constant 16 : i32
    %dma_start3A_1030 = arith.constant 0 : i32
    %dma_start3A_1031 = tpu.memref_slice %arg5[%dma_start3A_1029, %dma_start3A_1030] : memref<656x128xf32, #tpu.memory_space<vmem>> -> memref<624x128xf32, #tpu.memory_space<vmem>>
    tpu.enqueue_dma source(%dma_start3A_1031 : memref<624x128xf32, #tpu.memory_space<vmem>>) target(%dma_start3A_1028 : memref<624x128xf32, #tpu.memory_space<hbm>>) target_semaphore(%arg9 : memref<!tpu.dma_semaphore, #tpu.memory_space<semaphore_mem>>)
    %sub3A_1032 = arith.subi %add3A, %mul3A_0 : i32
    %add3A_1033 = arith.constant 15 : i32
    %add3A_1034 = arith.addi %sub3A_1032, %add3A_1033 : i32
    %sub3A_1035 = arith.constant 511 : i32
    %sub3A_1036 = arith.subi %sub3A_1035, %add3A_1034 : i32
    %add3A_1037 = arith.constant 624 : i32
    %add3A_1038 = arith.addi %sub3A_1036, %add3A_1037 : i32
    %add3A_1039 = arith.constant 15 : i32
    %add3A_1040 = arith.addi %add3A, %add3A_1039 : i32
    %dma_start3A_1041 = arith.constant 624 : i32
    %dma_start3A_1042 = arith.constant 0 : i32
    %dma_start3A_1043 = tpu.memref_slice %arg3[%add3A_1040, %dma_start3A_1041, %dma_start3A_1042] : memref<1024x1024x128xf32, #tpu.memory_space<hbm>> -> memref<1x400x128xf32, #tpu.memory_space<hbm>>
    %dma_start3A_1044 = tpu.memref_squeeze %dma_start3A_1043 : memref<1x400x128xf32, #tpu.memory_space<hbm>> -> memref<400x128xf32, #tpu.memory_space<hbm>>
    %dma_start3A_1045 = arith.constant 0 : i32
    %dma_start3A_1046 = tpu.memref_slice %arg7[%add3A_1038, %dma_start3A_1045] : memref<1536x128xf32, #tpu.memory_space<vmem_shared>> -> memref<400x128xf32, #tpu.memory_space<vmem_shared>>
    tpu.enqueue_dma source(%dma_start3A_1046 : memref<400x128xf32, #tpu.memory_space<vmem_shared>>) target(%dma_start3A_1044 : memref<400x128xf32, #tpu.memory_space<hbm>>) target_semaphore(%arg10 : memref<!tpu.dma_semaphore, #tpu.memory_space<semaphore_mem>>)
    %add3A_1047 = arith.constant 16 : i32
    %add3A_1048 = arith.addi %add3A, %add3A_1047 : i32
    %dma_start3A_1049 = arith.constant 15 : i32
    %dma_start3A_1050 = arith.constant 0 : i32
    %dma_start3A_1051 = tpu.memref_slice %arg5[%dma_start3A_1049, %dma_start3A_1050] : memref<656x128xf32, #tpu.memory_space<vmem>> -> memref<624x128xf32, #tpu.memory_space<vmem>>
    %dma_start3A_1052 = arith.constant 0 : i32
    %dma_start3A_1053 = arith.constant 0 : i32
    %dma_start3A_1054 = tpu.memref_slice %arg3[%add3A_1048, %dma_start3A_1052, %dma_start3A_1053] : memref<1024x1024x128xf32, #tpu.memory_space<hbm>> -> memref<1x624x128xf32, #tpu.memory_space<hbm>>
    %dma_start3A_1055 = tpu.memref_squeeze %dma_start3A_1054 : memref<1x624x128xf32, #tpu.memory_space<hbm>> -> memref<624x128xf32, #tpu.memory_space<hbm>>
    %dma_start3A_1056 = arith.constant 0 : i32
    %dma_start3A_1057 = arith.constant 0 : i32
    %dma_start3A_1058 = tpu.memref_slice %arg3[%add3A_1048, %dma_start3A_1056, %dma_start3A_1057] : memref<1024x1024x128xf32, #tpu.memory_space<hbm>> -> memref<1x624x128xf32, #tpu.memory_space<hbm>>
    %dma_start3A_1059 = tpu.memref_squeeze %dma_start3A_1058 : memref<1x624x128xf32, #tpu.memory_space<hbm>> -> memref<624x128xf32, #tpu.memory_space<hbm>>
    %dma_start3A_1060 = arith.constant 15 : i32
    %dma_start3A_1061 = arith.constant 0 : i32
    %dma_start3A_1062 = tpu.memref_slice %arg5[%dma_start3A_1060, %dma_start3A_1061] : memref<656x128xf32, #tpu.memory_space<vmem>> -> memref<624x128xf32, #tpu.memory_space<vmem>>
    tpu.enqueue_dma source(%dma_start3A_1062 : memref<624x128xf32, #tpu.memory_space<vmem>>) target(%dma_start3A_1059 : memref<624x128xf32, #tpu.memory_space<hbm>>) target_semaphore(%arg9 : memref<!tpu.dma_semaphore, #tpu.memory_space<semaphore_mem>>)
    %sub3A_1063 = arith.subi %add3A, %mul3A_0 : i32
    %add3A_1064 = arith.constant 16 : i32
    %add3A_1065 = arith.addi %sub3A_1063, %add3A_1064 : i32
    %sub3A_1066 = arith.constant 511 : i32
    %sub3A_1067 = arith.subi %sub3A_1066, %add3A_1065 : i32
    %add3A_1068 = arith.constant 624 : i32
    %add3A_1069 = arith.addi %sub3A_1067, %add3A_1068 : i32
    %add3A_1070 = arith.constant 16 : i32
    %add3A_1071 = arith.addi %add3A, %add3A_1070 : i32
    %dma_start3A_1072 = arith.constant 624 : i32
    %dma_start3A_1073 = arith.constant 0 : i32
    %dma_start3A_1074 = tpu.memref_slice %arg3[%add3A_1071, %dma_start3A_1072, %dma_start3A_1073] : memref<1024x1024x128xf32, #tpu.memory_space<hbm>> -> memref<1x400x128xf32, #tpu.memory_space<hbm>>
    %dma_start3A_1075 = tpu.memref_squeeze %dma_start3A_1074 : memref<1x400x128xf32, #tpu.memory_space<hbm>> -> memref<400x128xf32, #tpu.memory_space<hbm>>
    %dma_start3A_1076 = arith.constant 0 : i32
    %dma_start3A_1077 = tpu.memref_slice %arg7[%add3A_1069, %dma_start3A_1076] : memref<1536x128xf32, #tpu.memory_space<vmem_shared>> -> memref<400x128xf32, #tpu.memory_space<vmem_shared>>
    tpu.enqueue_dma source(%dma_start3A_1077 : memref<400x128xf32, #tpu.memory_space<vmem_shared>>) target(%dma_start3A_1075 : memref<400x128xf32, #tpu.memory_space<hbm>>) target_semaphore(%arg10 : memref<!tpu.dma_semaphore, #tpu.memory_space<semaphore_mem>>)
    %add3A_1078 = arith.constant 17 : i32
    %add3A_1079 = arith.addi %add3A, %add3A_1078 : i32
    %dma_start3A_1080 = arith.constant 14 : i32
    %dma_start3A_1081 = arith.constant 0 : i32
    %dma_start3A_1082 = tpu.memref_slice %arg5[%dma_start3A_1080, %dma_start3A_1081] : memref<656x128xf32, #tpu.memory_space<vmem>> -> memref<624x128xf32, #tpu.memory_space<vmem>>
    %dma_start3A_1083 = arith.constant 0 : i32
    %dma_start3A_1084 = arith.constant 0 : i32
    %dma_start3A_1085 = tpu.memref_slice %arg3[%add3A_1079, %dma_start3A_1083, %dma_start3A_1084] : memref<1024x1024x128xf32, #tpu.memory_space<hbm>> -> memref<1x624x128xf32, #tpu.memory_space<hbm>>
    %dma_start3A_1086 = tpu.memref_squeeze %dma_start3A_1085 : memref<1x624x128xf32, #tpu.memory_space<hbm>> -> memref<624x128xf32, #tpu.memory_space<hbm>>
    %dma_start3A_1087 = arith.constant 0 : i32
    %dma_start3A_1088 = arith.constant 0 : i32
    %dma_start3A_1089 = tpu.memref_slice %arg3[%add3A_1079, %dma_start3A_1087, %dma_start3A_1088] : memref<1024x1024x128xf32, #tpu.memory_space<hbm>> -> memref<1x624x128xf32, #tpu.memory_space<hbm>>
    %dma_start3A_1090 = tpu.memref_squeeze %dma_start3A_1089 : memref<1x624x128xf32, #tpu.memory_space<hbm>> -> memref<624x128xf32, #tpu.memory_space<hbm>>
    %dma_start3A_1091 = arith.constant 14 : i32
    %dma_start3A_1092 = arith.constant 0 : i32
    %dma_start3A_1093 = tpu.memref_slice %arg5[%dma_start3A_1091, %dma_start3A_1092] : memref<656x128xf32, #tpu.memory_space<vmem>> -> memref<624x128xf32, #tpu.memory_space<vmem>>
    tpu.enqueue_dma source(%dma_start3A_1093 : memref<624x128xf32, #tpu.memory_space<vmem>>) target(%dma_start3A_1090 : memref<624x128xf32, #tpu.memory_space<hbm>>) target_semaphore(%arg9 : memref<!tpu.dma_semaphore, #tpu.memory_space<semaphore_mem>>)
    %sub3A_1094 = arith.subi %add3A, %mul3A_0 : i32
    %add3A_1095 = arith.constant 17 : i32
    %add3A_1096 = arith.addi %sub3A_1094, %add3A_1095 : i32
    %sub3A_1097 = arith.constant 511 : i32
    %sub3A_1098 = arith.subi %sub3A_1097, %add3A_1096 : i32
    %add3A_1099 = arith.constant 624 : i32
    %add3A_1100 = arith.addi %sub3A_1098, %add3A_1099 : i32
    %add3A_1101 = arith.constant 17 : i32
    %add3A_1102 = arith.addi %add3A, %add3A_1101 : i32
    %dma_start3A_1103 = arith.constant 624 : i32
    %dma_start3A_1104 = arith.constant 0 : i32
    %dma_start3A_1105 = tpu.memref_slice %arg3[%add3A_1102, %dma_start3A_1103, %dma_start3A_1104] : memref<1024x1024x128xf32, #tpu.memory_space<hbm>> -> memref<1x400x128xf32, #tpu.memory_space<hbm>>
    %dma_start3A_1106 = tpu.memref_squeeze %dma_start3A_1105 : memref<1x400x128xf32, #tpu.memory_space<hbm>> -> memref<400x128xf32, #tpu.memory_space<hbm>>
    %dma_start3A_1107 = arith.constant 0 : i32
    %dma_start3A_1108 = tpu.memref_slice %arg7[%add3A_1100, %dma_start3A_1107] : memref<1536x128xf32, #tpu.memory_space<vmem_shared>> -> memref<400x128xf32, #tpu.memory_space<vmem_shared>>
    tpu.enqueue_dma source(%dma_start3A_1108 : memref<400x128xf32, #tpu.memory_space<vmem_shared>>) target(%dma_start3A_1106 : memref<400x128xf32, #tpu.memory_space<hbm>>) target_semaphore(%arg10 : memref<!tpu.dma_semaphore, #tpu.memory_space<semaphore_mem>>)
    %add3A_1109 = arith.constant 18 : i32
    %add3A_1110 = arith.addi %add3A, %add3A_1109 : i32
    %dma_start3A_1111 = arith.constant 13 : i32
    %dma_start3A_1112 = arith.constant 0 : i32
    %dma_start3A_1113 = tpu.memref_slice %arg5[%dma_start3A_1111, %dma_start3A_1112] : memref<656x128xf32, #tpu.memory_space<vmem>> -> memref<624x128xf32, #tpu.memory_space<vmem>>
    %dma_start3A_1114 = arith.constant 0 : i32
    %dma_start3A_1115 = arith.constant 0 : i32
    %dma_start3A_1116 = tpu.memref_slice %arg3[%add3A_1110, %dma_start3A_1114, %dma_start3A_1115] : memref<1024x1024x128xf32, #tpu.memory_space<hbm>> -> memref<1x624x128xf32, #tpu.memory_space<hbm>>
    %dma_start3A_1117 = tpu.memref_squeeze %dma_start3A_1116 : memref<1x624x128xf32, #tpu.memory_space<hbm>> -> memref<624x128xf32, #tpu.memory_space<hbm>>
    %dma_start3A_1118 = arith.constant 0 : i32
    %dma_start3A_1119 = arith.constant 0 : i32
    %dma_start3A_1120 = tpu.memref_slice %arg3[%add3A_1110, %dma_start3A_1118, %dma_start3A_1119] : memref<1024x1024x128xf32, #tpu.memory_space<hbm>> -> memref<1x624x128xf32, #tpu.memory_space<hbm>>
    %dma_start3A_1121 = tpu.memref_squeeze %dma_start3A_1120 : memref<1x624x128xf32, #tpu.memory_space<hbm>> -> memref<624x128xf32, #tpu.memory_space<hbm>>
    %dma_start3A_1122 = arith.constant 13 : i32
    %dma_start3A_1123 = arith.constant 0 : i32
    %dma_start3A_1124 = tpu.memref_slice %arg5[%dma_start3A_1122, %dma_start3A_1123] : memref<656x128xf32, #tpu.memory_space<vmem>> -> memref<624x128xf32, #tpu.memory_space<vmem>>
    tpu.enqueue_dma source(%dma_start3A_1124 : memref<624x128xf32, #tpu.memory_space<vmem>>) target(%dma_start3A_1121 : memref<624x128xf32, #tpu.memory_space<hbm>>) target_semaphore(%arg9 : memref<!tpu.dma_semaphore, #tpu.memory_space<semaphore_mem>>)
    %sub3A_1125 = arith.subi %add3A, %mul3A_0 : i32
    %add3A_1126 = arith.constant 18 : i32
    %add3A_1127 = arith.addi %sub3A_1125, %add3A_1126 : i32
    %sub3A_1128 = arith.constant 511 : i32
    %sub3A_1129 = arith.subi %sub3A_1128, %add3A_1127 : i32
    %add3A_1130 = arith.constant 624 : i32
    %add3A_1131 = arith.addi %sub3A_1129, %add3A_1130 : i32
    %add3A_1132 = arith.constant 18 : i32
    %add3A_1133 = arith.addi %add3A, %add3A_1132 : i32
    %dma_start3A_1134 = arith.constant 624 : i32
    %dma_start3A_1135 = arith.constant 0 : i32
    %dma_start3A_1136 = tpu.memref_slice %arg3[%add3A_1133, %dma_start3A_1134, %dma_start3A_1135] : memref<1024x1024x128xf32, #tpu.memory_space<hbm>> -> memref<1x400x128xf32, #tpu.memory_space<hbm>>
    %dma_start3A_1137 = tpu.memref_squeeze %dma_start3A_1136 : memref<1x400x128xf32, #tpu.memory_space<hbm>> -> memref<400x128xf32, #tpu.memory_space<hbm>>
    %dma_start3A_1138 = arith.constant 0 : i32
    %dma_start3A_1139 = tpu.memref_slice %arg7[%add3A_1131, %dma_start3A_1138] : memref<1536x128xf32, #tpu.memory_space<vmem_shared>> -> memref<400x128xf32, #tpu.memory_space<vmem_shared>>
    tpu.enqueue_dma source(%dma_start3A_1139 : memref<400x128xf32, #tpu.memory_space<vmem_shared>>) target(%dma_start3A_1137 : memref<400x128xf32, #tpu.memory_space<hbm>>) target_semaphore(%arg10 : memref<!tpu.dma_semaphore, #tpu.memory_space<semaphore_mem>>)
    %add3A_1140 = arith.constant 19 : i32
    %add3A_1141 = arith.addi %add3A, %add3A_1140 : i32
    %dma_start3A_1142 = arith.constant 12 : i32
    %dma_start3A_1143 = arith.constant 0 : i32
    %dma_start3A_1144 = tpu.memref_slice %arg5[%dma_start3A_1142, %dma_start3A_1143] : memref<656x128xf32, #tpu.memory_space<vmem>> -> memref<624x128xf32, #tpu.memory_space<vmem>>
    %dma_start3A_1145 = arith.constant 0 : i32
    %dma_start3A_1146 = arith.constant 0 : i32
    %dma_start3A_1147 = tpu.memref_slice %arg3[%add3A_1141, %dma_start3A_1145, %dma_start3A_1146] : memref<1024x1024x128xf32, #tpu.memory_space<hbm>> -> memref<1x624x128xf32, #tpu.memory_space<hbm>>
    %dma_start3A_1148 = tpu.memref_squeeze %dma_start3A_1147 : memref<1x624x128xf32, #tpu.memory_space<hbm>> -> memref<624x128xf32, #tpu.memory_space<hbm>>
    %dma_start3A_1149 = arith.constant 0 : i32
    %dma_start3A_1150 = arith.constant 0 : i32
    %dma_start3A_1151 = tpu.memref_slice %arg3[%add3A_1141, %dma_start3A_1149, %dma_start3A_1150] : memref<1024x1024x128xf32, #tpu.memory_space<hbm>> -> memref<1x624x128xf32, #tpu.memory_space<hbm>>
    %dma_start3A_1152 = tpu.memref_squeeze %dma_start3A_1151 : memref<1x624x128xf32, #tpu.memory_space<hbm>> -> memref<624x128xf32, #tpu.memory_space<hbm>>
    %dma_start3A_1153 = arith.constant 12 : i32
    %dma_start3A_1154 = arith.constant 0 : i32
    %dma_start3A_1155 = tpu.memref_slice %arg5[%dma_start3A_1153, %dma_start3A_1154] : memref<656x128xf32, #tpu.memory_space<vmem>> -> memref<624x128xf32, #tpu.memory_space<vmem>>
    tpu.enqueue_dma source(%dma_start3A_1155 : memref<624x128xf32, #tpu.memory_space<vmem>>) target(%dma_start3A_1152 : memref<624x128xf32, #tpu.memory_space<hbm>>) target_semaphore(%arg9 : memref<!tpu.dma_semaphore, #tpu.memory_space<semaphore_mem>>)
    %sub3A_1156 = arith.subi %add3A, %mul3A_0 : i32
    %add3A_1157 = arith.constant 19 : i32
    %add3A_1158 = arith.addi %sub3A_1156, %add3A_1157 : i32
    %sub3A_1159 = arith.constant 511 : i32
    %sub3A_1160 = arith.subi %sub3A_1159, %add3A_1158 : i32
    %add3A_1161 = arith.constant 624 : i32
    %add3A_1162 = arith.addi %sub3A_1160, %add3A_1161 : i32
    %add3A_1163 = arith.constant 19 : i32
    %add3A_1164 = arith.addi %add3A, %add3A_1163 : i32
    %dma_start3A_1165 = arith.constant 624 : i32
    %dma_start3A_1166 = arith.constant 0 : i32
    %dma_start3A_1167 = tpu.memref_slice %arg3[%add3A_1164, %dma_start3A_1165, %dma_start3A_1166] : memref<1024x1024x128xf32, #tpu.memory_space<hbm>> -> memref<1x400x128xf32, #tpu.memory_space<hbm>>
    %dma_start3A_1168 = tpu.memref_squeeze %dma_start3A_1167 : memref<1x400x128xf32, #tpu.memory_space<hbm>> -> memref<400x128xf32, #tpu.memory_space<hbm>>
    %dma_start3A_1169 = arith.constant 0 : i32
    %dma_start3A_1170 = tpu.memref_slice %arg7[%add3A_1162, %dma_start3A_1169] : memref<1536x128xf32, #tpu.memory_space<vmem_shared>> -> memref<400x128xf32, #tpu.memory_space<vmem_shared>>
    tpu.enqueue_dma source(%dma_start3A_1170 : memref<400x128xf32, #tpu.memory_space<vmem_shared>>) target(%dma_start3A_1168 : memref<400x128xf32, #tpu.memory_space<hbm>>) target_semaphore(%arg10 : memref<!tpu.dma_semaphore, #tpu.memory_space<semaphore_mem>>)
    %add3A_1171 = arith.constant 20 : i32
    %add3A_1172 = arith.addi %add3A, %add3A_1171 : i32
    %dma_start3A_1173 = arith.constant 11 : i32
    %dma_start3A_1174 = arith.constant 0 : i32
    %dma_start3A_1175 = tpu.memref_slice %arg5[%dma_start3A_1173, %dma_start3A_1174] : memref<656x128xf32, #tpu.memory_space<vmem>> -> memref<624x128xf32, #tpu.memory_space<vmem>>
    %dma_start3A_1176 = arith.constant 0 : i32
    %dma_start3A_1177 = arith.constant 0 : i32
    %dma_start3A_1178 = tpu.memref_slice %arg3[%add3A_1172, %dma_start3A_1176, %dma_start3A_1177] : memref<1024x1024x128xf32, #tpu.memory_space<hbm>> -> memref<1x624x128xf32, #tpu.memory_space<hbm>>
    %dma_start3A_1179 = tpu.memref_squeeze %dma_start3A_1178 : memref<1x624x128xf32, #tpu.memory_space<hbm>> -> memref<624x128xf32, #tpu.memory_space<hbm>>
    %dma_start3A_1180 = arith.constant 0 : i32
    %dma_start3A_1181 = arith.constant 0 : i32
    %dma_start3A_1182 = tpu.memref_slice %arg3[%add3A_1172, %dma_start3A_1180, %dma_start3A_1181] : memref<1024x1024x128xf32, #tpu.memory_space<hbm>> -> memref<1x624x128xf32, #tpu.memory_space<hbm>>
    %dma_start3A_1183 = tpu.memref_squeeze %dma_start3A_1182 : memref<1x624x128xf32, #tpu.memory_space<hbm>> -> memref<624x128xf32, #tpu.memory_space<hbm>>
    %dma_start3A_1184 = arith.constant 11 : i32
    %dma_start3A_1185 = arith.constant 0 : i32
    %dma_start3A_1186 = tpu.memref_slice %arg5[%dma_start3A_1184, %dma_start3A_1185] : memref<656x128xf32, #tpu.memory_space<vmem>> -> memref<624x128xf32, #tpu.memory_space<vmem>>
    tpu.enqueue_dma source(%dma_start3A_1186 : memref<624x128xf32, #tpu.memory_space<vmem>>) target(%dma_start3A_1183 : memref<624x128xf32, #tpu.memory_space<hbm>>) target_semaphore(%arg9 : memref<!tpu.dma_semaphore, #tpu.memory_space<semaphore_mem>>)
    %sub3A_1187 = arith.subi %add3A, %mul3A_0 : i32
    %add3A_1188 = arith.constant 20 : i32
    %add3A_1189 = arith.addi %sub3A_1187, %add3A_1188 : i32
    %sub3A_1190 = arith.constant 511 : i32
    %sub3A_1191 = arith.subi %sub3A_1190, %add3A_1189 : i32
    %add3A_1192 = arith.constant 624 : i32
    %add3A_1193 = arith.addi %sub3A_1191, %add3A_1192 : i32
    %add3A_1194 = arith.constant 20 : i32
    %add3A_1195 = arith.addi %add3A, %add3A_1194 : i32
    %dma_start3A_1196 = arith.constant 624 : i32
    %dma_start3A_1197 = arith.constant 0 : i32
    %dma_start3A_1198 = tpu.memref_slice %arg3[%add3A_1195, %dma_start3A_1196, %dma_start3A_1197] : memref<1024x1024x128xf32, #tpu.memory_space<hbm>> -> memref<1x400x128xf32, #tpu.memory_space<hbm>>
    %dma_start3A_1199 = tpu.memref_squeeze %dma_start3A_1198 : memref<1x400x128xf32, #tpu.memory_space<hbm>> -> memref<400x128xf32, #tpu.memory_space<hbm>>
    %dma_start3A_1200 = arith.constant 0 : i32
    %dma_start3A_1201 = tpu.memref_slice %arg7[%add3A_1193, %dma_start3A_1200] : memref<1536x128xf32, #tpu.memory_space<vmem_shared>> -> memref<400x128xf32, #tpu.memory_space<vmem_shared>>
    tpu.enqueue_dma source(%dma_start3A_1201 : memref<400x128xf32, #tpu.memory_space<vmem_shared>>) target(%dma_start3A_1199 : memref<400x128xf32, #tpu.memory_space<hbm>>) target_semaphore(%arg10 : memref<!tpu.dma_semaphore, #tpu.memory_space<semaphore_mem>>)
    %add3A_1202 = arith.constant 21 : i32
    %add3A_1203 = arith.addi %add3A, %add3A_1202 : i32
    %dma_start3A_1204 = arith.constant 10 : i32
    %dma_start3A_1205 = arith.constant 0 : i32
    %dma_start3A_1206 = tpu.memref_slice %arg5[%dma_start3A_1204, %dma_start3A_1205] : memref<656x128xf32, #tpu.memory_space<vmem>> -> memref<624x128xf32, #tpu.memory_space<vmem>>
    %dma_start3A_1207 = arith.constant 0 : i32
    %dma_start3A_1208 = arith.constant 0 : i32
    %dma_start3A_1209 = tpu.memref_slice %arg3[%add3A_1203, %dma_start3A_1207, %dma_start3A_1208] : memref<1024x1024x128xf32, #tpu.memory_space<hbm>> -> memref<1x624x128xf32, #tpu.memory_space<hbm>>
    %dma_start3A_1210 = tpu.memref_squeeze %dma_start3A_1209 : memref<1x624x128xf32, #tpu.memory_space<hbm>> -> memref<624x128xf32, #tpu.memory_space<hbm>>
    %dma_start3A_1211 = arith.constant 0 : i32
    %dma_start3A_1212 = arith.constant 0 : i32
    %dma_start3A_1213 = tpu.memref_slice %arg3[%add3A_1203, %dma_start3A_1211, %dma_start3A_1212] : memref<1024x1024x128xf32, #tpu.memory_space<hbm>> -> memref<1x624x128xf32, #tpu.memory_space<hbm>>
    %dma_start3A_1214 = tpu.memref_squeeze %dma_start3A_1213 : memref<1x624x128xf32, #tpu.memory_space<hbm>> -> memref<624x128xf32, #tpu.memory_space<hbm>>
    %dma_start3A_1215 = arith.constant 10 : i32
    %dma_start3A_1216 = arith.constant 0 : i32
    %dma_start3A_1217 = tpu.memref_slice %arg5[%dma_start3A_1215, %dma_start3A_1216] : memref<656x128xf32, #tpu.memory_space<vmem>> -> memref<624x128xf32, #tpu.memory_space<vmem>>
    tpu.enqueue_dma source(%dma_start3A_1217 : memref<624x128xf32, #tpu.memory_space<vmem>>) target(%dma_start3A_1214 : memref<624x128xf32, #tpu.memory_space<hbm>>) target_semaphore(%arg9 : memref<!tpu.dma_semaphore, #tpu.memory_space<semaphore_mem>>)
    %sub3A_1218 = arith.subi %add3A, %mul3A_0 : i32
    %add3A_1219 = arith.constant 21 : i32
    %add3A_1220 = arith.addi %sub3A_1218, %add3A_1219 : i32
    %sub3A_1221 = arith.constant 511 : i32
    %sub3A_1222 = arith.subi %sub3A_1221, %add3A_1220 : i32
    %add3A_1223 = arith.constant 624 : i32
    %add3A_1224 = arith.addi %sub3A_1222, %add3A_1223 : i32
    %add3A_1225 = arith.constant 21 : i32
    %add3A_1226 = arith.addi %add3A, %add3A_1225 : i32
    %dma_start3A_1227 = arith.constant 624 : i32
    %dma_start3A_1228 = arith.constant 0 : i32
    %dma_start3A_1229 = tpu.memref_slice %arg3[%add3A_1226, %dma_start3A_1227, %dma_start3A_1228] : memref<1024x1024x128xf32, #tpu.memory_space<hbm>> -> memref<1x400x128xf32, #tpu.memory_space<hbm>>
    %dma_start3A_1230 = tpu.memref_squeeze %dma_start3A_1229 : memref<1x400x128xf32, #tpu.memory_space<hbm>> -> memref<400x128xf32, #tpu.memory_space<hbm>>
    %dma_start3A_1231 = arith.constant 0 : i32
    %dma_start3A_1232 = tpu.memref_slice %arg7[%add3A_1224, %dma_start3A_1231] : memref<1536x128xf32, #tpu.memory_space<vmem_shared>> -> memref<400x128xf32, #tpu.memory_space<vmem_shared>>
    tpu.enqueue_dma source(%dma_start3A_1232 : memref<400x128xf32, #tpu.memory_space<vmem_shared>>) target(%dma_start3A_1230 : memref<400x128xf32, #tpu.memory_space<hbm>>) target_semaphore(%arg10 : memref<!tpu.dma_semaphore, #tpu.memory_space<semaphore_mem>>)
    %add3A_1233 = arith.constant 22 : i32
    %add3A_1234 = arith.addi %add3A, %add3A_1233 : i32
    %dma_start3A_1235 = arith.constant 9 : i32
    %dma_start3A_1236 = arith.constant 0 : i32
    %dma_start3A_1237 = tpu.memref_slice %arg5[%dma_start3A_1235, %dma_start3A_1236] : memref<656x128xf32, #tpu.memory_space<vmem>> -> memref<624x128xf32, #tpu.memory_space<vmem>>
    %dma_start3A_1238 = arith.constant 0 : i32
    %dma_start3A_1239 = arith.constant 0 : i32
    %dma_start3A_1240 = tpu.memref_slice %arg3[%add3A_1234, %dma_start3A_1238, %dma_start3A_1239] : memref<1024x1024x128xf32, #tpu.memory_space<hbm>> -> memref<1x624x128xf32, #tpu.memory_space<hbm>>
    %dma_start3A_1241 = tpu.memref_squeeze %dma_start3A_1240 : memref<1x624x128xf32, #tpu.memory_space<hbm>> -> memref<624x128xf32, #tpu.memory_space<hbm>>
    %dma_start3A_1242 = arith.constant 0 : i32
    %dma_start3A_1243 = arith.constant 0 : i32
    %dma_start3A_1244 = tpu.memref_slice %arg3[%add3A_1234, %dma_start3A_1242, %dma_start3A_1243] : memref<1024x1024x128xf32, #tpu.memory_space<hbm>> -> memref<1x624x128xf32, #tpu.memory_space<hbm>>
    %dma_start3A_1245 = tpu.memref_squeeze %dma_start3A_1244 : memref<1x624x128xf32, #tpu.memory_space<hbm>> -> memref<624x128xf32, #tpu.memory_space<hbm>>
    %dma_start3A_1246 = arith.constant 9 : i32
    %dma_start3A_1247 = arith.constant 0 : i32
    %dma_start3A_1248 = tpu.memref_slice %arg5[%dma_start3A_1246, %dma_start3A_1247] : memref<656x128xf32, #tpu.memory_space<vmem>> -> memref<624x128xf32, #tpu.memory_space<vmem>>
    tpu.enqueue_dma source(%dma_start3A_1248 : memref<624x128xf32, #tpu.memory_space<vmem>>) target(%dma_start3A_1245 : memref<624x128xf32, #tpu.memory_space<hbm>>) target_semaphore(%arg9 : memref<!tpu.dma_semaphore, #tpu.memory_space<semaphore_mem>>)
    %sub3A_1249 = arith.subi %add3A, %mul3A_0 : i32
    %add3A_1250 = arith.constant 22 : i32
    %add3A_1251 = arith.addi %sub3A_1249, %add3A_1250 : i32
    %sub3A_1252 = arith.constant 511 : i32
    %sub3A_1253 = arith.subi %sub3A_1252, %add3A_1251 : i32
    %add3A_1254 = arith.constant 624 : i32
    %add3A_1255 = arith.addi %sub3A_1253, %add3A_1254 : i32
    %add3A_1256 = arith.constant 22 : i32
    %add3A_1257 = arith.addi %add3A, %add3A_1256 : i32
    %dma_start3A_1258 = arith.constant 624 : i32
    %dma_start3A_1259 = arith.constant 0 : i32
    %dma_start3A_1260 = tpu.memref_slice %arg3[%add3A_1257, %dma_start3A_1258, %dma_start3A_1259] : memref<1024x1024x128xf32, #tpu.memory_space<hbm>> -> memref<1x400x128xf32, #tpu.memory_space<hbm>>
    %dma_start3A_1261 = tpu.memref_squeeze %dma_start3A_1260 : memref<1x400x128xf32, #tpu.memory_space<hbm>> -> memref<400x128xf32, #tpu.memory_space<hbm>>
    %dma_start3A_1262 = arith.constant 0 : i32
    %dma_start3A_1263 = tpu.memref_slice %arg7[%add3A_1255, %dma_start3A_1262] : memref<1536x128xf32, #tpu.memory_space<vmem_shared>> -> memref<400x128xf32, #tpu.memory_space<vmem_shared>>
    tpu.enqueue_dma source(%dma_start3A_1263 : memref<400x128xf32, #tpu.memory_space<vmem_shared>>) target(%dma_start3A_1261 : memref<400x128xf32, #tpu.memory_space<hbm>>) target_semaphore(%arg10 : memref<!tpu.dma_semaphore, #tpu.memory_space<semaphore_mem>>)
    %add3A_1264 = arith.constant 23 : i32
    %add3A_1265 = arith.addi %add3A, %add3A_1264 : i32
    %dma_start3A_1266 = arith.constant 8 : i32
    %dma_start3A_1267 = arith.constant 0 : i32
    %dma_start3A_1268 = tpu.memref_slice %arg5[%dma_start3A_1266, %dma_start3A_1267] : memref<656x128xf32, #tpu.memory_space<vmem>> -> memref<624x128xf32, #tpu.memory_space<vmem>>
    %dma_start3A_1269 = arith.constant 0 : i32
    %dma_start3A_1270 = arith.constant 0 : i32
    %dma_start3A_1271 = tpu.memref_slice %arg3[%add3A_1265, %dma_start3A_1269, %dma_start3A_1270] : memref<1024x1024x128xf32, #tpu.memory_space<hbm>> -> memref<1x624x128xf32, #tpu.memory_space<hbm>>
    %dma_start3A_1272 = tpu.memref_squeeze %dma_start3A_1271 : memref<1x624x128xf32, #tpu.memory_space<hbm>> -> memref<624x128xf32, #tpu.memory_space<hbm>>
    %dma_start3A_1273 = arith.constant 0 : i32
    %dma_start3A_1274 = arith.constant 0 : i32
    %dma_start3A_1275 = tpu.memref_slice %arg3[%add3A_1265, %dma_start3A_1273, %dma_start3A_1274] : memref<1024x1024x128xf32, #tpu.memory_space<hbm>> -> memref<1x624x128xf32, #tpu.memory_space<hbm>>
    %dma_start3A_1276 = tpu.memref_squeeze %dma_start3A_1275 : memref<1x624x128xf32, #tpu.memory_space<hbm>> -> memref<624x128xf32, #tpu.memory_space<hbm>>
    %dma_start3A_1277 = arith.constant 8 : i32
    %dma_start3A_1278 = arith.constant 0 : i32
    %dma_start3A_1279 = tpu.memref_slice %arg5[%dma_start3A_1277, %dma_start3A_1278] : memref<656x128xf32, #tpu.memory_space<vmem>> -> memref<624x128xf32, #tpu.memory_space<vmem>>
    tpu.enqueue_dma source(%dma_start3A_1279 : memref<624x128xf32, #tpu.memory_space<vmem>>) target(%dma_start3A_1276 : memref<624x128xf32, #tpu.memory_space<hbm>>) target_semaphore(%arg9 : memref<!tpu.dma_semaphore, #tpu.memory_space<semaphore_mem>>)
    %sub3A_1280 = arith.subi %add3A, %mul3A_0 : i32
    %add3A_1281 = arith.constant 23 : i32
    %add3A_1282 = arith.addi %sub3A_1280, %add3A_1281 : i32
    %sub3A_1283 = arith.constant 511 : i32
    %sub3A_1284 = arith.subi %sub3A_1283, %add3A_1282 : i32
    %add3A_1285 = arith.constant 624 : i32
    %add3A_1286 = arith.addi %sub3A_1284, %add3A_1285 : i32
    %add3A_1287 = arith.constant 23 : i32
    %add3A_1288 = arith.addi %add3A, %add3A_1287 : i32
    %dma_start3A_1289 = arith.constant 624 : i32
    %dma_start3A_1290 = arith.constant 0 : i32
    %dma_start3A_1291 = tpu.memref_slice %arg3[%add3A_1288, %dma_start3A_1289, %dma_start3A_1290] : memref<1024x1024x128xf32, #tpu.memory_space<hbm>> -> memref<1x400x128xf32, #tpu.memory_space<hbm>>
    %dma_start3A_1292 = tpu.memref_squeeze %dma_start3A_1291 : memref<1x400x128xf32, #tpu.memory_space<hbm>> -> memref<400x128xf32, #tpu.memory_space<hbm>>
    %dma_start3A_1293 = arith.constant 0 : i32
    %dma_start3A_1294 = tpu.memref_slice %arg7[%add3A_1286, %dma_start3A_1293] : memref<1536x128xf32, #tpu.memory_space<vmem_shared>> -> memref<400x128xf32, #tpu.memory_space<vmem_shared>>
    tpu.enqueue_dma source(%dma_start3A_1294 : memref<400x128xf32, #tpu.memory_space<vmem_shared>>) target(%dma_start3A_1292 : memref<400x128xf32, #tpu.memory_space<hbm>>) target_semaphore(%arg10 : memref<!tpu.dma_semaphore, #tpu.memory_space<semaphore_mem>>)
    %add3A_1295 = arith.constant 24 : i32
    %add3A_1296 = arith.addi %add3A, %add3A_1295 : i32
    %dma_start3A_1297 = arith.constant 7 : i32
    %dma_start3A_1298 = arith.constant 0 : i32
    %dma_start3A_1299 = tpu.memref_slice %arg5[%dma_start3A_1297, %dma_start3A_1298] : memref<656x128xf32, #tpu.memory_space<vmem>> -> memref<624x128xf32, #tpu.memory_space<vmem>>
    %dma_start3A_1300 = arith.constant 0 : i32
    %dma_start3A_1301 = arith.constant 0 : i32
    %dma_start3A_1302 = tpu.memref_slice %arg3[%add3A_1296, %dma_start3A_1300, %dma_start3A_1301] : memref<1024x1024x128xf32, #tpu.memory_space<hbm>> -> memref<1x624x128xf32, #tpu.memory_space<hbm>>
    %dma_start3A_1303 = tpu.memref_squeeze %dma_start3A_1302 : memref<1x624x128xf32, #tpu.memory_space<hbm>> -> memref<624x128xf32, #tpu.memory_space<hbm>>
    %dma_start3A_1304 = arith.constant 0 : i32
    %dma_start3A_1305 = arith.constant 0 : i32
    %dma_start3A_1306 = tpu.memref_slice %arg3[%add3A_1296, %dma_start3A_1304, %dma_start3A_1305] : memref<1024x1024x128xf32, #tpu.memory_space<hbm>> -> memref<1x624x128xf32, #tpu.memory_space<hbm>>
    %dma_start3A_1307 = tpu.memref_squeeze %dma_start3A_1306 : memref<1x624x128xf32, #tpu.memory_space<hbm>> -> memref<624x128xf32, #tpu.memory_space<hbm>>
    %dma_start3A_1308 = arith.constant 7 : i32
    %dma_start3A_1309 = arith.constant 0 : i32
    %dma_start3A_1310 = tpu.memref_slice %arg5[%dma_start3A_1308, %dma_start3A_1309] : memref<656x128xf32, #tpu.memory_space<vmem>> -> memref<624x128xf32, #tpu.memory_space<vmem>>
    tpu.enqueue_dma source(%dma_start3A_1310 : memref<624x128xf32, #tpu.memory_space<vmem>>) target(%dma_start3A_1307 : memref<624x128xf32, #tpu.memory_space<hbm>>) target_semaphore(%arg9 : memref<!tpu.dma_semaphore, #tpu.memory_space<semaphore_mem>>)
    %sub3A_1311 = arith.subi %add3A, %mul3A_0 : i32
    %add3A_1312 = arith.constant 24 : i32
    %add3A_1313 = arith.addi %sub3A_1311, %add3A_1312 : i32
    %sub3A_1314 = arith.constant 511 : i32
    %sub3A_1315 = arith.subi %sub3A_1314, %add3A_1313 : i32
    %add3A_1316 = arith.constant 624 : i32
    %add3A_1317 = arith.addi %sub3A_1315, %add3A_1316 : i32
    %add3A_1318 = arith.constant 24 : i32
    %add3A_1319 = arith.addi %add3A, %add3A_1318 : i32
    %dma_start3A_1320 = arith.constant 624 : i32
    %dma_start3A_1321 = arith.constant 0 : i32
    %dma_start3A_1322 = tpu.memref_slice %arg3[%add3A_1319, %dma_start3A_1320, %dma_start3A_1321] : memref<1024x1024x128xf32, #tpu.memory_space<hbm>> -> memref<1x400x128xf32, #tpu.memory_space<hbm>>
    %dma_start3A_1323 = tpu.memref_squeeze %dma_start3A_1322 : memref<1x400x128xf32, #tpu.memory_space<hbm>> -> memref<400x128xf32, #tpu.memory_space<hbm>>
    %dma_start3A_1324 = arith.constant 0 : i32
    %dma_start3A_1325 = tpu.memref_slice %arg7[%add3A_1317, %dma_start3A_1324] : memref<1536x128xf32, #tpu.memory_space<vmem_shared>> -> memref<400x128xf32, #tpu.memory_space<vmem_shared>>
    tpu.enqueue_dma source(%dma_start3A_1325 : memref<400x128xf32, #tpu.memory_space<vmem_shared>>) target(%dma_start3A_1323 : memref<400x128xf32, #tpu.memory_space<hbm>>) target_semaphore(%arg10 : memref<!tpu.dma_semaphore, #tpu.memory_space<semaphore_mem>>)
    %add3A_1326 = arith.constant 25 : i32
    %add3A_1327 = arith.addi %add3A, %add3A_1326 : i32
    %dma_start3A_1328 = arith.constant 6 : i32
    %dma_start3A_1329 = arith.constant 0 : i32
    %dma_start3A_1330 = tpu.memref_slice %arg5[%dma_start3A_1328, %dma_start3A_1329] : memref<656x128xf32, #tpu.memory_space<vmem>> -> memref<624x128xf32, #tpu.memory_space<vmem>>
    %dma_start3A_1331 = arith.constant 0 : i32
    %dma_start3A_1332 = arith.constant 0 : i32
    %dma_start3A_1333 = tpu.memref_slice %arg3[%add3A_1327, %dma_start3A_1331, %dma_start3A_1332] : memref<1024x1024x128xf32, #tpu.memory_space<hbm>> -> memref<1x624x128xf32, #tpu.memory_space<hbm>>
    %dma_start3A_1334 = tpu.memref_squeeze %dma_start3A_1333 : memref<1x624x128xf32, #tpu.memory_space<hbm>> -> memref<624x128xf32, #tpu.memory_space<hbm>>
    %dma_start3A_1335 = arith.constant 0 : i32
    %dma_start3A_1336 = arith.constant 0 : i32
    %dma_start3A_1337 = tpu.memref_slice %arg3[%add3A_1327, %dma_start3A_1335, %dma_start3A_1336] : memref<1024x1024x128xf32, #tpu.memory_space<hbm>> -> memref<1x624x128xf32, #tpu.memory_space<hbm>>
    %dma_start3A_1338 = tpu.memref_squeeze %dma_start3A_1337 : memref<1x624x128xf32, #tpu.memory_space<hbm>> -> memref<624x128xf32, #tpu.memory_space<hbm>>
    %dma_start3A_1339 = arith.constant 6 : i32
    %dma_start3A_1340 = arith.constant 0 : i32
    %dma_start3A_1341 = tpu.memref_slice %arg5[%dma_start3A_1339, %dma_start3A_1340] : memref<656x128xf32, #tpu.memory_space<vmem>> -> memref<624x128xf32, #tpu.memory_space<vmem>>
    tpu.enqueue_dma source(%dma_start3A_1341 : memref<624x128xf32, #tpu.memory_space<vmem>>) target(%dma_start3A_1338 : memref<624x128xf32, #tpu.memory_space<hbm>>) target_semaphore(%arg9 : memref<!tpu.dma_semaphore, #tpu.memory_space<semaphore_mem>>)
    %sub3A_1342 = arith.subi %add3A, %mul3A_0 : i32
    %add3A_1343 = arith.constant 25 : i32
    %add3A_1344 = arith.addi %sub3A_1342, %add3A_1343 : i32
    %sub3A_1345 = arith.constant 511 : i32
    %sub3A_1346 = arith.subi %sub3A_1345, %add3A_1344 : i32
    %add3A_1347 = arith.constant 624 : i32
    %add3A_1348 = arith.addi %sub3A_1346, %add3A_1347 : i32
    %add3A_1349 = arith.constant 25 : i32
    %add3A_1350 = arith.addi %add3A, %add3A_1349 : i32
    %dma_start3A_1351 = arith.constant 624 : i32
    %dma_start3A_1352 = arith.constant 0 : i32
    %dma_start3A_1353 = tpu.memref_slice %arg3[%add3A_1350, %dma_start3A_1351, %dma_start3A_1352] : memref<1024x1024x128xf32, #tpu.memory_space<hbm>> -> memref<1x400x128xf32, #tpu.memory_space<hbm>>
    %dma_start3A_1354 = tpu.memref_squeeze %dma_start3A_1353 : memref<1x400x128xf32, #tpu.memory_space<hbm>> -> memref<400x128xf32, #tpu.memory_space<hbm>>
    %dma_start3A_1355 = arith.constant 0 : i32
    %dma_start3A_1356 = tpu.memref_slice %arg7[%add3A_1348, %dma_start3A_1355] : memref<1536x128xf32, #tpu.memory_space<vmem_shared>> -> memref<400x128xf32, #tpu.memory_space<vmem_shared>>
    tpu.enqueue_dma source(%dma_start3A_1356 : memref<400x128xf32, #tpu.memory_space<vmem_shared>>) target(%dma_start3A_1354 : memref<400x128xf32, #tpu.memory_space<hbm>>) target_semaphore(%arg10 : memref<!tpu.dma_semaphore, #tpu.memory_space<semaphore_mem>>)
    %add3A_1357 = arith.constant 26 : i32
    %add3A_1358 = arith.addi %add3A, %add3A_1357 : i32
    %dma_start3A_1359 = arith.constant 5 : i32
    %dma_start3A_1360 = arith.constant 0 : i32
    %dma_start3A_1361 = tpu.memref_slice %arg5[%dma_start3A_1359, %dma_start3A_1360] : memref<656x128xf32, #tpu.memory_space<vmem>> -> memref<624x128xf32, #tpu.memory_space<vmem>>
    %dma_start3A_1362 = arith.constant 0 : i32
    %dma_start3A_1363 = arith.constant 0 : i32
    %dma_start3A_1364 = tpu.memref_slice %arg3[%add3A_1358, %dma_start3A_1362, %dma_start3A_1363] : memref<1024x1024x128xf32, #tpu.memory_space<hbm>> -> memref<1x624x128xf32, #tpu.memory_space<hbm>>
    %dma_start3A_1365 = tpu.memref_squeeze %dma_start3A_1364 : memref<1x624x128xf32, #tpu.memory_space<hbm>> -> memref<624x128xf32, #tpu.memory_space<hbm>>
    %dma_start3A_1366 = arith.constant 0 : i32
    %dma_start3A_1367 = arith.constant 0 : i32
    %dma_start3A_1368 = tpu.memref_slice %arg3[%add3A_1358, %dma_start3A_1366, %dma_start3A_1367] : memref<1024x1024x128xf32, #tpu.memory_space<hbm>> -> memref<1x624x128xf32, #tpu.memory_space<hbm>>
    %dma_start3A_1369 = tpu.memref_squeeze %dma_start3A_1368 : memref<1x624x128xf32, #tpu.memory_space<hbm>> -> memref<624x128xf32, #tpu.memory_space<hbm>>
    %dma_start3A_1370 = arith.constant 5 : i32
    %dma_start3A_1371 = arith.constant 0 : i32
    %dma_start3A_1372 = tpu.memref_slice %arg5[%dma_start3A_1370, %dma_start3A_1371] : memref<656x128xf32, #tpu.memory_space<vmem>> -> memref<624x128xf32, #tpu.memory_space<vmem>>
    tpu.enqueue_dma source(%dma_start3A_1372 : memref<624x128xf32, #tpu.memory_space<vmem>>) target(%dma_start3A_1369 : memref<624x128xf32, #tpu.memory_space<hbm>>) target_semaphore(%arg9 : memref<!tpu.dma_semaphore, #tpu.memory_space<semaphore_mem>>)
    %sub3A_1373 = arith.subi %add3A, %mul3A_0 : i32
    %add3A_1374 = arith.constant 26 : i32
    %add3A_1375 = arith.addi %sub3A_1373, %add3A_1374 : i32
    %sub3A_1376 = arith.constant 511 : i32
    %sub3A_1377 = arith.subi %sub3A_1376, %add3A_1375 : i32
    %add3A_1378 = arith.constant 624 : i32
    %add3A_1379 = arith.addi %sub3A_1377, %add3A_1378 : i32
    %add3A_1380 = arith.constant 26 : i32
    %add3A_1381 = arith.addi %add3A, %add3A_1380 : i32
    %dma_start3A_1382 = arith.constant 624 : i32
    %dma_start3A_1383 = arith.constant 0 : i32
    %dma_start3A_1384 = tpu.memref_slice %arg3[%add3A_1381, %dma_start3A_1382, %dma_start3A_1383] : memref<1024x1024x128xf32, #tpu.memory_space<hbm>> -> memref<1x400x128xf32, #tpu.memory_space<hbm>>
    %dma_start3A_1385 = tpu.memref_squeeze %dma_start3A_1384 : memref<1x400x128xf32, #tpu.memory_space<hbm>> -> memref<400x128xf32, #tpu.memory_space<hbm>>
    %dma_start3A_1386 = arith.constant 0 : i32
    %dma_start3A_1387 = tpu.memref_slice %arg7[%add3A_1379, %dma_start3A_1386] : memref<1536x128xf32, #tpu.memory_space<vmem_shared>> -> memref<400x128xf32, #tpu.memory_space<vmem_shared>>
    tpu.enqueue_dma source(%dma_start3A_1387 : memref<400x128xf32, #tpu.memory_space<vmem_shared>>) target(%dma_start3A_1385 : memref<400x128xf32, #tpu.memory_space<hbm>>) target_semaphore(%arg10 : memref<!tpu.dma_semaphore, #tpu.memory_space<semaphore_mem>>)
    %add3A_1388 = arith.constant 27 : i32
    %add3A_1389 = arith.addi %add3A, %add3A_1388 : i32
    %dma_start3A_1390 = arith.constant 4 : i32
    %dma_start3A_1391 = arith.constant 0 : i32
    %dma_start3A_1392 = tpu.memref_slice %arg5[%dma_start3A_1390, %dma_start3A_1391] : memref<656x128xf32, #tpu.memory_space<vmem>> -> memref<624x128xf32, #tpu.memory_space<vmem>>
    %dma_start3A_1393 = arith.constant 0 : i32
    %dma_start3A_1394 = arith.constant 0 : i32
    %dma_start3A_1395 = tpu.memref_slice %arg3[%add3A_1389, %dma_start3A_1393, %dma_start3A_1394] : memref<1024x1024x128xf32, #tpu.memory_space<hbm>> -> memref<1x624x128xf32, #tpu.memory_space<hbm>>
    %dma_start3A_1396 = tpu.memref_squeeze %dma_start3A_1395 : memref<1x624x128xf32, #tpu.memory_space<hbm>> -> memref<624x128xf32, #tpu.memory_space<hbm>>
    %dma_start3A_1397 = arith.constant 0 : i32
    %dma_start3A_1398 = arith.constant 0 : i32
    %dma_start3A_1399 = tpu.memref_slice %arg3[%add3A_1389, %dma_start3A_1397, %dma_start3A_1398] : memref<1024x1024x128xf32, #tpu.memory_space<hbm>> -> memref<1x624x128xf32, #tpu.memory_space<hbm>>
    %dma_start3A_1400 = tpu.memref_squeeze %dma_start3A_1399 : memref<1x624x128xf32, #tpu.memory_space<hbm>> -> memref<624x128xf32, #tpu.memory_space<hbm>>
    %dma_start3A_1401 = arith.constant 4 : i32
    %dma_start3A_1402 = arith.constant 0 : i32
    %dma_start3A_1403 = tpu.memref_slice %arg5[%dma_start3A_1401, %dma_start3A_1402] : memref<656x128xf32, #tpu.memory_space<vmem>> -> memref<624x128xf32, #tpu.memory_space<vmem>>
    tpu.enqueue_dma source(%dma_start3A_1403 : memref<624x128xf32, #tpu.memory_space<vmem>>) target(%dma_start3A_1400 : memref<624x128xf32, #tpu.memory_space<hbm>>) target_semaphore(%arg9 : memref<!tpu.dma_semaphore, #tpu.memory_space<semaphore_mem>>)
    %sub3A_1404 = arith.subi %add3A, %mul3A_0 : i32
    %add3A_1405 = arith.constant 27 : i32
    %add3A_1406 = arith.addi %sub3A_1404, %add3A_1405 : i32
    %sub3A_1407 = arith.constant 511 : i32
    %sub3A_1408 = arith.subi %sub3A_1407, %add3A_1406 : i32
    %add3A_1409 = arith.constant 624 : i32
    %add3A_1410 = arith.addi %sub3A_1408, %add3A_1409 : i32
    %add3A_1411 = arith.constant 27 : i32
    %add3A_1412 = arith.addi %add3A, %add3A_1411 : i32
    %dma_start3A_1413 = arith.constant 624 : i32
    %dma_start3A_1414 = arith.constant 0 : i32
    %dma_start3A_1415 = tpu.memref_slice %arg3[%add3A_1412, %dma_start3A_1413, %dma_start3A_1414] : memref<1024x1024x128xf32, #tpu.memory_space<hbm>> -> memref<1x400x128xf32, #tpu.memory_space<hbm>>
    %dma_start3A_1416 = tpu.memref_squeeze %dma_start3A_1415 : memref<1x400x128xf32, #tpu.memory_space<hbm>> -> memref<400x128xf32, #tpu.memory_space<hbm>>
    %dma_start3A_1417 = arith.constant 0 : i32
    %dma_start3A_1418 = tpu.memref_slice %arg7[%add3A_1410, %dma_start3A_1417] : memref<1536x128xf32, #tpu.memory_space<vmem_shared>> -> memref<400x128xf32, #tpu.memory_space<vmem_shared>>
    tpu.enqueue_dma source(%dma_start3A_1418 : memref<400x128xf32, #tpu.memory_space<vmem_shared>>) target(%dma_start3A_1416 : memref<400x128xf32, #tpu.memory_space<hbm>>) target_semaphore(%arg10 : memref<!tpu.dma_semaphore, #tpu.memory_space<semaphore_mem>>)
    %add3A_1419 = arith.constant 28 : i32
    %add3A_1420 = arith.addi %add3A, %add3A_1419 : i32
    %dma_start3A_1421 = arith.constant 3 : i32
    %dma_start3A_1422 = arith.constant 0 : i32
    %dma_start3A_1423 = tpu.memref_slice %arg5[%dma_start3A_1421, %dma_start3A_1422] : memref<656x128xf32, #tpu.memory_space<vmem>> -> memref<624x128xf32, #tpu.memory_space<vmem>>
    %dma_start3A_1424 = arith.constant 0 : i32
    %dma_start3A_1425 = arith.constant 0 : i32
    %dma_start3A_1426 = tpu.memref_slice %arg3[%add3A_1420, %dma_start3A_1424, %dma_start3A_1425] : memref<1024x1024x128xf32, #tpu.memory_space<hbm>> -> memref<1x624x128xf32, #tpu.memory_space<hbm>>
    %dma_start3A_1427 = tpu.memref_squeeze %dma_start3A_1426 : memref<1x624x128xf32, #tpu.memory_space<hbm>> -> memref<624x128xf32, #tpu.memory_space<hbm>>
    %dma_start3A_1428 = arith.constant 0 : i32
    %dma_start3A_1429 = arith.constant 0 : i32
    %dma_start3A_1430 = tpu.memref_slice %arg3[%add3A_1420, %dma_start3A_1428, %dma_start3A_1429] : memref<1024x1024x128xf32, #tpu.memory_space<hbm>> -> memref<1x624x128xf32, #tpu.memory_space<hbm>>
    %dma_start3A_1431 = tpu.memref_squeeze %dma_start3A_1430 : memref<1x624x128xf32, #tpu.memory_space<hbm>> -> memref<624x128xf32, #tpu.memory_space<hbm>>
    %dma_start3A_1432 = arith.constant 3 : i32
    %dma_start3A_1433 = arith.constant 0 : i32
    %dma_start3A_1434 = tpu.memref_slice %arg5[%dma_start3A_1432, %dma_start3A_1433] : memref<656x128xf32, #tpu.memory_space<vmem>> -> memref<624x128xf32, #tpu.memory_space<vmem>>
    tpu.enqueue_dma source(%dma_start3A_1434 : memref<624x128xf32, #tpu.memory_space<vmem>>) target(%dma_start3A_1431 : memref<624x128xf32, #tpu.memory_space<hbm>>) target_semaphore(%arg9 : memref<!tpu.dma_semaphore, #tpu.memory_space<semaphore_mem>>)
    %sub3A_1435 = arith.subi %add3A, %mul3A_0 : i32
    %add3A_1436 = arith.constant 28 : i32
    %add3A_1437 = arith.addi %sub3A_1435, %add3A_1436 : i32
    %sub3A_1438 = arith.constant 511 : i32
    %sub3A_1439 = arith.subi %sub3A_1438, %add3A_1437 : i32
    %add3A_1440 = arith.constant 624 : i32
    %add3A_1441 = arith.addi %sub3A_1439, %add3A_1440 : i32
    %add3A_1442 = arith.constant 28 : i32
    %add3A_1443 = arith.addi %add3A, %add3A_1442 : i32
    %dma_start3A_1444 = arith.constant 624 : i32
    %dma_start3A_1445 = arith.constant 0 : i32
    %dma_start3A_1446 = tpu.memref_slice %arg3[%add3A_1443, %dma_start3A_1444, %dma_start3A_1445] : memref<1024x1024x128xf32, #tpu.memory_space<hbm>> -> memref<1x400x128xf32, #tpu.memory_space<hbm>>
    %dma_start3A_1447 = tpu.memref_squeeze %dma_start3A_1446 : memref<1x400x128xf32, #tpu.memory_space<hbm>> -> memref<400x128xf32, #tpu.memory_space<hbm>>
    %dma_start3A_1448 = arith.constant 0 : i32
    %dma_start3A_1449 = tpu.memref_slice %arg7[%add3A_1441, %dma_start3A_1448] : memref<1536x128xf32, #tpu.memory_space<vmem_shared>> -> memref<400x128xf32, #tpu.memory_space<vmem_shared>>
    tpu.enqueue_dma source(%dma_start3A_1449 : memref<400x128xf32, #tpu.memory_space<vmem_shared>>) target(%dma_start3A_1447 : memref<400x128xf32, #tpu.memory_space<hbm>>) target_semaphore(%arg10 : memref<!tpu.dma_semaphore, #tpu.memory_space<semaphore_mem>>)
    %add3A_1450 = arith.constant 29 : i32
    %add3A_1451 = arith.addi %add3A, %add3A_1450 : i32
    %dma_start3A_1452 = arith.constant 2 : i32
    %dma_start3A_1453 = arith.constant 0 : i32
    %dma_start3A_1454 = tpu.memref_slice %arg5[%dma_start3A_1452, %dma_start3A_1453] : memref<656x128xf32, #tpu.memory_space<vmem>> -> memref<624x128xf32, #tpu.memory_space<vmem>>
    %dma_start3A_1455 = arith.constant 0 : i32
    %dma_start3A_1456 = arith.constant 0 : i32
    %dma_start3A_1457 = tpu.memref_slice %arg3[%add3A_1451, %dma_start3A_1455, %dma_start3A_1456] : memref<1024x1024x128xf32, #tpu.memory_space<hbm>> -> memref<1x624x128xf32, #tpu.memory_space<hbm>>
    %dma_start3A_1458 = tpu.memref_squeeze %dma_start3A_1457 : memref<1x624x128xf32, #tpu.memory_space<hbm>> -> memref<624x128xf32, #tpu.memory_space<hbm>>
    %dma_start3A_1459 = arith.constant 0 : i32
    %dma_start3A_1460 = arith.constant 0 : i32
    %dma_start3A_1461 = tpu.memref_slice %arg3[%add3A_1451, %dma_start3A_1459, %dma_start3A_1460] : memref<1024x1024x128xf32, #tpu.memory_space<hbm>> -> memref<1x624x128xf32, #tpu.memory_space<hbm>>
    %dma_start3A_1462 = tpu.memref_squeeze %dma_start3A_1461 : memref<1x624x128xf32, #tpu.memory_space<hbm>> -> memref<624x128xf32, #tpu.memory_space<hbm>>
    %dma_start3A_1463 = arith.constant 2 : i32
    %dma_start3A_1464 = arith.constant 0 : i32
    %dma_start3A_1465 = tpu.memref_slice %arg5[%dma_start3A_1463, %dma_start3A_1464] : memref<656x128xf32, #tpu.memory_space<vmem>> -> memref<624x128xf32, #tpu.memory_space<vmem>>
    tpu.enqueue_dma source(%dma_start3A_1465 : memref<624x128xf32, #tpu.memory_space<vmem>>) target(%dma_start3A_1462 : memref<624x128xf32, #tpu.memory_space<hbm>>) target_semaphore(%arg9 : memref<!tpu.dma_semaphore, #tpu.memory_space<semaphore_mem>>)
    %sub3A_1466 = arith.subi %add3A, %mul3A_0 : i32
    %add3A_1467 = arith.constant 29 : i32
    %add3A_1468 = arith.addi %sub3A_1466, %add3A_1467 : i32
    %sub3A_1469 = arith.constant 511 : i32
    %sub3A_1470 = arith.subi %sub3A_1469, %add3A_1468 : i32
    %add3A_1471 = arith.constant 624 : i32
    %add3A_1472 = arith.addi %sub3A_1470, %add3A_1471 : i32
    %add3A_1473 = arith.constant 29 : i32
    %add3A_1474 = arith.addi %add3A, %add3A_1473 : i32
    %dma_start3A_1475 = arith.constant 624 : i32
    %dma_start3A_1476 = arith.constant 0 : i32
    %dma_start3A_1477 = tpu.memref_slice %arg3[%add3A_1474, %dma_start3A_1475, %dma_start3A_1476] : memref<1024x1024x128xf32, #tpu.memory_space<hbm>> -> memref<1x400x128xf32, #tpu.memory_space<hbm>>
    %dma_start3A_1478 = tpu.memref_squeeze %dma_start3A_1477 : memref<1x400x128xf32, #tpu.memory_space<hbm>> -> memref<400x128xf32, #tpu.memory_space<hbm>>
    %dma_start3A_1479 = arith.constant 0 : i32
    %dma_start3A_1480 = tpu.memref_slice %arg7[%add3A_1472, %dma_start3A_1479] : memref<1536x128xf32, #tpu.memory_space<vmem_shared>> -> memref<400x128xf32, #tpu.memory_space<vmem_shared>>
    tpu.enqueue_dma source(%dma_start3A_1480 : memref<400x128xf32, #tpu.memory_space<vmem_shared>>) target(%dma_start3A_1478 : memref<400x128xf32, #tpu.memory_space<hbm>>) target_semaphore(%arg10 : memref<!tpu.dma_semaphore, #tpu.memory_space<semaphore_mem>>)
    %add3A_1481 = arith.constant 30 : i32
    %add3A_1482 = arith.addi %add3A, %add3A_1481 : i32
    %dma_start3A_1483 = arith.constant 1 : i32
    %dma_start3A_1484 = arith.constant 0 : i32
    %dma_start3A_1485 = tpu.memref_slice %arg5[%dma_start3A_1483, %dma_start3A_1484] : memref<656x128xf32, #tpu.memory_space<vmem>> -> memref<624x128xf32, #tpu.memory_space<vmem>>
    %dma_start3A_1486 = arith.constant 0 : i32
    %dma_start3A_1487 = arith.constant 0 : i32
    %dma_start3A_1488 = tpu.memref_slice %arg3[%add3A_1482, %dma_start3A_1486, %dma_start3A_1487] : memref<1024x1024x128xf32, #tpu.memory_space<hbm>> -> memref<1x624x128xf32, #tpu.memory_space<hbm>>
    %dma_start3A_1489 = tpu.memref_squeeze %dma_start3A_1488 : memref<1x624x128xf32, #tpu.memory_space<hbm>> -> memref<624x128xf32, #tpu.memory_space<hbm>>
    %dma_start3A_1490 = arith.constant 0 : i32
    %dma_start3A_1491 = arith.constant 0 : i32
    %dma_start3A_1492 = tpu.memref_slice %arg3[%add3A_1482, %dma_start3A_1490, %dma_start3A_1491] : memref<1024x1024x128xf32, #tpu.memory_space<hbm>> -> memref<1x624x128xf32, #tpu.memory_space<hbm>>
    %dma_start3A_1493 = tpu.memref_squeeze %dma_start3A_1492 : memref<1x624x128xf32, #tpu.memory_space<hbm>> -> memref<624x128xf32, #tpu.memory_space<hbm>>
    %dma_start3A_1494 = arith.constant 1 : i32
    %dma_start3A_1495 = arith.constant 0 : i32
    %dma_start3A_1496 = tpu.memref_slice %arg5[%dma_start3A_1494, %dma_start3A_1495] : memref<656x128xf32, #tpu.memory_space<vmem>> -> memref<624x128xf32, #tpu.memory_space<vmem>>
    tpu.enqueue_dma source(%dma_start3A_1496 : memref<624x128xf32, #tpu.memory_space<vmem>>) target(%dma_start3A_1493 : memref<624x128xf32, #tpu.memory_space<hbm>>) target_semaphore(%arg9 : memref<!tpu.dma_semaphore, #tpu.memory_space<semaphore_mem>>)
    %sub3A_1497 = arith.subi %add3A, %mul3A_0 : i32
    %add3A_1498 = arith.constant 30 : i32
    %add3A_1499 = arith.addi %sub3A_1497, %add3A_1498 : i32
    %sub3A_1500 = arith.constant 511 : i32
    %sub3A_1501 = arith.subi %sub3A_1500, %add3A_1499 : i32
    %add3A_1502 = arith.constant 624 : i32
    %add3A_1503 = arith.addi %sub3A_1501, %add3A_1502 : i32
    %add3A_1504 = arith.constant 30 : i32
    %add3A_1505 = arith.addi %add3A, %add3A_1504 : i32
    %dma_start3A_1506 = arith.constant 624 : i32
    %dma_start3A_1507 = arith.constant 0 : i32
    %dma_start3A_1508 = tpu.memref_slice %arg3[%add3A_1505, %dma_start3A_1506, %dma_start3A_1507] : memref<1024x1024x128xf32, #tpu.memory_space<hbm>> -> memref<1x400x128xf32, #tpu.memory_space<hbm>>
    %dma_start3A_1509 = tpu.memref_squeeze %dma_start3A_1508 : memref<1x400x128xf32, #tpu.memory_space<hbm>> -> memref<400x128xf32, #tpu.memory_space<hbm>>
    %dma_start3A_1510 = arith.constant 0 : i32
    %dma_start3A_1511 = tpu.memref_slice %arg7[%add3A_1503, %dma_start3A_1510] : memref<1536x128xf32, #tpu.memory_space<vmem_shared>> -> memref<400x128xf32, #tpu.memory_space<vmem_shared>>
    tpu.enqueue_dma source(%dma_start3A_1511 : memref<400x128xf32, #tpu.memory_space<vmem_shared>>) target(%dma_start3A_1509 : memref<400x128xf32, #tpu.memory_space<hbm>>) target_semaphore(%arg10 : memref<!tpu.dma_semaphore, #tpu.memory_space<semaphore_mem>>)
    %add3A_1512 = arith.constant 31 : i32
    %add3A_1513 = arith.addi %add3A, %add3A_1512 : i32
    %dma_start3A_1514 = arith.constant 0 : i32
    %dma_start3A_1515 = arith.constant 0 : i32
    %dma_start3A_1516 = tpu.memref_slice %arg5[%dma_start3A_1514, %dma_start3A_1515] : memref<656x128xf32, #tpu.memory_space<vmem>> -> memref<624x128xf32, #tpu.memory_space<vmem>>
    %dma_start3A_1517 = arith.constant 0 : i32
    %dma_start3A_1518 = arith.constant 0 : i32
    %dma_start3A_1519 = tpu.memref_slice %arg3[%add3A_1513, %dma_start3A_1517, %dma_start3A_1518] : memref<1024x1024x128xf32, #tpu.memory_space<hbm>> -> memref<1x624x128xf32, #tpu.memory_space<hbm>>
    %dma_start3A_1520 = tpu.memref_squeeze %dma_start3A_1519 : memref<1x624x128xf32, #tpu.memory_space<hbm>> -> memref<624x128xf32, #tpu.memory_space<hbm>>
    %dma_start3A_1521 = arith.constant 0 : i32
    %dma_start3A_1522 = arith.constant 0 : i32
    %dma_start3A_1523 = tpu.memref_slice %arg3[%add3A_1513, %dma_start3A_1521, %dma_start3A_1522] : memref<1024x1024x128xf32, #tpu.memory_space<hbm>> -> memref<1x624x128xf32, #tpu.memory_space<hbm>>
    %dma_start3A_1524 = tpu.memref_squeeze %dma_start3A_1523 : memref<1x624x128xf32, #tpu.memory_space<hbm>> -> memref<624x128xf32, #tpu.memory_space<hbm>>
    %dma_start3A_1525 = arith.constant 0 : i32
    %dma_start3A_1526 = arith.constant 0 : i32
    %dma_start3A_1527 = tpu.memref_slice %arg5[%dma_start3A_1525, %dma_start3A_1526] : memref<656x128xf32, #tpu.memory_space<vmem>> -> memref<624x128xf32, #tpu.memory_space<vmem>>
    tpu.enqueue_dma source(%dma_start3A_1527 : memref<624x128xf32, #tpu.memory_space<vmem>>) target(%dma_start3A_1524 : memref<624x128xf32, #tpu.memory_space<hbm>>) target_semaphore(%arg9 : memref<!tpu.dma_semaphore, #tpu.memory_space<semaphore_mem>>)
    %sub3A_1528 = arith.subi %add3A, %mul3A_0 : i32
    %add3A_1529 = arith.constant 31 : i32
    %add3A_1530 = arith.addi %sub3A_1528, %add3A_1529 : i32
    %sub3A_1531 = arith.constant 511 : i32
    %sub3A_1532 = arith.subi %sub3A_1531, %add3A_1530 : i32
    %add3A_1533 = arith.constant 624 : i32
    %add3A_1534 = arith.addi %sub3A_1532, %add3A_1533 : i32
    %add3A_1535 = arith.constant 31 : i32
    %add3A_1536 = arith.addi %add3A, %add3A_1535 : i32
    %dma_start3A_1537 = arith.constant 624 : i32
    %dma_start3A_1538 = arith.constant 0 : i32
    %dma_start3A_1539 = tpu.memref_slice %arg3[%add3A_1536, %dma_start3A_1537, %dma_start3A_1538] : memref<1024x1024x128xf32, #tpu.memory_space<hbm>> -> memref<1x400x128xf32, #tpu.memory_space<hbm>>
    %dma_start3A_1540 = tpu.memref_squeeze %dma_start3A_1539 : memref<1x400x128xf32, #tpu.memory_space<hbm>> -> memref<400x128xf32, #tpu.memory_space<hbm>>
    %dma_start3A_1541 = arith.constant 0 : i32
    %dma_start3A_1542 = tpu.memref_slice %arg7[%add3A_1534, %dma_start3A_1541] : memref<1536x128xf32, #tpu.memory_space<vmem_shared>> -> memref<400x128xf32, #tpu.memory_space<vmem_shared>>
    tpu.enqueue_dma source(%dma_start3A_1542 : memref<400x128xf32, #tpu.memory_space<vmem_shared>>) target(%dma_start3A_1540 : memref<400x128xf32, #tpu.memory_space<hbm>>) target_semaphore(%arg10 : memref<!tpu.dma_semaphore, #tpu.memory_space<semaphore_mem>>)
    %add3A_1543 = arith.constant 0 : i32
    %add3A_1544 = arith.addi %add3A, %add3A_1543 : i32
    %dma_wait3A_1545 = arith.constant 31 : i32
    %dma_wait3A_1546 = arith.constant 0 : i32
    %dma_wait3A_1547 = tpu.memref_slice %arg5[%dma_wait3A_1545, %dma_wait3A_1546] : memref<656x128xf32, #tpu.memory_space<vmem>> -> memref<624x128xf32, #tpu.memory_space<vmem>>
    %dma_wait3A_1548 = arith.constant 0 : i32
    %dma_wait3A_1549 = arith.constant 0 : i32
    %dma_wait3A_1550 = tpu.memref_slice %arg3[%add3A_1544, %dma_wait3A_1548, %dma_wait3A_1549] : memref<1024x1024x128xf32, #tpu.memory_space<hbm>> -> memref<1x624x128xf32, #tpu.memory_space<hbm>>
    %dma_wait3A_1551 = tpu.memref_squeeze %dma_wait3A_1550 : memref<1x624x128xf32, #tpu.memory_space<hbm>> -> memref<624x128xf32, #tpu.memory_space<hbm>>
    %dma_wait3A_1552 = arith.constant 0 : i32
    %dma_wait3A_1553 = arith.constant 0 : i32
    %dma_wait3A_1554 = tpu.memref_slice %arg3[%add3A_1544, %dma_wait3A_1552, %dma_wait3A_1553] : memref<1024x1024x128xf32, #tpu.memory_space<hbm>> -> memref<1x624x128xf32, #tpu.memory_space<hbm>>
    %dma_wait3A_1555 = tpu.memref_squeeze %dma_wait3A_1554 : memref<1x624x128xf32, #tpu.memory_space<hbm>> -> memref<624x128xf32, #tpu.memory_space<hbm>>
    %dma_wait3A_1556 = arith.constant 31 : i32
    %dma_wait3A_1557 = arith.constant 0 : i32
    %dma_wait3A_1558 = tpu.memref_slice %arg5[%dma_wait3A_1556, %dma_wait3A_1557] : memref<656x128xf32, #tpu.memory_space<vmem>> -> memref<624x128xf32, #tpu.memory_space<vmem>>
    tpu.wait_dma2 semaphore(%arg9 : memref<!tpu.dma_semaphore, #tpu.memory_space<semaphore_mem>>) src(%dma_wait3A_1558 : memref<624x128xf32, #tpu.memory_space<vmem>>) dst(%dma_wait3A_1555 : memref<624x128xf32, #tpu.memory_space<hbm>>)
    %sub3A_1559 = arith.subi %add3A, %mul3A_0 : i32
    %add3A_1560 = arith.constant 0 : i32
    %add3A_1561 = arith.addi %sub3A_1559, %add3A_1560 : i32
    %sub3A_1562 = arith.constant 511 : i32
    %sub3A_1563 = arith.subi %sub3A_1562, %add3A_1561 : i32
    %add3A_1564 = arith.constant 624 : i32
    %add3A_1565 = arith.addi %sub3A_1563, %add3A_1564 : i32
    %add3A_1566 = arith.constant 0 : i32
    %add3A_1567 = arith.addi %add3A, %add3A_1566 : i32
    %dma_wait3A_1568 = arith.constant 624 : i32
    %dma_wait3A_1569 = arith.constant 0 : i32
    %dma_wait3A_1570 = tpu.memref_slice %arg3[%add3A_1567, %dma_wait3A_1568, %dma_wait3A_1569] : memref<1024x1024x128xf32, #tpu.memory_space<hbm>> -> memref<1x400x128xf32, #tpu.memory_space<hbm>>
    %dma_wait3A_1571 = tpu.memref_squeeze %dma_wait3A_1570 : memref<1x400x128xf32, #tpu.memory_space<hbm>> -> memref<400x128xf32, #tpu.memory_space<hbm>>
    %dma_wait3A_1572 = arith.constant 0 : i32
    %dma_wait3A_1573 = tpu.memref_slice %arg7[%add3A_1565, %dma_wait3A_1572] : memref<1536x128xf32, #tpu.memory_space<vmem_shared>> -> memref<400x128xf32, #tpu.memory_space<vmem_shared>>
    tpu.wait_dma2 semaphore(%arg10 : memref<!tpu.dma_semaphore, #tpu.memory_space<semaphore_mem>>) src(%dma_wait3A_1573 : memref<400x128xf32, #tpu.memory_space<vmem_shared>>) dst(%dma_wait3A_1571 : memref<400x128xf32, #tpu.memory_space<hbm>>)
    %add3A_1574 = arith.constant 1 : i32
    %add3A_1575 = arith.addi %add3A, %add3A_1574 : i32
    %dma_wait3A_1576 = arith.constant 30 : i32
    %dma_wait3A_1577 = arith.constant 0 : i32
    %dma_wait3A_1578 = tpu.memref_slice %arg5[%dma_wait3A_1576, %dma_wait3A_1577] : memref<656x128xf32, #tpu.memory_space<vmem>> -> memref<624x128xf32, #tpu.memory_space<vmem>>
    %dma_wait3A_1579 = arith.constant 0 : i32
    %dma_wait3A_1580 = arith.constant 0 : i32
    %dma_wait3A_1581 = tpu.memref_slice %arg3[%add3A_1575, %dma_wait3A_1579, %dma_wait3A_1580] : memref<1024x1024x128xf32, #tpu.memory_space<hbm>> -> memref<1x624x128xf32, #tpu.memory_space<hbm>>
    %dma_wait3A_1582 = tpu.memref_squeeze %dma_wait3A_1581 : memref<1x624x128xf32, #tpu.memory_space<hbm>> -> memref<624x128xf32, #tpu.memory_space<hbm>>
    %dma_wait3A_1583 = arith.constant 0 : i32
    %dma_wait3A_1584 = arith.constant 0 : i32
    %dma_wait3A_1585 = tpu.memref_slice %arg3[%add3A_1575, %dma_wait3A_1583, %dma_wait3A_1584] : memref<1024x1024x128xf32, #tpu.memory_space<hbm>> -> memref<1x624x128xf32, #tpu.memory_space<hbm>>
    %dma_wait3A_1586 = tpu.memref_squeeze %dma_wait3A_1585 : memref<1x624x128xf32, #tpu.memory_space<hbm>> -> memref<624x128xf32, #tpu.memory_space<hbm>>
    %dma_wait3A_1587 = arith.constant 30 : i32
    %dma_wait3A_1588 = arith.constant 0 : i32
    %dma_wait3A_1589 = tpu.memref_slice %arg5[%dma_wait3A_1587, %dma_wait3A_1588] : memref<656x128xf32, #tpu.memory_space<vmem>> -> memref<624x128xf32, #tpu.memory_space<vmem>>
    tpu.wait_dma2 semaphore(%arg9 : memref<!tpu.dma_semaphore, #tpu.memory_space<semaphore_mem>>) src(%dma_wait3A_1589 : memref<624x128xf32, #tpu.memory_space<vmem>>) dst(%dma_wait3A_1586 : memref<624x128xf32, #tpu.memory_space<hbm>>)
    %sub3A_1590 = arith.subi %add3A, %mul3A_0 : i32
    %add3A_1591 = arith.constant 1 : i32
    %add3A_1592 = arith.addi %sub3A_1590, %add3A_1591 : i32
    %sub3A_1593 = arith.constant 511 : i32
    %sub3A_1594 = arith.subi %sub3A_1593, %add3A_1592 : i32
    %add3A_1595 = arith.constant 624 : i32
    %add3A_1596 = arith.addi %sub3A_1594, %add3A_1595 : i32
    %add3A_1597 = arith.constant 1 : i32
    %add3A_1598 = arith.addi %add3A, %add3A_1597 : i32
    %dma_wait3A_1599 = arith.constant 624 : i32
    %dma_wait3A_1600 = arith.constant 0 : i32
    %dma_wait3A_1601 = tpu.memref_slice %arg3[%add3A_1598, %dma_wait3A_1599, %dma_wait3A_1600] : memref<1024x1024x128xf32, #tpu.memory_space<hbm>> -> memref<1x400x128xf32, #tpu.memory_space<hbm>>
    %dma_wait3A_1602 = tpu.memref_squeeze %dma_wait3A_1601 : memref<1x400x128xf32, #tpu.memory_space<hbm>> -> memref<400x128xf32, #tpu.memory_space<hbm>>
    %dma_wait3A_1603 = arith.constant 0 : i32
    %dma_wait3A_1604 = tpu.memref_slice %arg7[%add3A_1596, %dma_wait3A_1603] : memref<1536x128xf32, #tpu.memory_space<vmem_shared>> -> memref<400x128xf32, #tpu.memory_space<vmem_shared>>
    tpu.wait_dma2 semaphore(%arg10 : memref<!tpu.dma_semaphore, #tpu.memory_space<semaphore_mem>>) src(%dma_wait3A_1604 : memref<400x128xf32, #tpu.memory_space<vmem_shared>>) dst(%dma_wait3A_1602 : memref<400x128xf32, #tpu.memory_space<hbm>>)
    %add3A_1605 = arith.constant 2 : i32
    %add3A_1606 = arith.addi %add3A, %add3A_1605 : i32
    %dma_wait3A_1607 = arith.constant 29 : i32
    %dma_wait3A_1608 = arith.constant 0 : i32
    %dma_wait3A_1609 = tpu.memref_slice %arg5[%dma_wait3A_1607, %dma_wait3A_1608] : memref<656x128xf32, #tpu.memory_space<vmem>> -> memref<624x128xf32, #tpu.memory_space<vmem>>
    %dma_wait3A_1610 = arith.constant 0 : i32
    %dma_wait3A_1611 = arith.constant 0 : i32
    %dma_wait3A_1612 = tpu.memref_slice %arg3[%add3A_1606, %dma_wait3A_1610, %dma_wait3A_1611] : memref<1024x1024x128xf32, #tpu.memory_space<hbm>> -> memref<1x624x128xf32, #tpu.memory_space<hbm>>
    %dma_wait3A_1613 = tpu.memref_squeeze %dma_wait3A_1612 : memref<1x624x128xf32, #tpu.memory_space<hbm>> -> memref<624x128xf32, #tpu.memory_space<hbm>>
    %dma_wait3A_1614 = arith.constant 0 : i32
    %dma_wait3A_1615 = arith.constant 0 : i32
    %dma_wait3A_1616 = tpu.memref_slice %arg3[%add3A_1606, %dma_wait3A_1614, %dma_wait3A_1615] : memref<1024x1024x128xf32, #tpu.memory_space<hbm>> -> memref<1x624x128xf32, #tpu.memory_space<hbm>>
    %dma_wait3A_1617 = tpu.memref_squeeze %dma_wait3A_1616 : memref<1x624x128xf32, #tpu.memory_space<hbm>> -> memref<624x128xf32, #tpu.memory_space<hbm>>
    %dma_wait3A_1618 = arith.constant 29 : i32
    %dma_wait3A_1619 = arith.constant 0 : i32
    %dma_wait3A_1620 = tpu.memref_slice %arg5[%dma_wait3A_1618, %dma_wait3A_1619] : memref<656x128xf32, #tpu.memory_space<vmem>> -> memref<624x128xf32, #tpu.memory_space<vmem>>
    tpu.wait_dma2 semaphore(%arg9 : memref<!tpu.dma_semaphore, #tpu.memory_space<semaphore_mem>>) src(%dma_wait3A_1620 : memref<624x128xf32, #tpu.memory_space<vmem>>) dst(%dma_wait3A_1617 : memref<624x128xf32, #tpu.memory_space<hbm>>)
    %sub3A_1621 = arith.subi %add3A, %mul3A_0 : i32
    %add3A_1622 = arith.constant 2 : i32
    %add3A_1623 = arith.addi %sub3A_1621, %add3A_1622 : i32
    %sub3A_1624 = arith.constant 511 : i32
    %sub3A_1625 = arith.subi %sub3A_1624, %add3A_1623 : i32
    %add3A_1626 = arith.constant 624 : i32
    %add3A_1627 = arith.addi %sub3A_1625, %add3A_1626 : i32
    %add3A_1628 = arith.constant 2 : i32
    %add3A_1629 = arith.addi %add3A, %add3A_1628 : i32
    %dma_wait3A_1630 = arith.constant 624 : i32
    %dma_wait3A_1631 = arith.constant 0 : i32
    %dma_wait3A_1632 = tpu.memref_slice %arg3[%add3A_1629, %dma_wait3A_1630, %dma_wait3A_1631] : memref<1024x1024x128xf32, #tpu.memory_space<hbm>> -> memref<1x400x128xf32, #tpu.memory_space<hbm>>
    %dma_wait3A_1633 = tpu.memref_squeeze %dma_wait3A_1632 : memref<1x400x128xf32, #tpu.memory_space<hbm>> -> memref<400x128xf32, #tpu.memory_space<hbm>>
    %dma_wait3A_1634 = arith.constant 0 : i32
    %dma_wait3A_1635 = tpu.memref_slice %arg7[%add3A_1627, %dma_wait3A_1634] : memref<1536x128xf32, #tpu.memory_space<vmem_shared>> -> memref<400x128xf32, #tpu.memory_space<vmem_shared>>
    tpu.wait_dma2 semaphore(%arg10 : memref<!tpu.dma_semaphore, #tpu.memory_space<semaphore_mem>>) src(%dma_wait3A_1635 : memref<400x128xf32, #tpu.memory_space<vmem_shared>>) dst(%dma_wait3A_1633 : memref<400x128xf32, #tpu.memory_space<hbm>>)
    %add3A_1636 = arith.constant 3 : i32
    %add3A_1637 = arith.addi %add3A, %add3A_1636 : i32
    %dma_wait3A_1638 = arith.constant 28 : i32
    %dma_wait3A_1639 = arith.constant 0 : i32
    %dma_wait3A_1640 = tpu.memref_slice %arg5[%dma_wait3A_1638, %dma_wait3A_1639] : memref<656x128xf32, #tpu.memory_space<vmem>> -> memref<624x128xf32, #tpu.memory_space<vmem>>
    %dma_wait3A_1641 = arith.constant 0 : i32
    %dma_wait3A_1642 = arith.constant 0 : i32
    %dma_wait3A_1643 = tpu.memref_slice %arg3[%add3A_1637, %dma_wait3A_1641, %dma_wait3A_1642] : memref<1024x1024x128xf32, #tpu.memory_space<hbm>> -> memref<1x624x128xf32, #tpu.memory_space<hbm>>
    %dma_wait3A_1644 = tpu.memref_squeeze %dma_wait3A_1643 : memref<1x624x128xf32, #tpu.memory_space<hbm>> -> memref<624x128xf32, #tpu.memory_space<hbm>>
    %dma_wait3A_1645 = arith.constant 0 : i32
    %dma_wait3A_1646 = arith.constant 0 : i32
    %dma_wait3A_1647 = tpu.memref_slice %arg3[%add3A_1637, %dma_wait3A_1645, %dma_wait3A_1646] : memref<1024x1024x128xf32, #tpu.memory_space<hbm>> -> memref<1x624x128xf32, #tpu.memory_space<hbm>>
    %dma_wait3A_1648 = tpu.memref_squeeze %dma_wait3A_1647 : memref<1x624x128xf32, #tpu.memory_space<hbm>> -> memref<624x128xf32, #tpu.memory_space<hbm>>
    %dma_wait3A_1649 = arith.constant 28 : i32
    %dma_wait3A_1650 = arith.constant 0 : i32
    %dma_wait3A_1651 = tpu.memref_slice %arg5[%dma_wait3A_1649, %dma_wait3A_1650] : memref<656x128xf32, #tpu.memory_space<vmem>> -> memref<624x128xf32, #tpu.memory_space<vmem>>
    tpu.wait_dma2 semaphore(%arg9 : memref<!tpu.dma_semaphore, #tpu.memory_space<semaphore_mem>>) src(%dma_wait3A_1651 : memref<624x128xf32, #tpu.memory_space<vmem>>) dst(%dma_wait3A_1648 : memref<624x128xf32, #tpu.memory_space<hbm>>)
    %sub3A_1652 = arith.subi %add3A, %mul3A_0 : i32
    %add3A_1653 = arith.constant 3 : i32
    %add3A_1654 = arith.addi %sub3A_1652, %add3A_1653 : i32
    %sub3A_1655 = arith.constant 511 : i32
    %sub3A_1656 = arith.subi %sub3A_1655, %add3A_1654 : i32
    %add3A_1657 = arith.constant 624 : i32
    %add3A_1658 = arith.addi %sub3A_1656, %add3A_1657 : i32
    %add3A_1659 = arith.constant 3 : i32
    %add3A_1660 = arith.addi %add3A, %add3A_1659 : i32
    %dma_wait3A_1661 = arith.constant 624 : i32
    %dma_wait3A_1662 = arith.constant 0 : i32
    %dma_wait3A_1663 = tpu.memref_slice %arg3[%add3A_1660, %dma_wait3A_1661, %dma_wait3A_1662] : memref<1024x1024x128xf32, #tpu.memory_space<hbm>> -> memref<1x400x128xf32, #tpu.memory_space<hbm>>
    %dma_wait3A_1664 = tpu.memref_squeeze %dma_wait3A_1663 : memref<1x400x128xf32, #tpu.memory_space<hbm>> -> memref<400x128xf32, #tpu.memory_space<hbm>>
    %dma_wait3A_1665 = arith.constant 0 : i32
    %dma_wait3A_1666 = tpu.memref_slice %arg7[%add3A_1658, %dma_wait3A_1665] : memref<1536x128xf32, #tpu.memory_space<vmem_shared>> -> memref<400x128xf32, #tpu.memory_space<vmem_shared>>
    tpu.wait_dma2 semaphore(%arg10 : memref<!tpu.dma_semaphore, #tpu.memory_space<semaphore_mem>>) src(%dma_wait3A_1666 : memref<400x128xf32, #tpu.memory_space<vmem_shared>>) dst(%dma_wait3A_1664 : memref<400x128xf32, #tpu.memory_space<hbm>>)
    %add3A_1667 = arith.constant 4 : i32
    %add3A_1668 = arith.addi %add3A, %add3A_1667 : i32
    %dma_wait3A_1669 = arith.constant 27 : i32
    %dma_wait3A_1670 = arith.constant 0 : i32
    %dma_wait3A_1671 = tpu.memref_slice %arg5[%dma_wait3A_1669, %dma_wait3A_1670] : memref<656x128xf32, #tpu.memory_space<vmem>> -> memref<624x128xf32, #tpu.memory_space<vmem>>
    %dma_wait3A_1672 = arith.constant 0 : i32
    %dma_wait3A_1673 = arith.constant 0 : i32
    %dma_wait3A_1674 = tpu.memref_slice %arg3[%add3A_1668, %dma_wait3A_1672, %dma_wait3A_1673] : memref<1024x1024x128xf32, #tpu.memory_space<hbm>> -> memref<1x624x128xf32, #tpu.memory_space<hbm>>
    %dma_wait3A_1675 = tpu.memref_squeeze %dma_wait3A_1674 : memref<1x624x128xf32, #tpu.memory_space<hbm>> -> memref<624x128xf32, #tpu.memory_space<hbm>>
    %dma_wait3A_1676 = arith.constant 0 : i32
    %dma_wait3A_1677 = arith.constant 0 : i32
    %dma_wait3A_1678 = tpu.memref_slice %arg3[%add3A_1668, %dma_wait3A_1676, %dma_wait3A_1677] : memref<1024x1024x128xf32, #tpu.memory_space<hbm>> -> memref<1x624x128xf32, #tpu.memory_space<hbm>>
    %dma_wait3A_1679 = tpu.memref_squeeze %dma_wait3A_1678 : memref<1x624x128xf32, #tpu.memory_space<hbm>> -> memref<624x128xf32, #tpu.memory_space<hbm>>
    %dma_wait3A_1680 = arith.constant 27 : i32
    %dma_wait3A_1681 = arith.constant 0 : i32
    %dma_wait3A_1682 = tpu.memref_slice %arg5[%dma_wait3A_1680, %dma_wait3A_1681] : memref<656x128xf32, #tpu.memory_space<vmem>> -> memref<624x128xf32, #tpu.memory_space<vmem>>
    tpu.wait_dma2 semaphore(%arg9 : memref<!tpu.dma_semaphore, #tpu.memory_space<semaphore_mem>>) src(%dma_wait3A_1682 : memref<624x128xf32, #tpu.memory_space<vmem>>) dst(%dma_wait3A_1679 : memref<624x128xf32, #tpu.memory_space<hbm>>)
    %sub3A_1683 = arith.subi %add3A, %mul3A_0 : i32
    %add3A_1684 = arith.constant 4 : i32
    %add3A_1685 = arith.addi %sub3A_1683, %add3A_1684 : i32
    %sub3A_1686 = arith.constant 511 : i32
    %sub3A_1687 = arith.subi %sub3A_1686, %add3A_1685 : i32
    %add3A_1688 = arith.constant 624 : i32
    %add3A_1689 = arith.addi %sub3A_1687, %add3A_1688 : i32
    %add3A_1690 = arith.constant 4 : i32
    %add3A_1691 = arith.addi %add3A, %add3A_1690 : i32
    %dma_wait3A_1692 = arith.constant 624 : i32
    %dma_wait3A_1693 = arith.constant 0 : i32
    %dma_wait3A_1694 = tpu.memref_slice %arg3[%add3A_1691, %dma_wait3A_1692, %dma_wait3A_1693] : memref<1024x1024x128xf32, #tpu.memory_space<hbm>> -> memref<1x400x128xf32, #tpu.memory_space<hbm>>
    %dma_wait3A_1695 = tpu.memref_squeeze %dma_wait3A_1694 : memref<1x400x128xf32, #tpu.memory_space<hbm>> -> memref<400x128xf32, #tpu.memory_space<hbm>>
    %dma_wait3A_1696 = arith.constant 0 : i32
    %dma_wait3A_1697 = tpu.memref_slice %arg7[%add3A_1689, %dma_wait3A_1696] : memref<1536x128xf32, #tpu.memory_space<vmem_shared>> -> memref<400x128xf32, #tpu.memory_space<vmem_shared>>
    tpu.wait_dma2 semaphore(%arg10 : memref<!tpu.dma_semaphore, #tpu.memory_space<semaphore_mem>>) src(%dma_wait3A_1697 : memref<400x128xf32, #tpu.memory_space<vmem_shared>>) dst(%dma_wait3A_1695 : memref<400x128xf32, #tpu.memory_space<hbm>>)
    %add3A_1698 = arith.constant 5 : i32
    %add3A_1699 = arith.addi %add3A, %add3A_1698 : i32
    %dma_wait3A_1700 = arith.constant 26 : i32
    %dma_wait3A_1701 = arith.constant 0 : i32
    %dma_wait3A_1702 = tpu.memref_slice %arg5[%dma_wait3A_1700, %dma_wait3A_1701] : memref<656x128xf32, #tpu.memory_space<vmem>> -> memref<624x128xf32, #tpu.memory_space<vmem>>
    %dma_wait3A_1703 = arith.constant 0 : i32
    %dma_wait3A_1704 = arith.constant 0 : i32
    %dma_wait3A_1705 = tpu.memref_slice %arg3[%add3A_1699, %dma_wait3A_1703, %dma_wait3A_1704] : memref<1024x1024x128xf32, #tpu.memory_space<hbm>> -> memref<1x624x128xf32, #tpu.memory_space<hbm>>
    %dma_wait3A_1706 = tpu.memref_squeeze %dma_wait3A_1705 : memref<1x624x128xf32, #tpu.memory_space<hbm>> -> memref<624x128xf32, #tpu.memory_space<hbm>>
    %dma_wait3A_1707 = arith.constant 0 : i32
    %dma_wait3A_1708 = arith.constant 0 : i32
    %dma_wait3A_1709 = tpu.memref_slice %arg3[%add3A_1699, %dma_wait3A_1707, %dma_wait3A_1708] : memref<1024x1024x128xf32, #tpu.memory_space<hbm>> -> memref<1x624x128xf32, #tpu.memory_space<hbm>>
    %dma_wait3A_1710 = tpu.memref_squeeze %dma_wait3A_1709 : memref<1x624x128xf32, #tpu.memory_space<hbm>> -> memref<624x128xf32, #tpu.memory_space<hbm>>
    %dma_wait3A_1711 = arith.constant 26 : i32
    %dma_wait3A_1712 = arith.constant 0 : i32
    %dma_wait3A_1713 = tpu.memref_slice %arg5[%dma_wait3A_1711, %dma_wait3A_1712] : memref<656x128xf32, #tpu.memory_space<vmem>> -> memref<624x128xf32, #tpu.memory_space<vmem>>
    tpu.wait_dma2 semaphore(%arg9 : memref<!tpu.dma_semaphore, #tpu.memory_space<semaphore_mem>>) src(%dma_wait3A_1713 : memref<624x128xf32, #tpu.memory_space<vmem>>) dst(%dma_wait3A_1710 : memref<624x128xf32, #tpu.memory_space<hbm>>)
    %sub3A_1714 = arith.subi %add3A, %mul3A_0 : i32
    %add3A_1715 = arith.constant 5 : i32
    %add3A_1716 = arith.addi %sub3A_1714, %add3A_1715 : i32
    %sub3A_1717 = arith.constant 511 : i32
    %sub3A_1718 = arith.subi %sub3A_1717, %add3A_1716 : i32
    %add3A_1719 = arith.constant 624 : i32
    %add3A_1720 = arith.addi %sub3A_1718, %add3A_1719 : i32
    %add3A_1721 = arith.constant 5 : i32
    %add3A_1722 = arith.addi %add3A, %add3A_1721 : i32
    %dma_wait3A_1723 = arith.constant 624 : i32
    %dma_wait3A_1724 = arith.constant 0 : i32
    %dma_wait3A_1725 = tpu.memref_slice %arg3[%add3A_1722, %dma_wait3A_1723, %dma_wait3A_1724] : memref<1024x1024x128xf32, #tpu.memory_space<hbm>> -> memref<1x400x128xf32, #tpu.memory_space<hbm>>
    %dma_wait3A_1726 = tpu.memref_squeeze %dma_wait3A_1725 : memref<1x400x128xf32, #tpu.memory_space<hbm>> -> memref<400x128xf32, #tpu.memory_space<hbm>>
    %dma_wait3A_1727 = arith.constant 0 : i32
    %dma_wait3A_1728 = tpu.memref_slice %arg7[%add3A_1720, %dma_wait3A_1727] : memref<1536x128xf32, #tpu.memory_space<vmem_shared>> -> memref<400x128xf32, #tpu.memory_space<vmem_shared>>
    tpu.wait_dma2 semaphore(%arg10 : memref<!tpu.dma_semaphore, #tpu.memory_space<semaphore_mem>>) src(%dma_wait3A_1728 : memref<400x128xf32, #tpu.memory_space<vmem_shared>>) dst(%dma_wait3A_1726 : memref<400x128xf32, #tpu.memory_space<hbm>>)
    %add3A_1729 = arith.constant 6 : i32
    %add3A_1730 = arith.addi %add3A, %add3A_1729 : i32
    %dma_wait3A_1731 = arith.constant 25 : i32
    %dma_wait3A_1732 = arith.constant 0 : i32
    %dma_wait3A_1733 = tpu.memref_slice %arg5[%dma_wait3A_1731, %dma_wait3A_1732] : memref<656x128xf32, #tpu.memory_space<vmem>> -> memref<624x128xf32, #tpu.memory_space<vmem>>
    %dma_wait3A_1734 = arith.constant 0 : i32
    %dma_wait3A_1735 = arith.constant 0 : i32
    %dma_wait3A_1736 = tpu.memref_slice %arg3[%add3A_1730, %dma_wait3A_1734, %dma_wait3A_1735] : memref<1024x1024x128xf32, #tpu.memory_space<hbm>> -> memref<1x624x128xf32, #tpu.memory_space<hbm>>
    %dma_wait3A_1737 = tpu.memref_squeeze %dma_wait3A_1736 : memref<1x624x128xf32, #tpu.memory_space<hbm>> -> memref<624x128xf32, #tpu.memory_space<hbm>>
    %dma_wait3A_1738 = arith.constant 0 : i32
    %dma_wait3A_1739 = arith.constant 0 : i32
    %dma_wait3A_1740 = tpu.memref_slice %arg3[%add3A_1730, %dma_wait3A_1738, %dma_wait3A_1739] : memref<1024x1024x128xf32, #tpu.memory_space<hbm>> -> memref<1x624x128xf32, #tpu.memory_space<hbm>>
    %dma_wait3A_1741 = tpu.memref_squeeze %dma_wait3A_1740 : memref<1x624x128xf32, #tpu.memory_space<hbm>> -> memref<624x128xf32, #tpu.memory_space<hbm>>
    %dma_wait3A_1742 = arith.constant 25 : i32
    %dma_wait3A_1743 = arith.constant 0 : i32
    %dma_wait3A_1744 = tpu.memref_slice %arg5[%dma_wait3A_1742, %dma_wait3A_1743] : memref<656x128xf32, #tpu.memory_space<vmem>> -> memref<624x128xf32, #tpu.memory_space<vmem>>
    tpu.wait_dma2 semaphore(%arg9 : memref<!tpu.dma_semaphore, #tpu.memory_space<semaphore_mem>>) src(%dma_wait3A_1744 : memref<624x128xf32, #tpu.memory_space<vmem>>) dst(%dma_wait3A_1741 : memref<624x128xf32, #tpu.memory_space<hbm>>)
    %sub3A_1745 = arith.subi %add3A, %mul3A_0 : i32
    %add3A_1746 = arith.constant 6 : i32
    %add3A_1747 = arith.addi %sub3A_1745, %add3A_1746 : i32
    %sub3A_1748 = arith.constant 511 : i32
    %sub3A_1749 = arith.subi %sub3A_1748, %add3A_1747 : i32
    %add3A_1750 = arith.constant 624 : i32
    %add3A_1751 = arith.addi %sub3A_1749, %add3A_1750 : i32
    %add3A_1752 = arith.constant 6 : i32
    %add3A_1753 = arith.addi %add3A, %add3A_1752 : i32
    %dma_wait3A_1754 = arith.constant 624 : i32
    %dma_wait3A_1755 = arith.constant 0 : i32
    %dma_wait3A_1756 = tpu.memref_slice %arg3[%add3A_1753, %dma_wait3A_1754, %dma_wait3A_1755] : memref<1024x1024x128xf32, #tpu.memory_space<hbm>> -> memref<1x400x128xf32, #tpu.memory_space<hbm>>
    %dma_wait3A_1757 = tpu.memref_squeeze %dma_wait3A_1756 : memref<1x400x128xf32, #tpu.memory_space<hbm>> -> memref<400x128xf32, #tpu.memory_space<hbm>>
    %dma_wait3A_1758 = arith.constant 0 : i32
    %dma_wait3A_1759 = tpu.memref_slice %arg7[%add3A_1751, %dma_wait3A_1758] : memref<1536x128xf32, #tpu.memory_space<vmem_shared>> -> memref<400x128xf32, #tpu.memory_space<vmem_shared>>
    tpu.wait_dma2 semaphore(%arg10 : memref<!tpu.dma_semaphore, #tpu.memory_space<semaphore_mem>>) src(%dma_wait3A_1759 : memref<400x128xf32, #tpu.memory_space<vmem_shared>>) dst(%dma_wait3A_1757 : memref<400x128xf32, #tpu.memory_space<hbm>>)
    %add3A_1760 = arith.constant 7 : i32
    %add3A_1761 = arith.addi %add3A, %add3A_1760 : i32
    %dma_wait3A_1762 = arith.constant 24 : i32
    %dma_wait3A_1763 = arith.constant 0 : i32
    %dma_wait3A_1764 = tpu.memref_slice %arg5[%dma_wait3A_1762, %dma_wait3A_1763] : memref<656x128xf32, #tpu.memory_space<vmem>> -> memref<624x128xf32, #tpu.memory_space<vmem>>
    %dma_wait3A_1765 = arith.constant 0 : i32
    %dma_wait3A_1766 = arith.constant 0 : i32
    %dma_wait3A_1767 = tpu.memref_slice %arg3[%add3A_1761, %dma_wait3A_1765, %dma_wait3A_1766] : memref<1024x1024x128xf32, #tpu.memory_space<hbm>> -> memref<1x624x128xf32, #tpu.memory_space<hbm>>
    %dma_wait3A_1768 = tpu.memref_squeeze %dma_wait3A_1767 : memref<1x624x128xf32, #tpu.memory_space<hbm>> -> memref<624x128xf32, #tpu.memory_space<hbm>>
    %dma_wait3A_1769 = arith.constant 0 : i32
    %dma_wait3A_1770 = arith.constant 0 : i32
    %dma_wait3A_1771 = tpu.memref_slice %arg3[%add3A_1761, %dma_wait3A_1769, %dma_wait3A_1770] : memref<1024x1024x128xf32, #tpu.memory_space<hbm>> -> memref<1x624x128xf32, #tpu.memory_space<hbm>>
    %dma_wait3A_1772 = tpu.memref_squeeze %dma_wait3A_1771 : memref<1x624x128xf32, #tpu.memory_space<hbm>> -> memref<624x128xf32, #tpu.memory_space<hbm>>
    %dma_wait3A_1773 = arith.constant 24 : i32
    %dma_wait3A_1774 = arith.constant 0 : i32
    %dma_wait3A_1775 = tpu.memref_slice %arg5[%dma_wait3A_1773, %dma_wait3A_1774] : memref<656x128xf32, #tpu.memory_space<vmem>> -> memref<624x128xf32, #tpu.memory_space<vmem>>
    tpu.wait_dma2 semaphore(%arg9 : memref<!tpu.dma_semaphore, #tpu.memory_space<semaphore_mem>>) src(%dma_wait3A_1775 : memref<624x128xf32, #tpu.memory_space<vmem>>) dst(%dma_wait3A_1772 : memref<624x128xf32, #tpu.memory_space<hbm>>)
    %sub3A_1776 = arith.subi %add3A, %mul3A_0 : i32
    %add3A_1777 = arith.constant 7 : i32
    %add3A_1778 = arith.addi %sub3A_1776, %add3A_1777 : i32
    %sub3A_1779 = arith.constant 511 : i32
    %sub3A_1780 = arith.subi %sub3A_1779, %add3A_1778 : i32
    %add3A_1781 = arith.constant 624 : i32
    %add3A_1782 = arith.addi %sub3A_1780, %add3A_1781 : i32
    %add3A_1783 = arith.constant 7 : i32
    %add3A_1784 = arith.addi %add3A, %add3A_1783 : i32
    %dma_wait3A_1785 = arith.constant 624 : i32
    %dma_wait3A_1786 = arith.constant 0 : i32
    %dma_wait3A_1787 = tpu.memref_slice %arg3[%add3A_1784, %dma_wait3A_1785, %dma_wait3A_1786] : memref<1024x1024x128xf32, #tpu.memory_space<hbm>> -> memref<1x400x128xf32, #tpu.memory_space<hbm>>
    %dma_wait3A_1788 = tpu.memref_squeeze %dma_wait3A_1787 : memref<1x400x128xf32, #tpu.memory_space<hbm>> -> memref<400x128xf32, #tpu.memory_space<hbm>>
    %dma_wait3A_1789 = arith.constant 0 : i32
    %dma_wait3A_1790 = tpu.memref_slice %arg7[%add3A_1782, %dma_wait3A_1789] : memref<1536x128xf32, #tpu.memory_space<vmem_shared>> -> memref<400x128xf32, #tpu.memory_space<vmem_shared>>
    tpu.wait_dma2 semaphore(%arg10 : memref<!tpu.dma_semaphore, #tpu.memory_space<semaphore_mem>>) src(%dma_wait3A_1790 : memref<400x128xf32, #tpu.memory_space<vmem_shared>>) dst(%dma_wait3A_1788 : memref<400x128xf32, #tpu.memory_space<hbm>>)
    %add3A_1791 = arith.constant 8 : i32
    %add3A_1792 = arith.addi %add3A, %add3A_1791 : i32
    %dma_wait3A_1793 = arith.constant 23 : i32
    %dma_wait3A_1794 = arith.constant 0 : i32
    %dma_wait3A_1795 = tpu.memref_slice %arg5[%dma_wait3A_1793, %dma_wait3A_1794] : memref<656x128xf32, #tpu.memory_space<vmem>> -> memref<624x128xf32, #tpu.memory_space<vmem>>
    %dma_wait3A_1796 = arith.constant 0 : i32
    %dma_wait3A_1797 = arith.constant 0 : i32
    %dma_wait3A_1798 = tpu.memref_slice %arg3[%add3A_1792, %dma_wait3A_1796, %dma_wait3A_1797] : memref<1024x1024x128xf32, #tpu.memory_space<hbm>> -> memref<1x624x128xf32, #tpu.memory_space<hbm>>
    %dma_wait3A_1799 = tpu.memref_squeeze %dma_wait3A_1798 : memref<1x624x128xf32, #tpu.memory_space<hbm>> -> memref<624x128xf32, #tpu.memory_space<hbm>>
    %dma_wait3A_1800 = arith.constant 0 : i32
    %dma_wait3A_1801 = arith.constant 0 : i32
    %dma_wait3A_1802 = tpu.memref_slice %arg3[%add3A_1792, %dma_wait3A_1800, %dma_wait3A_1801] : memref<1024x1024x128xf32, #tpu.memory_space<hbm>> -> memref<1x624x128xf32, #tpu.memory_space<hbm>>
    %dma_wait3A_1803 = tpu.memref_squeeze %dma_wait3A_1802 : memref<1x624x128xf32, #tpu.memory_space<hbm>> -> memref<624x128xf32, #tpu.memory_space<hbm>>
    %dma_wait3A_1804 = arith.constant 23 : i32
    %dma_wait3A_1805 = arith.constant 0 : i32
    %dma_wait3A_1806 = tpu.memref_slice %arg5[%dma_wait3A_1804, %dma_wait3A_1805] : memref<656x128xf32, #tpu.memory_space<vmem>> -> memref<624x128xf32, #tpu.memory_space<vmem>>
    tpu.wait_dma2 semaphore(%arg9 : memref<!tpu.dma_semaphore, #tpu.memory_space<semaphore_mem>>) src(%dma_wait3A_1806 : memref<624x128xf32, #tpu.memory_space<vmem>>) dst(%dma_wait3A_1803 : memref<624x128xf32, #tpu.memory_space<hbm>>)
    %sub3A_1807 = arith.subi %add3A, %mul3A_0 : i32
    %add3A_1808 = arith.constant 8 : i32
    %add3A_1809 = arith.addi %sub3A_1807, %add3A_1808 : i32
    %sub3A_1810 = arith.constant 511 : i32
    %sub3A_1811 = arith.subi %sub3A_1810, %add3A_1809 : i32
    %add3A_1812 = arith.constant 624 : i32
    %add3A_1813 = arith.addi %sub3A_1811, %add3A_1812 : i32
    %add3A_1814 = arith.constant 8 : i32
    %add3A_1815 = arith.addi %add3A, %add3A_1814 : i32
    %dma_wait3A_1816 = arith.constant 624 : i32
    %dma_wait3A_1817 = arith.constant 0 : i32
    %dma_wait3A_1818 = tpu.memref_slice %arg3[%add3A_1815, %dma_wait3A_1816, %dma_wait3A_1817] : memref<1024x1024x128xf32, #tpu.memory_space<hbm>> -> memref<1x400x128xf32, #tpu.memory_space<hbm>>
    %dma_wait3A_1819 = tpu.memref_squeeze %dma_wait3A_1818 : memref<1x400x128xf32, #tpu.memory_space<hbm>> -> memref<400x128xf32, #tpu.memory_space<hbm>>
    %dma_wait3A_1820 = arith.constant 0 : i32
    %dma_wait3A_1821 = tpu.memref_slice %arg7[%add3A_1813, %dma_wait3A_1820] : memref<1536x128xf32, #tpu.memory_space<vmem_shared>> -> memref<400x128xf32, #tpu.memory_space<vmem_shared>>
    tpu.wait_dma2 semaphore(%arg10 : memref<!tpu.dma_semaphore, #tpu.memory_space<semaphore_mem>>) src(%dma_wait3A_1821 : memref<400x128xf32, #tpu.memory_space<vmem_shared>>) dst(%dma_wait3A_1819 : memref<400x128xf32, #tpu.memory_space<hbm>>)
    %add3A_1822 = arith.constant 9 : i32
    %add3A_1823 = arith.addi %add3A, %add3A_1822 : i32
    %dma_wait3A_1824 = arith.constant 22 : i32
    %dma_wait3A_1825 = arith.constant 0 : i32
    %dma_wait3A_1826 = tpu.memref_slice %arg5[%dma_wait3A_1824, %dma_wait3A_1825] : memref<656x128xf32, #tpu.memory_space<vmem>> -> memref<624x128xf32, #tpu.memory_space<vmem>>
    %dma_wait3A_1827 = arith.constant 0 : i32
    %dma_wait3A_1828 = arith.constant 0 : i32
    %dma_wait3A_1829 = tpu.memref_slice %arg3[%add3A_1823, %dma_wait3A_1827, %dma_wait3A_1828] : memref<1024x1024x128xf32, #tpu.memory_space<hbm>> -> memref<1x624x128xf32, #tpu.memory_space<hbm>>
    %dma_wait3A_1830 = tpu.memref_squeeze %dma_wait3A_1829 : memref<1x624x128xf32, #tpu.memory_space<hbm>> -> memref<624x128xf32, #tpu.memory_space<hbm>>
    %dma_wait3A_1831 = arith.constant 0 : i32
    %dma_wait3A_1832 = arith.constant 0 : i32
    %dma_wait3A_1833 = tpu.memref_slice %arg3[%add3A_1823, %dma_wait3A_1831, %dma_wait3A_1832] : memref<1024x1024x128xf32, #tpu.memory_space<hbm>> -> memref<1x624x128xf32, #tpu.memory_space<hbm>>
    %dma_wait3A_1834 = tpu.memref_squeeze %dma_wait3A_1833 : memref<1x624x128xf32, #tpu.memory_space<hbm>> -> memref<624x128xf32, #tpu.memory_space<hbm>>
    %dma_wait3A_1835 = arith.constant 22 : i32
    %dma_wait3A_1836 = arith.constant 0 : i32
    %dma_wait3A_1837 = tpu.memref_slice %arg5[%dma_wait3A_1835, %dma_wait3A_1836] : memref<656x128xf32, #tpu.memory_space<vmem>> -> memref<624x128xf32, #tpu.memory_space<vmem>>
    tpu.wait_dma2 semaphore(%arg9 : memref<!tpu.dma_semaphore, #tpu.memory_space<semaphore_mem>>) src(%dma_wait3A_1837 : memref<624x128xf32, #tpu.memory_space<vmem>>) dst(%dma_wait3A_1834 : memref<624x128xf32, #tpu.memory_space<hbm>>)
    %sub3A_1838 = arith.subi %add3A, %mul3A_0 : i32
    %add3A_1839 = arith.constant 9 : i32
    %add3A_1840 = arith.addi %sub3A_1838, %add3A_1839 : i32
    %sub3A_1841 = arith.constant 511 : i32
    %sub3A_1842 = arith.subi %sub3A_1841, %add3A_1840 : i32
    %add3A_1843 = arith.constant 624 : i32
    %add3A_1844 = arith.addi %sub3A_1842, %add3A_1843 : i32
    %add3A_1845 = arith.constant 9 : i32
    %add3A_1846 = arith.addi %add3A, %add3A_1845 : i32
    %dma_wait3A_1847 = arith.constant 624 : i32
    %dma_wait3A_1848 = arith.constant 0 : i32
    %dma_wait3A_1849 = tpu.memref_slice %arg3[%add3A_1846, %dma_wait3A_1847, %dma_wait3A_1848] : memref<1024x1024x128xf32, #tpu.memory_space<hbm>> -> memref<1x400x128xf32, #tpu.memory_space<hbm>>
    %dma_wait3A_1850 = tpu.memref_squeeze %dma_wait3A_1849 : memref<1x400x128xf32, #tpu.memory_space<hbm>> -> memref<400x128xf32, #tpu.memory_space<hbm>>
    %dma_wait3A_1851 = arith.constant 0 : i32
    %dma_wait3A_1852 = tpu.memref_slice %arg7[%add3A_1844, %dma_wait3A_1851] : memref<1536x128xf32, #tpu.memory_space<vmem_shared>> -> memref<400x128xf32, #tpu.memory_space<vmem_shared>>
    tpu.wait_dma2 semaphore(%arg10 : memref<!tpu.dma_semaphore, #tpu.memory_space<semaphore_mem>>) src(%dma_wait3A_1852 : memref<400x128xf32, #tpu.memory_space<vmem_shared>>) dst(%dma_wait3A_1850 : memref<400x128xf32, #tpu.memory_space<hbm>>)
    %add3A_1853 = arith.constant 10 : i32
    %add3A_1854 = arith.addi %add3A, %add3A_1853 : i32
    %dma_wait3A_1855 = arith.constant 21 : i32
    %dma_wait3A_1856 = arith.constant 0 : i32
    %dma_wait3A_1857 = tpu.memref_slice %arg5[%dma_wait3A_1855, %dma_wait3A_1856] : memref<656x128xf32, #tpu.memory_space<vmem>> -> memref<624x128xf32, #tpu.memory_space<vmem>>
    %dma_wait3A_1858 = arith.constant 0 : i32
    %dma_wait3A_1859 = arith.constant 0 : i32
    %dma_wait3A_1860 = tpu.memref_slice %arg3[%add3A_1854, %dma_wait3A_1858, %dma_wait3A_1859] : memref<1024x1024x128xf32, #tpu.memory_space<hbm>> -> memref<1x624x128xf32, #tpu.memory_space<hbm>>
    %dma_wait3A_1861 = tpu.memref_squeeze %dma_wait3A_1860 : memref<1x624x128xf32, #tpu.memory_space<hbm>> -> memref<624x128xf32, #tpu.memory_space<hbm>>
    %dma_wait3A_1862 = arith.constant 0 : i32
    %dma_wait3A_1863 = arith.constant 0 : i32
    %dma_wait3A_1864 = tpu.memref_slice %arg3[%add3A_1854, %dma_wait3A_1862, %dma_wait3A_1863] : memref<1024x1024x128xf32, #tpu.memory_space<hbm>> -> memref<1x624x128xf32, #tpu.memory_space<hbm>>
    %dma_wait3A_1865 = tpu.memref_squeeze %dma_wait3A_1864 : memref<1x624x128xf32, #tpu.memory_space<hbm>> -> memref<624x128xf32, #tpu.memory_space<hbm>>
    %dma_wait3A_1866 = arith.constant 21 : i32
    %dma_wait3A_1867 = arith.constant 0 : i32
    %dma_wait3A_1868 = tpu.memref_slice %arg5[%dma_wait3A_1866, %dma_wait3A_1867] : memref<656x128xf32, #tpu.memory_space<vmem>> -> memref<624x128xf32, #tpu.memory_space<vmem>>
    tpu.wait_dma2 semaphore(%arg9 : memref<!tpu.dma_semaphore, #tpu.memory_space<semaphore_mem>>) src(%dma_wait3A_1868 : memref<624x128xf32, #tpu.memory_space<vmem>>) dst(%dma_wait3A_1865 : memref<624x128xf32, #tpu.memory_space<hbm>>)
    %sub3A_1869 = arith.subi %add3A, %mul3A_0 : i32
    %add3A_1870 = arith.constant 10 : i32
    %add3A_1871 = arith.addi %sub3A_1869, %add3A_1870 : i32
    %sub3A_1872 = arith.constant 511 : i32
    %sub3A_1873 = arith.subi %sub3A_1872, %add3A_1871 : i32
    %add3A_1874 = arith.constant 624 : i32
    %add3A_1875 = arith.addi %sub3A_1873, %add3A_1874 : i32
    %add3A_1876 = arith.constant 10 : i32
    %add3A_1877 = arith.addi %add3A, %add3A_1876 : i32
    %dma_wait3A_1878 = arith.constant 624 : i32
    %dma_wait3A_1879 = arith.constant 0 : i32
    %dma_wait3A_1880 = tpu.memref_slice %arg3[%add3A_1877, %dma_wait3A_1878, %dma_wait3A_1879] : memref<1024x1024x128xf32, #tpu.memory_space<hbm>> -> memref<1x400x128xf32, #tpu.memory_space<hbm>>
    %dma_wait3A_1881 = tpu.memref_squeeze %dma_wait3A_1880 : memref<1x400x128xf32, #tpu.memory_space<hbm>> -> memref<400x128xf32, #tpu.memory_space<hbm>>
    %dma_wait3A_1882 = arith.constant 0 : i32
    %dma_wait3A_1883 = tpu.memref_slice %arg7[%add3A_1875, %dma_wait3A_1882] : memref<1536x128xf32, #tpu.memory_space<vmem_shared>> -> memref<400x128xf32, #tpu.memory_space<vmem_shared>>
    tpu.wait_dma2 semaphore(%arg10 : memref<!tpu.dma_semaphore, #tpu.memory_space<semaphore_mem>>) src(%dma_wait3A_1883 : memref<400x128xf32, #tpu.memory_space<vmem_shared>>) dst(%dma_wait3A_1881 : memref<400x128xf32, #tpu.memory_space<hbm>>)
    %add3A_1884 = arith.constant 11 : i32
    %add3A_1885 = arith.addi %add3A, %add3A_1884 : i32
    %dma_wait3A_1886 = arith.constant 20 : i32
    %dma_wait3A_1887 = arith.constant 0 : i32
    %dma_wait3A_1888 = tpu.memref_slice %arg5[%dma_wait3A_1886, %dma_wait3A_1887] : memref<656x128xf32, #tpu.memory_space<vmem>> -> memref<624x128xf32, #tpu.memory_space<vmem>>
    %dma_wait3A_1889 = arith.constant 0 : i32
    %dma_wait3A_1890 = arith.constant 0 : i32
    %dma_wait3A_1891 = tpu.memref_slice %arg3[%add3A_1885, %dma_wait3A_1889, %dma_wait3A_1890] : memref<1024x1024x128xf32, #tpu.memory_space<hbm>> -> memref<1x624x128xf32, #tpu.memory_space<hbm>>
    %dma_wait3A_1892 = tpu.memref_squeeze %dma_wait3A_1891 : memref<1x624x128xf32, #tpu.memory_space<hbm>> -> memref<624x128xf32, #tpu.memory_space<hbm>>
    %dma_wait3A_1893 = arith.constant 0 : i32
    %dma_wait3A_1894 = arith.constant 0 : i32
    %dma_wait3A_1895 = tpu.memref_slice %arg3[%add3A_1885, %dma_wait3A_1893, %dma_wait3A_1894] : memref<1024x1024x128xf32, #tpu.memory_space<hbm>> -> memref<1x624x128xf32, #tpu.memory_space<hbm>>
    %dma_wait3A_1896 = tpu.memref_squeeze %dma_wait3A_1895 : memref<1x624x128xf32, #tpu.memory_space<hbm>> -> memref<624x128xf32, #tpu.memory_space<hbm>>
    %dma_wait3A_1897 = arith.constant 20 : i32
    %dma_wait3A_1898 = arith.constant 0 : i32
    %dma_wait3A_1899 = tpu.memref_slice %arg5[%dma_wait3A_1897, %dma_wait3A_1898] : memref<656x128xf32, #tpu.memory_space<vmem>> -> memref<624x128xf32, #tpu.memory_space<vmem>>
    tpu.wait_dma2 semaphore(%arg9 : memref<!tpu.dma_semaphore, #tpu.memory_space<semaphore_mem>>) src(%dma_wait3A_1899 : memref<624x128xf32, #tpu.memory_space<vmem>>) dst(%dma_wait3A_1896 : memref<624x128xf32, #tpu.memory_space<hbm>>)
    %sub3A_1900 = arith.subi %add3A, %mul3A_0 : i32
    %add3A_1901 = arith.constant 11 : i32
    %add3A_1902 = arith.addi %sub3A_1900, %add3A_1901 : i32
    %sub3A_1903 = arith.constant 511 : i32
    %sub3A_1904 = arith.subi %sub3A_1903, %add3A_1902 : i32
    %add3A_1905 = arith.constant 624 : i32
    %add3A_1906 = arith.addi %sub3A_1904, %add3A_1905 : i32
    %add3A_1907 = arith.constant 11 : i32
    %add3A_1908 = arith.addi %add3A, %add3A_1907 : i32
    %dma_wait3A_1909 = arith.constant 624 : i32
    %dma_wait3A_1910 = arith.constant 0 : i32
    %dma_wait3A_1911 = tpu.memref_slice %arg3[%add3A_1908, %dma_wait3A_1909, %dma_wait3A_1910] : memref<1024x1024x128xf32, #tpu.memory_space<hbm>> -> memref<1x400x128xf32, #tpu.memory_space<hbm>>
    %dma_wait3A_1912 = tpu.memref_squeeze %dma_wait3A_1911 : memref<1x400x128xf32, #tpu.memory_space<hbm>> -> memref<400x128xf32, #tpu.memory_space<hbm>>
    %dma_wait3A_1913 = arith.constant 0 : i32
    %dma_wait3A_1914 = tpu.memref_slice %arg7[%add3A_1906, %dma_wait3A_1913] : memref<1536x128xf32, #tpu.memory_space<vmem_shared>> -> memref<400x128xf32, #tpu.memory_space<vmem_shared>>
    tpu.wait_dma2 semaphore(%arg10 : memref<!tpu.dma_semaphore, #tpu.memory_space<semaphore_mem>>) src(%dma_wait3A_1914 : memref<400x128xf32, #tpu.memory_space<vmem_shared>>) dst(%dma_wait3A_1912 : memref<400x128xf32, #tpu.memory_space<hbm>>)
    %add3A_1915 = arith.constant 12 : i32
    %add3A_1916 = arith.addi %add3A, %add3A_1915 : i32
    %dma_wait3A_1917 = arith.constant 19 : i32
    %dma_wait3A_1918 = arith.constant 0 : i32
    %dma_wait3A_1919 = tpu.memref_slice %arg5[%dma_wait3A_1917, %dma_wait3A_1918] : memref<656x128xf32, #tpu.memory_space<vmem>> -> memref<624x128xf32, #tpu.memory_space<vmem>>
    %dma_wait3A_1920 = arith.constant 0 : i32
    %dma_wait3A_1921 = arith.constant 0 : i32
    %dma_wait3A_1922 = tpu.memref_slice %arg3[%add3A_1916, %dma_wait3A_1920, %dma_wait3A_1921] : memref<1024x1024x128xf32, #tpu.memory_space<hbm>> -> memref<1x624x128xf32, #tpu.memory_space<hbm>>
    %dma_wait3A_1923 = tpu.memref_squeeze %dma_wait3A_1922 : memref<1x624x128xf32, #tpu.memory_space<hbm>> -> memref<624x128xf32, #tpu.memory_space<hbm>>
    %dma_wait3A_1924 = arith.constant 0 : i32
    %dma_wait3A_1925 = arith.constant 0 : i32
    %dma_wait3A_1926 = tpu.memref_slice %arg3[%add3A_1916, %dma_wait3A_1924, %dma_wait3A_1925] : memref<1024x1024x128xf32, #tpu.memory_space<hbm>> -> memref<1x624x128xf32, #tpu.memory_space<hbm>>
    %dma_wait3A_1927 = tpu.memref_squeeze %dma_wait3A_1926 : memref<1x624x128xf32, #tpu.memory_space<hbm>> -> memref<624x128xf32, #tpu.memory_space<hbm>>
    %dma_wait3A_1928 = arith.constant 19 : i32
    %dma_wait3A_1929 = arith.constant 0 : i32
    %dma_wait3A_1930 = tpu.memref_slice %arg5[%dma_wait3A_1928, %dma_wait3A_1929] : memref<656x128xf32, #tpu.memory_space<vmem>> -> memref<624x128xf32, #tpu.memory_space<vmem>>
    tpu.wait_dma2 semaphore(%arg9 : memref<!tpu.dma_semaphore, #tpu.memory_space<semaphore_mem>>) src(%dma_wait3A_1930 : memref<624x128xf32, #tpu.memory_space<vmem>>) dst(%dma_wait3A_1927 : memref<624x128xf32, #tpu.memory_space<hbm>>)
    %sub3A_1931 = arith.subi %add3A, %mul3A_0 : i32
    %add3A_1932 = arith.constant 12 : i32
    %add3A_1933 = arith.addi %sub3A_1931, %add3A_1932 : i32
    %sub3A_1934 = arith.constant 511 : i32
    %sub3A_1935 = arith.subi %sub3A_1934, %add3A_1933 : i32
    %add3A_1936 = arith.constant 624 : i32
    %add3A_1937 = arith.addi %sub3A_1935, %add3A_1936 : i32
    %add3A_1938 = arith.constant 12 : i32
    %add3A_1939 = arith.addi %add3A, %add3A_1938 : i32
    %dma_wait3A_1940 = arith.constant 624 : i32
    %dma_wait3A_1941 = arith.constant 0 : i32
    %dma_wait3A_1942 = tpu.memref_slice %arg3[%add3A_1939, %dma_wait3A_1940, %dma_wait3A_1941] : memref<1024x1024x128xf32, #tpu.memory_space<hbm>> -> memref<1x400x128xf32, #tpu.memory_space<hbm>>
    %dma_wait3A_1943 = tpu.memref_squeeze %dma_wait3A_1942 : memref<1x400x128xf32, #tpu.memory_space<hbm>> -> memref<400x128xf32, #tpu.memory_space<hbm>>
    %dma_wait3A_1944 = arith.constant 0 : i32
    %dma_wait3A_1945 = tpu.memref_slice %arg7[%add3A_1937, %dma_wait3A_1944] : memref<1536x128xf32, #tpu.memory_space<vmem_shared>> -> memref<400x128xf32, #tpu.memory_space<vmem_shared>>
    tpu.wait_dma2 semaphore(%arg10 : memref<!tpu.dma_semaphore, #tpu.memory_space<semaphore_mem>>) src(%dma_wait3A_1945 : memref<400x128xf32, #tpu.memory_space<vmem_shared>>) dst(%dma_wait3A_1943 : memref<400x128xf32, #tpu.memory_space<hbm>>)
    %add3A_1946 = arith.constant 13 : i32
    %add3A_1947 = arith.addi %add3A, %add3A_1946 : i32
    %dma_wait3A_1948 = arith.constant 18 : i32
    %dma_wait3A_1949 = arith.constant 0 : i32
    %dma_wait3A_1950 = tpu.memref_slice %arg5[%dma_wait3A_1948, %dma_wait3A_1949] : memref<656x128xf32, #tpu.memory_space<vmem>> -> memref<624x128xf32, #tpu.memory_space<vmem>>
    %dma_wait3A_1951 = arith.constant 0 : i32
    %dma_wait3A_1952 = arith.constant 0 : i32
    %dma_wait3A_1953 = tpu.memref_slice %arg3[%add3A_1947, %dma_wait3A_1951, %dma_wait3A_1952] : memref<1024x1024x128xf32, #tpu.memory_space<hbm>> -> memref<1x624x128xf32, #tpu.memory_space<hbm>>
    %dma_wait3A_1954 = tpu.memref_squeeze %dma_wait3A_1953 : memref<1x624x128xf32, #tpu.memory_space<hbm>> -> memref<624x128xf32, #tpu.memory_space<hbm>>
    %dma_wait3A_1955 = arith.constant 0 : i32
    %dma_wait3A_1956 = arith.constant 0 : i32
    %dma_wait3A_1957 = tpu.memref_slice %arg3[%add3A_1947, %dma_wait3A_1955, %dma_wait3A_1956] : memref<1024x1024x128xf32, #tpu.memory_space<hbm>> -> memref<1x624x128xf32, #tpu.memory_space<hbm>>
    %dma_wait3A_1958 = tpu.memref_squeeze %dma_wait3A_1957 : memref<1x624x128xf32, #tpu.memory_space<hbm>> -> memref<624x128xf32, #tpu.memory_space<hbm>>
    %dma_wait3A_1959 = arith.constant 18 : i32
    %dma_wait3A_1960 = arith.constant 0 : i32
    %dma_wait3A_1961 = tpu.memref_slice %arg5[%dma_wait3A_1959, %dma_wait3A_1960] : memref<656x128xf32, #tpu.memory_space<vmem>> -> memref<624x128xf32, #tpu.memory_space<vmem>>
    tpu.wait_dma2 semaphore(%arg9 : memref<!tpu.dma_semaphore, #tpu.memory_space<semaphore_mem>>) src(%dma_wait3A_1961 : memref<624x128xf32, #tpu.memory_space<vmem>>) dst(%dma_wait3A_1958 : memref<624x128xf32, #tpu.memory_space<hbm>>)
    %sub3A_1962 = arith.subi %add3A, %mul3A_0 : i32
    %add3A_1963 = arith.constant 13 : i32
    %add3A_1964 = arith.addi %sub3A_1962, %add3A_1963 : i32
    %sub3A_1965 = arith.constant 511 : i32
    %sub3A_1966 = arith.subi %sub3A_1965, %add3A_1964 : i32
    %add3A_1967 = arith.constant 624 : i32
    %add3A_1968 = arith.addi %sub3A_1966, %add3A_1967 : i32
    %add3A_1969 = arith.constant 13 : i32
    %add3A_1970 = arith.addi %add3A, %add3A_1969 : i32
    %dma_wait3A_1971 = arith.constant 624 : i32
    %dma_wait3A_1972 = arith.constant 0 : i32
    %dma_wait3A_1973 = tpu.memref_slice %arg3[%add3A_1970, %dma_wait3A_1971, %dma_wait3A_1972] : memref<1024x1024x128xf32, #tpu.memory_space<hbm>> -> memref<1x400x128xf32, #tpu.memory_space<hbm>>
    %dma_wait3A_1974 = tpu.memref_squeeze %dma_wait3A_1973 : memref<1x400x128xf32, #tpu.memory_space<hbm>> -> memref<400x128xf32, #tpu.memory_space<hbm>>
    %dma_wait3A_1975 = arith.constant 0 : i32
    %dma_wait3A_1976 = tpu.memref_slice %arg7[%add3A_1968, %dma_wait3A_1975] : memref<1536x128xf32, #tpu.memory_space<vmem_shared>> -> memref<400x128xf32, #tpu.memory_space<vmem_shared>>
    tpu.wait_dma2 semaphore(%arg10 : memref<!tpu.dma_semaphore, #tpu.memory_space<semaphore_mem>>) src(%dma_wait3A_1976 : memref<400x128xf32, #tpu.memory_space<vmem_shared>>) dst(%dma_wait3A_1974 : memref<400x128xf32, #tpu.memory_space<hbm>>)
    %add3A_1977 = arith.constant 14 : i32
    %add3A_1978 = arith.addi %add3A, %add3A_1977 : i32
    %dma_wait3A_1979 = arith.constant 17 : i32
    %dma_wait3A_1980 = arith.constant 0 : i32
    %dma_wait3A_1981 = tpu.memref_slice %arg5[%dma_wait3A_1979, %dma_wait3A_1980] : memref<656x128xf32, #tpu.memory_space<vmem>> -> memref<624x128xf32, #tpu.memory_space<vmem>>
    %dma_wait3A_1982 = arith.constant 0 : i32
    %dma_wait3A_1983 = arith.constant 0 : i32
    %dma_wait3A_1984 = tpu.memref_slice %arg3[%add3A_1978, %dma_wait3A_1982, %dma_wait3A_1983] : memref<1024x1024x128xf32, #tpu.memory_space<hbm>> -> memref<1x624x128xf32, #tpu.memory_space<hbm>>
    %dma_wait3A_1985 = tpu.memref_squeeze %dma_wait3A_1984 : memref<1x624x128xf32, #tpu.memory_space<hbm>> -> memref<624x128xf32, #tpu.memory_space<hbm>>
    %dma_wait3A_1986 = arith.constant 0 : i32
    %dma_wait3A_1987 = arith.constant 0 : i32
    %dma_wait3A_1988 = tpu.memref_slice %arg3[%add3A_1978, %dma_wait3A_1986, %dma_wait3A_1987] : memref<1024x1024x128xf32, #tpu.memory_space<hbm>> -> memref<1x624x128xf32, #tpu.memory_space<hbm>>
    %dma_wait3A_1989 = tpu.memref_squeeze %dma_wait3A_1988 : memref<1x624x128xf32, #tpu.memory_space<hbm>> -> memref<624x128xf32, #tpu.memory_space<hbm>>
    %dma_wait3A_1990 = arith.constant 17 : i32
    %dma_wait3A_1991 = arith.constant 0 : i32
    %dma_wait3A_1992 = tpu.memref_slice %arg5[%dma_wait3A_1990, %dma_wait3A_1991] : memref<656x128xf32, #tpu.memory_space<vmem>> -> memref<624x128xf32, #tpu.memory_space<vmem>>
    tpu.wait_dma2 semaphore(%arg9 : memref<!tpu.dma_semaphore, #tpu.memory_space<semaphore_mem>>) src(%dma_wait3A_1992 : memref<624x128xf32, #tpu.memory_space<vmem>>) dst(%dma_wait3A_1989 : memref<624x128xf32, #tpu.memory_space<hbm>>)
    %sub3A_1993 = arith.subi %add3A, %mul3A_0 : i32
    %add3A_1994 = arith.constant 14 : i32
    %add3A_1995 = arith.addi %sub3A_1993, %add3A_1994 : i32
    %sub3A_1996 = arith.constant 511 : i32
    %sub3A_1997 = arith.subi %sub3A_1996, %add3A_1995 : i32
    %add3A_1998 = arith.constant 624 : i32
    %add3A_1999 = arith.addi %sub3A_1997, %add3A_1998 : i32
    %add3A_2000 = arith.constant 14 : i32
    %add3A_2001 = arith.addi %add3A, %add3A_2000 : i32
    %dma_wait3A_2002 = arith.constant 624 : i32
    %dma_wait3A_2003 = arith.constant 0 : i32
    %dma_wait3A_2004 = tpu.memref_slice %arg3[%add3A_2001, %dma_wait3A_2002, %dma_wait3A_2003] : memref<1024x1024x128xf32, #tpu.memory_space<hbm>> -> memref<1x400x128xf32, #tpu.memory_space<hbm>>
    %dma_wait3A_2005 = tpu.memref_squeeze %dma_wait3A_2004 : memref<1x400x128xf32, #tpu.memory_space<hbm>> -> memref<400x128xf32, #tpu.memory_space<hbm>>
    %dma_wait3A_2006 = arith.constant 0 : i32
    %dma_wait3A_2007 = tpu.memref_slice %arg7[%add3A_1999, %dma_wait3A_2006] : memref<1536x128xf32, #tpu.memory_space<vmem_shared>> -> memref<400x128xf32, #tpu.memory_space<vmem_shared>>
    tpu.wait_dma2 semaphore(%arg10 : memref<!tpu.dma_semaphore, #tpu.memory_space<semaphore_mem>>) src(%dma_wait3A_2007 : memref<400x128xf32, #tpu.memory_space<vmem_shared>>) dst(%dma_wait3A_2005 : memref<400x128xf32, #tpu.memory_space<hbm>>)
    %add3A_2008 = arith.constant 15 : i32
    %add3A_2009 = arith.addi %add3A, %add3A_2008 : i32
    %dma_wait3A_2010 = arith.constant 16 : i32
    %dma_wait3A_2011 = arith.constant 0 : i32
    %dma_wait3A_2012 = tpu.memref_slice %arg5[%dma_wait3A_2010, %dma_wait3A_2011] : memref<656x128xf32, #tpu.memory_space<vmem>> -> memref<624x128xf32, #tpu.memory_space<vmem>>
    %dma_wait3A_2013 = arith.constant 0 : i32
    %dma_wait3A_2014 = arith.constant 0 : i32
    %dma_wait3A_2015 = tpu.memref_slice %arg3[%add3A_2009, %dma_wait3A_2013, %dma_wait3A_2014] : memref<1024x1024x128xf32, #tpu.memory_space<hbm>> -> memref<1x624x128xf32, #tpu.memory_space<hbm>>
    %dma_wait3A_2016 = tpu.memref_squeeze %dma_wait3A_2015 : memref<1x624x128xf32, #tpu.memory_space<hbm>> -> memref<624x128xf32, #tpu.memory_space<hbm>>
    %dma_wait3A_2017 = arith.constant 0 : i32
    %dma_wait3A_2018 = arith.constant 0 : i32
    %dma_wait3A_2019 = tpu.memref_slice %arg3[%add3A_2009, %dma_wait3A_2017, %dma_wait3A_2018] : memref<1024x1024x128xf32, #tpu.memory_space<hbm>> -> memref<1x624x128xf32, #tpu.memory_space<hbm>>
    %dma_wait3A_2020 = tpu.memref_squeeze %dma_wait3A_2019 : memref<1x624x128xf32, #tpu.memory_space<hbm>> -> memref<624x128xf32, #tpu.memory_space<hbm>>
    %dma_wait3A_2021 = arith.constant 16 : i32
    %dma_wait3A_2022 = arith.constant 0 : i32
    %dma_wait3A_2023 = tpu.memref_slice %arg5[%dma_wait3A_2021, %dma_wait3A_2022] : memref<656x128xf32, #tpu.memory_space<vmem>> -> memref<624x128xf32, #tpu.memory_space<vmem>>
    tpu.wait_dma2 semaphore(%arg9 : memref<!tpu.dma_semaphore, #tpu.memory_space<semaphore_mem>>) src(%dma_wait3A_2023 : memref<624x128xf32, #tpu.memory_space<vmem>>) dst(%dma_wait3A_2020 : memref<624x128xf32, #tpu.memory_space<hbm>>)
    %sub3A_2024 = arith.subi %add3A, %mul3A_0 : i32
    %add3A_2025 = arith.constant 15 : i32
    %add3A_2026 = arith.addi %sub3A_2024, %add3A_2025 : i32
    %sub3A_2027 = arith.constant 511 : i32
    %sub3A_2028 = arith.subi %sub3A_2027, %add3A_2026 : i32
    %add3A_2029 = arith.constant 624 : i32
    %add3A_2030 = arith.addi %sub3A_2028, %add3A_2029 : i32
    %add3A_2031 = arith.constant 15 : i32
    %add3A_2032 = arith.addi %add3A, %add3A_2031 : i32
    %dma_wait3A_2033 = arith.constant 624 : i32
    %dma_wait3A_2034 = arith.constant 0 : i32
    %dma_wait3A_2035 = tpu.memref_slice %arg3[%add3A_2032, %dma_wait3A_2033, %dma_wait3A_2034] : memref<1024x1024x128xf32, #tpu.memory_space<hbm>> -> memref<1x400x128xf32, #tpu.memory_space<hbm>>
    %dma_wait3A_2036 = tpu.memref_squeeze %dma_wait3A_2035 : memref<1x400x128xf32, #tpu.memory_space<hbm>> -> memref<400x128xf32, #tpu.memory_space<hbm>>
    %dma_wait3A_2037 = arith.constant 0 : i32
    %dma_wait3A_2038 = tpu.memref_slice %arg7[%add3A_2030, %dma_wait3A_2037] : memref<1536x128xf32, #tpu.memory_space<vmem_shared>> -> memref<400x128xf32, #tpu.memory_space<vmem_shared>>
    tpu.wait_dma2 semaphore(%arg10 : memref<!tpu.dma_semaphore, #tpu.memory_space<semaphore_mem>>) src(%dma_wait3A_2038 : memref<400x128xf32, #tpu.memory_space<vmem_shared>>) dst(%dma_wait3A_2036 : memref<400x128xf32, #tpu.memory_space<hbm>>)
    %add3A_2039 = arith.constant 16 : i32
    %add3A_2040 = arith.addi %add3A, %add3A_2039 : i32
    %dma_wait3A_2041 = arith.constant 15 : i32
    %dma_wait3A_2042 = arith.constant 0 : i32
    %dma_wait3A_2043 = tpu.memref_slice %arg5[%dma_wait3A_2041, %dma_wait3A_2042] : memref<656x128xf32, #tpu.memory_space<vmem>> -> memref<624x128xf32, #tpu.memory_space<vmem>>
    %dma_wait3A_2044 = arith.constant 0 : i32
    %dma_wait3A_2045 = arith.constant 0 : i32
    %dma_wait3A_2046 = tpu.memref_slice %arg3[%add3A_2040, %dma_wait3A_2044, %dma_wait3A_2045] : memref<1024x1024x128xf32, #tpu.memory_space<hbm>> -> memref<1x624x128xf32, #tpu.memory_space<hbm>>
    %dma_wait3A_2047 = tpu.memref_squeeze %dma_wait3A_2046 : memref<1x624x128xf32, #tpu.memory_space<hbm>> -> memref<624x128xf32, #tpu.memory_space<hbm>>
    %dma_wait3A_2048 = arith.constant 0 : i32
    %dma_wait3A_2049 = arith.constant 0 : i32
    %dma_wait3A_2050 = tpu.memref_slice %arg3[%add3A_2040, %dma_wait3A_2048, %dma_wait3A_2049] : memref<1024x1024x128xf32, #tpu.memory_space<hbm>> -> memref<1x624x128xf32, #tpu.memory_space<hbm>>
    %dma_wait3A_2051 = tpu.memref_squeeze %dma_wait3A_2050 : memref<1x624x128xf32, #tpu.memory_space<hbm>> -> memref<624x128xf32, #tpu.memory_space<hbm>>
    %dma_wait3A_2052 = arith.constant 15 : i32
    %dma_wait3A_2053 = arith.constant 0 : i32
    %dma_wait3A_2054 = tpu.memref_slice %arg5[%dma_wait3A_2052, %dma_wait3A_2053] : memref<656x128xf32, #tpu.memory_space<vmem>> -> memref<624x128xf32, #tpu.memory_space<vmem>>
    tpu.wait_dma2 semaphore(%arg9 : memref<!tpu.dma_semaphore, #tpu.memory_space<semaphore_mem>>) src(%dma_wait3A_2054 : memref<624x128xf32, #tpu.memory_space<vmem>>) dst(%dma_wait3A_2051 : memref<624x128xf32, #tpu.memory_space<hbm>>)
    %sub3A_2055 = arith.subi %add3A, %mul3A_0 : i32
    %add3A_2056 = arith.constant 16 : i32
    %add3A_2057 = arith.addi %sub3A_2055, %add3A_2056 : i32
    %sub3A_2058 = arith.constant 511 : i32
    %sub3A_2059 = arith.subi %sub3A_2058, %add3A_2057 : i32
    %add3A_2060 = arith.constant 624 : i32
    %add3A_2061 = arith.addi %sub3A_2059, %add3A_2060 : i32
    %add3A_2062 = arith.constant 16 : i32
    %add3A_2063 = arith.addi %add3A, %add3A_2062 : i32
    %dma_wait3A_2064 = arith.constant 624 : i32
    %dma_wait3A_2065 = arith.constant 0 : i32
    %dma_wait3A_2066 = tpu.memref_slice %arg3[%add3A_2063, %dma_wait3A_2064, %dma_wait3A_2065] : memref<1024x1024x128xf32, #tpu.memory_space<hbm>> -> memref<1x400x128xf32, #tpu.memory_space<hbm>>
    %dma_wait3A_2067 = tpu.memref_squeeze %dma_wait3A_2066 : memref<1x400x128xf32, #tpu.memory_space<hbm>> -> memref<400x128xf32, #tpu.memory_space<hbm>>
    %dma_wait3A_2068 = arith.constant 0 : i32
    %dma_wait3A_2069 = tpu.memref_slice %arg7[%add3A_2061, %dma_wait3A_2068] : memref<1536x128xf32, #tpu.memory_space<vmem_shared>> -> memref<400x128xf32, #tpu.memory_space<vmem_shared>>
    tpu.wait_dma2 semaphore(%arg10 : memref<!tpu.dma_semaphore, #tpu.memory_space<semaphore_mem>>) src(%dma_wait3A_2069 : memref<400x128xf32, #tpu.memory_space<vmem_shared>>) dst(%dma_wait3A_2067 : memref<400x128xf32, #tpu.memory_space<hbm>>)
    %add3A_2070 = arith.constant 17 : i32
    %add3A_2071 = arith.addi %add3A, %add3A_2070 : i32
    %dma_wait3A_2072 = arith.constant 14 : i32
    %dma_wait3A_2073 = arith.constant 0 : i32
    %dma_wait3A_2074 = tpu.memref_slice %arg5[%dma_wait3A_2072, %dma_wait3A_2073] : memref<656x128xf32, #tpu.memory_space<vmem>> -> memref<624x128xf32, #tpu.memory_space<vmem>>
    %dma_wait3A_2075 = arith.constant 0 : i32
    %dma_wait3A_2076 = arith.constant 0 : i32
    %dma_wait3A_2077 = tpu.memref_slice %arg3[%add3A_2071, %dma_wait3A_2075, %dma_wait3A_2076] : memref<1024x1024x128xf32, #tpu.memory_space<hbm>> -> memref<1x624x128xf32, #tpu.memory_space<hbm>>
    %dma_wait3A_2078 = tpu.memref_squeeze %dma_wait3A_2077 : memref<1x624x128xf32, #tpu.memory_space<hbm>> -> memref<624x128xf32, #tpu.memory_space<hbm>>
    %dma_wait3A_2079 = arith.constant 0 : i32
    %dma_wait3A_2080 = arith.constant 0 : i32
    %dma_wait3A_2081 = tpu.memref_slice %arg3[%add3A_2071, %dma_wait3A_2079, %dma_wait3A_2080] : memref<1024x1024x128xf32, #tpu.memory_space<hbm>> -> memref<1x624x128xf32, #tpu.memory_space<hbm>>
    %dma_wait3A_2082 = tpu.memref_squeeze %dma_wait3A_2081 : memref<1x624x128xf32, #tpu.memory_space<hbm>> -> memref<624x128xf32, #tpu.memory_space<hbm>>
    %dma_wait3A_2083 = arith.constant 14 : i32
    %dma_wait3A_2084 = arith.constant 0 : i32
    %dma_wait3A_2085 = tpu.memref_slice %arg5[%dma_wait3A_2083, %dma_wait3A_2084] : memref<656x128xf32, #tpu.memory_space<vmem>> -> memref<624x128xf32, #tpu.memory_space<vmem>>
    tpu.wait_dma2 semaphore(%arg9 : memref<!tpu.dma_semaphore, #tpu.memory_space<semaphore_mem>>) src(%dma_wait3A_2085 : memref<624x128xf32, #tpu.memory_space<vmem>>) dst(%dma_wait3A_2082 : memref<624x128xf32, #tpu.memory_space<hbm>>)
    %sub3A_2086 = arith.subi %add3A, %mul3A_0 : i32
    %add3A_2087 = arith.constant 17 : i32
    %add3A_2088 = arith.addi %sub3A_2086, %add3A_2087 : i32
    %sub3A_2089 = arith.constant 511 : i32
    %sub3A_2090 = arith.subi %sub3A_2089, %add3A_2088 : i32
    %add3A_2091 = arith.constant 624 : i32
    %add3A_2092 = arith.addi %sub3A_2090, %add3A_2091 : i32
    %add3A_2093 = arith.constant 17 : i32
    %add3A_2094 = arith.addi %add3A, %add3A_2093 : i32
    %dma_wait3A_2095 = arith.constant 624 : i32
    %dma_wait3A_2096 = arith.constant 0 : i32
    %dma_wait3A_2097 = tpu.memref_slice %arg3[%add3A_2094, %dma_wait3A_2095, %dma_wait3A_2096] : memref<1024x1024x128xf32, #tpu.memory_space<hbm>> -> memref<1x400x128xf32, #tpu.memory_space<hbm>>
    %dma_wait3A_2098 = tpu.memref_squeeze %dma_wait3A_2097 : memref<1x400x128xf32, #tpu.memory_space<hbm>> -> memref<400x128xf32, #tpu.memory_space<hbm>>
    %dma_wait3A_2099 = arith.constant 0 : i32
    %dma_wait3A_2100 = tpu.memref_slice %arg7[%add3A_2092, %dma_wait3A_2099] : memref<1536x128xf32, #tpu.memory_space<vmem_shared>> -> memref<400x128xf32, #tpu.memory_space<vmem_shared>>
    tpu.wait_dma2 semaphore(%arg10 : memref<!tpu.dma_semaphore, #tpu.memory_space<semaphore_mem>>) src(%dma_wait3A_2100 : memref<400x128xf32, #tpu.memory_space<vmem_shared>>) dst(%dma_wait3A_2098 : memref<400x128xf32, #tpu.memory_space<hbm>>)
    %add3A_2101 = arith.constant 18 : i32
    %add3A_2102 = arith.addi %add3A, %add3A_2101 : i32
    %dma_wait3A_2103 = arith.constant 13 : i32
    %dma_wait3A_2104 = arith.constant 0 : i32
    %dma_wait3A_2105 = tpu.memref_slice %arg5[%dma_wait3A_2103, %dma_wait3A_2104] : memref<656x128xf32, #tpu.memory_space<vmem>> -> memref<624x128xf32, #tpu.memory_space<vmem>>
    %dma_wait3A_2106 = arith.constant 0 : i32
    %dma_wait3A_2107 = arith.constant 0 : i32
    %dma_wait3A_2108 = tpu.memref_slice %arg3[%add3A_2102, %dma_wait3A_2106, %dma_wait3A_2107] : memref<1024x1024x128xf32, #tpu.memory_space<hbm>> -> memref<1x624x128xf32, #tpu.memory_space<hbm>>
    %dma_wait3A_2109 = tpu.memref_squeeze %dma_wait3A_2108 : memref<1x624x128xf32, #tpu.memory_space<hbm>> -> memref<624x128xf32, #tpu.memory_space<hbm>>
    %dma_wait3A_2110 = arith.constant 0 : i32
    %dma_wait3A_2111 = arith.constant 0 : i32
    %dma_wait3A_2112 = tpu.memref_slice %arg3[%add3A_2102, %dma_wait3A_2110, %dma_wait3A_2111] : memref<1024x1024x128xf32, #tpu.memory_space<hbm>> -> memref<1x624x128xf32, #tpu.memory_space<hbm>>
    %dma_wait3A_2113 = tpu.memref_squeeze %dma_wait3A_2112 : memref<1x624x128xf32, #tpu.memory_space<hbm>> -> memref<624x128xf32, #tpu.memory_space<hbm>>
    %dma_wait3A_2114 = arith.constant 13 : i32
    %dma_wait3A_2115 = arith.constant 0 : i32
    %dma_wait3A_2116 = tpu.memref_slice %arg5[%dma_wait3A_2114, %dma_wait3A_2115] : memref<656x128xf32, #tpu.memory_space<vmem>> -> memref<624x128xf32, #tpu.memory_space<vmem>>
    tpu.wait_dma2 semaphore(%arg9 : memref<!tpu.dma_semaphore, #tpu.memory_space<semaphore_mem>>) src(%dma_wait3A_2116 : memref<624x128xf32, #tpu.memory_space<vmem>>) dst(%dma_wait3A_2113 : memref<624x128xf32, #tpu.memory_space<hbm>>)
    %sub3A_2117 = arith.subi %add3A, %mul3A_0 : i32
    %add3A_2118 = arith.constant 18 : i32
    %add3A_2119 = arith.addi %sub3A_2117, %add3A_2118 : i32
    %sub3A_2120 = arith.constant 511 : i32
    %sub3A_2121 = arith.subi %sub3A_2120, %add3A_2119 : i32
    %add3A_2122 = arith.constant 624 : i32
    %add3A_2123 = arith.addi %sub3A_2121, %add3A_2122 : i32
    %add3A_2124 = arith.constant 18 : i32
    %add3A_2125 = arith.addi %add3A, %add3A_2124 : i32
    %dma_wait3A_2126 = arith.constant 624 : i32
    %dma_wait3A_2127 = arith.constant 0 : i32
    %dma_wait3A_2128 = tpu.memref_slice %arg3[%add3A_2125, %dma_wait3A_2126, %dma_wait3A_2127] : memref<1024x1024x128xf32, #tpu.memory_space<hbm>> -> memref<1x400x128xf32, #tpu.memory_space<hbm>>
    %dma_wait3A_2129 = tpu.memref_squeeze %dma_wait3A_2128 : memref<1x400x128xf32, #tpu.memory_space<hbm>> -> memref<400x128xf32, #tpu.memory_space<hbm>>
    %dma_wait3A_2130 = arith.constant 0 : i32
    %dma_wait3A_2131 = tpu.memref_slice %arg7[%add3A_2123, %dma_wait3A_2130] : memref<1536x128xf32, #tpu.memory_space<vmem_shared>> -> memref<400x128xf32, #tpu.memory_space<vmem_shared>>
    tpu.wait_dma2 semaphore(%arg10 : memref<!tpu.dma_semaphore, #tpu.memory_space<semaphore_mem>>) src(%dma_wait3A_2131 : memref<400x128xf32, #tpu.memory_space<vmem_shared>>) dst(%dma_wait3A_2129 : memref<400x128xf32, #tpu.memory_space<hbm>>)
    %add3A_2132 = arith.constant 19 : i32
    %add3A_2133 = arith.addi %add3A, %add3A_2132 : i32
    %dma_wait3A_2134 = arith.constant 12 : i32
    %dma_wait3A_2135 = arith.constant 0 : i32
    %dma_wait3A_2136 = tpu.memref_slice %arg5[%dma_wait3A_2134, %dma_wait3A_2135] : memref<656x128xf32, #tpu.memory_space<vmem>> -> memref<624x128xf32, #tpu.memory_space<vmem>>
    %dma_wait3A_2137 = arith.constant 0 : i32
    %dma_wait3A_2138 = arith.constant 0 : i32
    %dma_wait3A_2139 = tpu.memref_slice %arg3[%add3A_2133, %dma_wait3A_2137, %dma_wait3A_2138] : memref<1024x1024x128xf32, #tpu.memory_space<hbm>> -> memref<1x624x128xf32, #tpu.memory_space<hbm>>
    %dma_wait3A_2140 = tpu.memref_squeeze %dma_wait3A_2139 : memref<1x624x128xf32, #tpu.memory_space<hbm>> -> memref<624x128xf32, #tpu.memory_space<hbm>>
    %dma_wait3A_2141 = arith.constant 0 : i32
    %dma_wait3A_2142 = arith.constant 0 : i32
    %dma_wait3A_2143 = tpu.memref_slice %arg3[%add3A_2133, %dma_wait3A_2141, %dma_wait3A_2142] : memref<1024x1024x128xf32, #tpu.memory_space<hbm>> -> memref<1x624x128xf32, #tpu.memory_space<hbm>>
    %dma_wait3A_2144 = tpu.memref_squeeze %dma_wait3A_2143 : memref<1x624x128xf32, #tpu.memory_space<hbm>> -> memref<624x128xf32, #tpu.memory_space<hbm>>
    %dma_wait3A_2145 = arith.constant 12 : i32
    %dma_wait3A_2146 = arith.constant 0 : i32
    %dma_wait3A_2147 = tpu.memref_slice %arg5[%dma_wait3A_2145, %dma_wait3A_2146] : memref<656x128xf32, #tpu.memory_space<vmem>> -> memref<624x128xf32, #tpu.memory_space<vmem>>
    tpu.wait_dma2 semaphore(%arg9 : memref<!tpu.dma_semaphore, #tpu.memory_space<semaphore_mem>>) src(%dma_wait3A_2147 : memref<624x128xf32, #tpu.memory_space<vmem>>) dst(%dma_wait3A_2144 : memref<624x128xf32, #tpu.memory_space<hbm>>)
    %sub3A_2148 = arith.subi %add3A, %mul3A_0 : i32
    %add3A_2149 = arith.constant 19 : i32
    %add3A_2150 = arith.addi %sub3A_2148, %add3A_2149 : i32
    %sub3A_2151 = arith.constant 511 : i32
    %sub3A_2152 = arith.subi %sub3A_2151, %add3A_2150 : i32
    %add3A_2153 = arith.constant 624 : i32
    %add3A_2154 = arith.addi %sub3A_2152, %add3A_2153 : i32
    %add3A_2155 = arith.constant 19 : i32
    %add3A_2156 = arith.addi %add3A, %add3A_2155 : i32
    %dma_wait3A_2157 = arith.constant 624 : i32
    %dma_wait3A_2158 = arith.constant 0 : i32
    %dma_wait3A_2159 = tpu.memref_slice %arg3[%add3A_2156, %dma_wait3A_2157, %dma_wait3A_2158] : memref<1024x1024x128xf32, #tpu.memory_space<hbm>> -> memref<1x400x128xf32, #tpu.memory_space<hbm>>
    %dma_wait3A_2160 = tpu.memref_squeeze %dma_wait3A_2159 : memref<1x400x128xf32, #tpu.memory_space<hbm>> -> memref<400x128xf32, #tpu.memory_space<hbm>>
    %dma_wait3A_2161 = arith.constant 0 : i32
    %dma_wait3A_2162 = tpu.memref_slice %arg7[%add3A_2154, %dma_wait3A_2161] : memref<1536x128xf32, #tpu.memory_space<vmem_shared>> -> memref<400x128xf32, #tpu.memory_space<vmem_shared>>
    tpu.wait_dma2 semaphore(%arg10 : memref<!tpu.dma_semaphore, #tpu.memory_space<semaphore_mem>>) src(%dma_wait3A_2162 : memref<400x128xf32, #tpu.memory_space<vmem_shared>>) dst(%dma_wait3A_2160 : memref<400x128xf32, #tpu.memory_space<hbm>>)
    %add3A_2163 = arith.constant 20 : i32
    %add3A_2164 = arith.addi %add3A, %add3A_2163 : i32
    %dma_wait3A_2165 = arith.constant 11 : i32
    %dma_wait3A_2166 = arith.constant 0 : i32
    %dma_wait3A_2167 = tpu.memref_slice %arg5[%dma_wait3A_2165, %dma_wait3A_2166] : memref<656x128xf32, #tpu.memory_space<vmem>> -> memref<624x128xf32, #tpu.memory_space<vmem>>
    %dma_wait3A_2168 = arith.constant 0 : i32
    %dma_wait3A_2169 = arith.constant 0 : i32
    %dma_wait3A_2170 = tpu.memref_slice %arg3[%add3A_2164, %dma_wait3A_2168, %dma_wait3A_2169] : memref<1024x1024x128xf32, #tpu.memory_space<hbm>> -> memref<1x624x128xf32, #tpu.memory_space<hbm>>
    %dma_wait3A_2171 = tpu.memref_squeeze %dma_wait3A_2170 : memref<1x624x128xf32, #tpu.memory_space<hbm>> -> memref<624x128xf32, #tpu.memory_space<hbm>>
    %dma_wait3A_2172 = arith.constant 0 : i32
    %dma_wait3A_2173 = arith.constant 0 : i32
    %dma_wait3A_2174 = tpu.memref_slice %arg3[%add3A_2164, %dma_wait3A_2172, %dma_wait3A_2173] : memref<1024x1024x128xf32, #tpu.memory_space<hbm>> -> memref<1x624x128xf32, #tpu.memory_space<hbm>>
    %dma_wait3A_2175 = tpu.memref_squeeze %dma_wait3A_2174 : memref<1x624x128xf32, #tpu.memory_space<hbm>> -> memref<624x128xf32, #tpu.memory_space<hbm>>
    %dma_wait3A_2176 = arith.constant 11 : i32
    %dma_wait3A_2177 = arith.constant 0 : i32
    %dma_wait3A_2178 = tpu.memref_slice %arg5[%dma_wait3A_2176, %dma_wait3A_2177] : memref<656x128xf32, #tpu.memory_space<vmem>> -> memref<624x128xf32, #tpu.memory_space<vmem>>
    tpu.wait_dma2 semaphore(%arg9 : memref<!tpu.dma_semaphore, #tpu.memory_space<semaphore_mem>>) src(%dma_wait3A_2178 : memref<624x128xf32, #tpu.memory_space<vmem>>) dst(%dma_wait3A_2175 : memref<624x128xf32, #tpu.memory_space<hbm>>)
    %sub3A_2179 = arith.subi %add3A, %mul3A_0 : i32
    %add3A_2180 = arith.constant 20 : i32
    %add3A_2181 = arith.addi %sub3A_2179, %add3A_2180 : i32
    %sub3A_2182 = arith.constant 511 : i32
    %sub3A_2183 = arith.subi %sub3A_2182, %add3A_2181 : i32
    %add3A_2184 = arith.constant 624 : i32
    %add3A_2185 = arith.addi %sub3A_2183, %add3A_2184 : i32
    %add3A_2186 = arith.constant 20 : i32
    %add3A_2187 = arith.addi %add3A, %add3A_2186 : i32
    %dma_wait3A_2188 = arith.constant 624 : i32
    %dma_wait3A_2189 = arith.constant 0 : i32
    %dma_wait3A_2190 = tpu.memref_slice %arg3[%add3A_2187, %dma_wait3A_2188, %dma_wait3A_2189] : memref<1024x1024x128xf32, #tpu.memory_space<hbm>> -> memref<1x400x128xf32, #tpu.memory_space<hbm>>
    %dma_wait3A_2191 = tpu.memref_squeeze %dma_wait3A_2190 : memref<1x400x128xf32, #tpu.memory_space<hbm>> -> memref<400x128xf32, #tpu.memory_space<hbm>>
    %dma_wait3A_2192 = arith.constant 0 : i32
    %dma_wait3A_2193 = tpu.memref_slice %arg7[%add3A_2185, %dma_wait3A_2192] : memref<1536x128xf32, #tpu.memory_space<vmem_shared>> -> memref<400x128xf32, #tpu.memory_space<vmem_shared>>
    tpu.wait_dma2 semaphore(%arg10 : memref<!tpu.dma_semaphore, #tpu.memory_space<semaphore_mem>>) src(%dma_wait3A_2193 : memref<400x128xf32, #tpu.memory_space<vmem_shared>>) dst(%dma_wait3A_2191 : memref<400x128xf32, #tpu.memory_space<hbm>>)
    %add3A_2194 = arith.constant 21 : i32
    %add3A_2195 = arith.addi %add3A, %add3A_2194 : i32
    %dma_wait3A_2196 = arith.constant 10 : i32
    %dma_wait3A_2197 = arith.constant 0 : i32
    %dma_wait3A_2198 = tpu.memref_slice %arg5[%dma_wait3A_2196, %dma_wait3A_2197] : memref<656x128xf32, #tpu.memory_space<vmem>> -> memref<624x128xf32, #tpu.memory_space<vmem>>
    %dma_wait3A_2199 = arith.constant 0 : i32
    %dma_wait3A_2200 = arith.constant 0 : i32
    %dma_wait3A_2201 = tpu.memref_slice %arg3[%add3A_2195, %dma_wait3A_2199, %dma_wait3A_2200] : memref<1024x1024x128xf32, #tpu.memory_space<hbm>> -> memref<1x624x128xf32, #tpu.memory_space<hbm>>
    %dma_wait3A_2202 = tpu.memref_squeeze %dma_wait3A_2201 : memref<1x624x128xf32, #tpu.memory_space<hbm>> -> memref<624x128xf32, #tpu.memory_space<hbm>>
    %dma_wait3A_2203 = arith.constant 0 : i32
    %dma_wait3A_2204 = arith.constant 0 : i32
    %dma_wait3A_2205 = tpu.memref_slice %arg3[%add3A_2195, %dma_wait3A_2203, %dma_wait3A_2204] : memref<1024x1024x128xf32, #tpu.memory_space<hbm>> -> memref<1x624x128xf32, #tpu.memory_space<hbm>>
    %dma_wait3A_2206 = tpu.memref_squeeze %dma_wait3A_2205 : memref<1x624x128xf32, #tpu.memory_space<hbm>> -> memref<624x128xf32, #tpu.memory_space<hbm>>
    %dma_wait3A_2207 = arith.constant 10 : i32
    %dma_wait3A_2208 = arith.constant 0 : i32
    %dma_wait3A_2209 = tpu.memref_slice %arg5[%dma_wait3A_2207, %dma_wait3A_2208] : memref<656x128xf32, #tpu.memory_space<vmem>> -> memref<624x128xf32, #tpu.memory_space<vmem>>
    tpu.wait_dma2 semaphore(%arg9 : memref<!tpu.dma_semaphore, #tpu.memory_space<semaphore_mem>>) src(%dma_wait3A_2209 : memref<624x128xf32, #tpu.memory_space<vmem>>) dst(%dma_wait3A_2206 : memref<624x128xf32, #tpu.memory_space<hbm>>)
    %sub3A_2210 = arith.subi %add3A, %mul3A_0 : i32
    %add3A_2211 = arith.constant 21 : i32
    %add3A_2212 = arith.addi %sub3A_2210, %add3A_2211 : i32
    %sub3A_2213 = arith.constant 511 : i32
    %sub3A_2214 = arith.subi %sub3A_2213, %add3A_2212 : i32
    %add3A_2215 = arith.constant 624 : i32
    %add3A_2216 = arith.addi %sub3A_2214, %add3A_2215 : i32
    %add3A_2217 = arith.constant 21 : i32
    %add3A_2218 = arith.addi %add3A, %add3A_2217 : i32
    %dma_wait3A_2219 = arith.constant 624 : i32
    %dma_wait3A_2220 = arith.constant 0 : i32
    %dma_wait3A_2221 = tpu.memref_slice %arg3[%add3A_2218, %dma_wait3A_2219, %dma_wait3A_2220] : memref<1024x1024x128xf32, #tpu.memory_space<hbm>> -> memref<1x400x128xf32, #tpu.memory_space<hbm>>
    %dma_wait3A_2222 = tpu.memref_squeeze %dma_wait3A_2221 : memref<1x400x128xf32, #tpu.memory_space<hbm>> -> memref<400x128xf32, #tpu.memory_space<hbm>>
    %dma_wait3A_2223 = arith.constant 0 : i32
    %dma_wait3A_2224 = tpu.memref_slice %arg7[%add3A_2216, %dma_wait3A_2223] : memref<1536x128xf32, #tpu.memory_space<vmem_shared>> -> memref<400x128xf32, #tpu.memory_space<vmem_shared>>
    tpu.wait_dma2 semaphore(%arg10 : memref<!tpu.dma_semaphore, #tpu.memory_space<semaphore_mem>>) src(%dma_wait3A_2224 : memref<400x128xf32, #tpu.memory_space<vmem_shared>>) dst(%dma_wait3A_2222 : memref<400x128xf32, #tpu.memory_space<hbm>>)
    %add3A_2225 = arith.constant 22 : i32
    %add3A_2226 = arith.addi %add3A, %add3A_2225 : i32
    %dma_wait3A_2227 = arith.constant 9 : i32
    %dma_wait3A_2228 = arith.constant 0 : i32
    %dma_wait3A_2229 = tpu.memref_slice %arg5[%dma_wait3A_2227, %dma_wait3A_2228] : memref<656x128xf32, #tpu.memory_space<vmem>> -> memref<624x128xf32, #tpu.memory_space<vmem>>
    %dma_wait3A_2230 = arith.constant 0 : i32
    %dma_wait3A_2231 = arith.constant 0 : i32
    %dma_wait3A_2232 = tpu.memref_slice %arg3[%add3A_2226, %dma_wait3A_2230, %dma_wait3A_2231] : memref<1024x1024x128xf32, #tpu.memory_space<hbm>> -> memref<1x624x128xf32, #tpu.memory_space<hbm>>
    %dma_wait3A_2233 = tpu.memref_squeeze %dma_wait3A_2232 : memref<1x624x128xf32, #tpu.memory_space<hbm>> -> memref<624x128xf32, #tpu.memory_space<hbm>>
    %dma_wait3A_2234 = arith.constant 0 : i32
    %dma_wait3A_2235 = arith.constant 0 : i32
    %dma_wait3A_2236 = tpu.memref_slice %arg3[%add3A_2226, %dma_wait3A_2234, %dma_wait3A_2235] : memref<1024x1024x128xf32, #tpu.memory_space<hbm>> -> memref<1x624x128xf32, #tpu.memory_space<hbm>>
    %dma_wait3A_2237 = tpu.memref_squeeze %dma_wait3A_2236 : memref<1x624x128xf32, #tpu.memory_space<hbm>> -> memref<624x128xf32, #tpu.memory_space<hbm>>
    %dma_wait3A_2238 = arith.constant 9 : i32
    %dma_wait3A_2239 = arith.constant 0 : i32
    %dma_wait3A_2240 = tpu.memref_slice %arg5[%dma_wait3A_2238, %dma_wait3A_2239] : memref<656x128xf32, #tpu.memory_space<vmem>> -> memref<624x128xf32, #tpu.memory_space<vmem>>
    tpu.wait_dma2 semaphore(%arg9 : memref<!tpu.dma_semaphore, #tpu.memory_space<semaphore_mem>>) src(%dma_wait3A_2240 : memref<624x128xf32, #tpu.memory_space<vmem>>) dst(%dma_wait3A_2237 : memref<624x128xf32, #tpu.memory_space<hbm>>)
    %sub3A_2241 = arith.subi %add3A, %mul3A_0 : i32
    %add3A_2242 = arith.constant 22 : i32
    %add3A_2243 = arith.addi %sub3A_2241, %add3A_2242 : i32
    %sub3A_2244 = arith.constant 511 : i32
    %sub3A_2245 = arith.subi %sub3A_2244, %add3A_2243 : i32
    %add3A_2246 = arith.constant 624 : i32
    %add3A_2247 = arith.addi %sub3A_2245, %add3A_2246 : i32
    %add3A_2248 = arith.constant 22 : i32
    %add3A_2249 = arith.addi %add3A, %add3A_2248 : i32
    %dma_wait3A_2250 = arith.constant 624 : i32
    %dma_wait3A_2251 = arith.constant 0 : i32
    %dma_wait3A_2252 = tpu.memref_slice %arg3[%add3A_2249, %dma_wait3A_2250, %dma_wait3A_2251] : memref<1024x1024x128xf32, #tpu.memory_space<hbm>> -> memref<1x400x128xf32, #tpu.memory_space<hbm>>
    %dma_wait3A_2253 = tpu.memref_squeeze %dma_wait3A_2252 : memref<1x400x128xf32, #tpu.memory_space<hbm>> -> memref<400x128xf32, #tpu.memory_space<hbm>>
    %dma_wait3A_2254 = arith.constant 0 : i32
    %dma_wait3A_2255 = tpu.memref_slice %arg7[%add3A_2247, %dma_wait3A_2254] : memref<1536x128xf32, #tpu.memory_space<vmem_shared>> -> memref<400x128xf32, #tpu.memory_space<vmem_shared>>
    tpu.wait_dma2 semaphore(%arg10 : memref<!tpu.dma_semaphore, #tpu.memory_space<semaphore_mem>>) src(%dma_wait3A_2255 : memref<400x128xf32, #tpu.memory_space<vmem_shared>>) dst(%dma_wait3A_2253 : memref<400x128xf32, #tpu.memory_space<hbm>>)
    %add3A_2256 = arith.constant 23 : i32
    %add3A_2257 = arith.addi %add3A, %add3A_2256 : i32
    %dma_wait3A_2258 = arith.constant 8 : i32
    %dma_wait3A_2259 = arith.constant 0 : i32
    %dma_wait3A_2260 = tpu.memref_slice %arg5[%dma_wait3A_2258, %dma_wait3A_2259] : memref<656x128xf32, #tpu.memory_space<vmem>> -> memref<624x128xf32, #tpu.memory_space<vmem>>
    %dma_wait3A_2261 = arith.constant 0 : i32
    %dma_wait3A_2262 = arith.constant 0 : i32
    %dma_wait3A_2263 = tpu.memref_slice %arg3[%add3A_2257, %dma_wait3A_2261, %dma_wait3A_2262] : memref<1024x1024x128xf32, #tpu.memory_space<hbm>> -> memref<1x624x128xf32, #tpu.memory_space<hbm>>
    %dma_wait3A_2264 = tpu.memref_squeeze %dma_wait3A_2263 : memref<1x624x128xf32, #tpu.memory_space<hbm>> -> memref<624x128xf32, #tpu.memory_space<hbm>>
    %dma_wait3A_2265 = arith.constant 0 : i32
    %dma_wait3A_2266 = arith.constant 0 : i32
    %dma_wait3A_2267 = tpu.memref_slice %arg3[%add3A_2257, %dma_wait3A_2265, %dma_wait3A_2266] : memref<1024x1024x128xf32, #tpu.memory_space<hbm>> -> memref<1x624x128xf32, #tpu.memory_space<hbm>>
    %dma_wait3A_2268 = tpu.memref_squeeze %dma_wait3A_2267 : memref<1x624x128xf32, #tpu.memory_space<hbm>> -> memref<624x128xf32, #tpu.memory_space<hbm>>
    %dma_wait3A_2269 = arith.constant 8 : i32
    %dma_wait3A_2270 = arith.constant 0 : i32
    %dma_wait3A_2271 = tpu.memref_slice %arg5[%dma_wait3A_2269, %dma_wait3A_2270] : memref<656x128xf32, #tpu.memory_space<vmem>> -> memref<624x128xf32, #tpu.memory_space<vmem>>
    tpu.wait_dma2 semaphore(%arg9 : memref<!tpu.dma_semaphore, #tpu.memory_space<semaphore_mem>>) src(%dma_wait3A_2271 : memref<624x128xf32, #tpu.memory_space<vmem>>) dst(%dma_wait3A_2268 : memref<624x128xf32, #tpu.memory_space<hbm>>)
    %sub3A_2272 = arith.subi %add3A, %mul3A_0 : i32
    %add3A_2273 = arith.constant 23 : i32
    %add3A_2274 = arith.addi %sub3A_2272, %add3A_2273 : i32
    %sub3A_2275 = arith.constant 511 : i32
    %sub3A_2276 = arith.subi %sub3A_2275, %add3A_2274 : i32
    %add3A_2277 = arith.constant 624 : i32
    %add3A_2278 = arith.addi %sub3A_2276, %add3A_2277 : i32
    %add3A_2279 = arith.constant 23 : i32
    %add3A_2280 = arith.addi %add3A, %add3A_2279 : i32
    %dma_wait3A_2281 = arith.constant 624 : i32
    %dma_wait3A_2282 = arith.constant 0 : i32
    %dma_wait3A_2283 = tpu.memref_slice %arg3[%add3A_2280, %dma_wait3A_2281, %dma_wait3A_2282] : memref<1024x1024x128xf32, #tpu.memory_space<hbm>> -> memref<1x400x128xf32, #tpu.memory_space<hbm>>
    %dma_wait3A_2284 = tpu.memref_squeeze %dma_wait3A_2283 : memref<1x400x128xf32, #tpu.memory_space<hbm>> -> memref<400x128xf32, #tpu.memory_space<hbm>>
    %dma_wait3A_2285 = arith.constant 0 : i32
    %dma_wait3A_2286 = tpu.memref_slice %arg7[%add3A_2278, %dma_wait3A_2285] : memref<1536x128xf32, #tpu.memory_space<vmem_shared>> -> memref<400x128xf32, #tpu.memory_space<vmem_shared>>
    tpu.wait_dma2 semaphore(%arg10 : memref<!tpu.dma_semaphore, #tpu.memory_space<semaphore_mem>>) src(%dma_wait3A_2286 : memref<400x128xf32, #tpu.memory_space<vmem_shared>>) dst(%dma_wait3A_2284 : memref<400x128xf32, #tpu.memory_space<hbm>>)
    %add3A_2287 = arith.constant 24 : i32
    %add3A_2288 = arith.addi %add3A, %add3A_2287 : i32
    %dma_wait3A_2289 = arith.constant 7 : i32
    %dma_wait3A_2290 = arith.constant 0 : i32
    %dma_wait3A_2291 = tpu.memref_slice %arg5[%dma_wait3A_2289, %dma_wait3A_2290] : memref<656x128xf32, #tpu.memory_space<vmem>> -> memref<624x128xf32, #tpu.memory_space<vmem>>
    %dma_wait3A_2292 = arith.constant 0 : i32
    %dma_wait3A_2293 = arith.constant 0 : i32
    %dma_wait3A_2294 = tpu.memref_slice %arg3[%add3A_2288, %dma_wait3A_2292, %dma_wait3A_2293] : memref<1024x1024x128xf32, #tpu.memory_space<hbm>> -> memref<1x624x128xf32, #tpu.memory_space<hbm>>
    %dma_wait3A_2295 = tpu.memref_squeeze %dma_wait3A_2294 : memref<1x624x128xf32, #tpu.memory_space<hbm>> -> memref<624x128xf32, #tpu.memory_space<hbm>>
    %dma_wait3A_2296 = arith.constant 0 : i32
    %dma_wait3A_2297 = arith.constant 0 : i32
    %dma_wait3A_2298 = tpu.memref_slice %arg3[%add3A_2288, %dma_wait3A_2296, %dma_wait3A_2297] : memref<1024x1024x128xf32, #tpu.memory_space<hbm>> -> memref<1x624x128xf32, #tpu.memory_space<hbm>>
    %dma_wait3A_2299 = tpu.memref_squeeze %dma_wait3A_2298 : memref<1x624x128xf32, #tpu.memory_space<hbm>> -> memref<624x128xf32, #tpu.memory_space<hbm>>
    %dma_wait3A_2300 = arith.constant 7 : i32
    %dma_wait3A_2301 = arith.constant 0 : i32
    %dma_wait3A_2302 = tpu.memref_slice %arg5[%dma_wait3A_2300, %dma_wait3A_2301] : memref<656x128xf32, #tpu.memory_space<vmem>> -> memref<624x128xf32, #tpu.memory_space<vmem>>
    tpu.wait_dma2 semaphore(%arg9 : memref<!tpu.dma_semaphore, #tpu.memory_space<semaphore_mem>>) src(%dma_wait3A_2302 : memref<624x128xf32, #tpu.memory_space<vmem>>) dst(%dma_wait3A_2299 : memref<624x128xf32, #tpu.memory_space<hbm>>)
    %sub3A_2303 = arith.subi %add3A, %mul3A_0 : i32
    %add3A_2304 = arith.constant 24 : i32
    %add3A_2305 = arith.addi %sub3A_2303, %add3A_2304 : i32
    %sub3A_2306 = arith.constant 511 : i32
    %sub3A_2307 = arith.subi %sub3A_2306, %add3A_2305 : i32
    %add3A_2308 = arith.constant 624 : i32
    %add3A_2309 = arith.addi %sub3A_2307, %add3A_2308 : i32
    %add3A_2310 = arith.constant 24 : i32
    %add3A_2311 = arith.addi %add3A, %add3A_2310 : i32
    %dma_wait3A_2312 = arith.constant 624 : i32
    %dma_wait3A_2313 = arith.constant 0 : i32
    %dma_wait3A_2314 = tpu.memref_slice %arg3[%add3A_2311, %dma_wait3A_2312, %dma_wait3A_2313] : memref<1024x1024x128xf32, #tpu.memory_space<hbm>> -> memref<1x400x128xf32, #tpu.memory_space<hbm>>
    %dma_wait3A_2315 = tpu.memref_squeeze %dma_wait3A_2314 : memref<1x400x128xf32, #tpu.memory_space<hbm>> -> memref<400x128xf32, #tpu.memory_space<hbm>>
    %dma_wait3A_2316 = arith.constant 0 : i32
    %dma_wait3A_2317 = tpu.memref_slice %arg7[%add3A_2309, %dma_wait3A_2316] : memref<1536x128xf32, #tpu.memory_space<vmem_shared>> -> memref<400x128xf32, #tpu.memory_space<vmem_shared>>
    tpu.wait_dma2 semaphore(%arg10 : memref<!tpu.dma_semaphore, #tpu.memory_space<semaphore_mem>>) src(%dma_wait3A_2317 : memref<400x128xf32, #tpu.memory_space<vmem_shared>>) dst(%dma_wait3A_2315 : memref<400x128xf32, #tpu.memory_space<hbm>>)
    %add3A_2318 = arith.constant 25 : i32
    %add3A_2319 = arith.addi %add3A, %add3A_2318 : i32
    %dma_wait3A_2320 = arith.constant 6 : i32
    %dma_wait3A_2321 = arith.constant 0 : i32
    %dma_wait3A_2322 = tpu.memref_slice %arg5[%dma_wait3A_2320, %dma_wait3A_2321] : memref<656x128xf32, #tpu.memory_space<vmem>> -> memref<624x128xf32, #tpu.memory_space<vmem>>
    %dma_wait3A_2323 = arith.constant 0 : i32
    %dma_wait3A_2324 = arith.constant 0 : i32
    %dma_wait3A_2325 = tpu.memref_slice %arg3[%add3A_2319, %dma_wait3A_2323, %dma_wait3A_2324] : memref<1024x1024x128xf32, #tpu.memory_space<hbm>> -> memref<1x624x128xf32, #tpu.memory_space<hbm>>
    %dma_wait3A_2326 = tpu.memref_squeeze %dma_wait3A_2325 : memref<1x624x128xf32, #tpu.memory_space<hbm>> -> memref<624x128xf32, #tpu.memory_space<hbm>>
    %dma_wait3A_2327 = arith.constant 0 : i32
    %dma_wait3A_2328 = arith.constant 0 : i32
    %dma_wait3A_2329 = tpu.memref_slice %arg3[%add3A_2319, %dma_wait3A_2327, %dma_wait3A_2328] : memref<1024x1024x128xf32, #tpu.memory_space<hbm>> -> memref<1x624x128xf32, #tpu.memory_space<hbm>>
    %dma_wait3A_2330 = tpu.memref_squeeze %dma_wait3A_2329 : memref<1x624x128xf32, #tpu.memory_space<hbm>> -> memref<624x128xf32, #tpu.memory_space<hbm>>
    %dma_wait3A_2331 = arith.constant 6 : i32
    %dma_wait3A_2332 = arith.constant 0 : i32
    %dma_wait3A_2333 = tpu.memref_slice %arg5[%dma_wait3A_2331, %dma_wait3A_2332] : memref<656x128xf32, #tpu.memory_space<vmem>> -> memref<624x128xf32, #tpu.memory_space<vmem>>
    tpu.wait_dma2 semaphore(%arg9 : memref<!tpu.dma_semaphore, #tpu.memory_space<semaphore_mem>>) src(%dma_wait3A_2333 : memref<624x128xf32, #tpu.memory_space<vmem>>) dst(%dma_wait3A_2330 : memref<624x128xf32, #tpu.memory_space<hbm>>)
    %sub3A_2334 = arith.subi %add3A, %mul3A_0 : i32
    %add3A_2335 = arith.constant 25 : i32
    %add3A_2336 = arith.addi %sub3A_2334, %add3A_2335 : i32
    %sub3A_2337 = arith.constant 511 : i32
    %sub3A_2338 = arith.subi %sub3A_2337, %add3A_2336 : i32
    %add3A_2339 = arith.constant 624 : i32
    %add3A_2340 = arith.addi %sub3A_2338, %add3A_2339 : i32
    %add3A_2341 = arith.constant 25 : i32
    %add3A_2342 = arith.addi %add3A, %add3A_2341 : i32
    %dma_wait3A_2343 = arith.constant 624 : i32
    %dma_wait3A_2344 = arith.constant 0 : i32
    %dma_wait3A_2345 = tpu.memref_slice %arg3[%add3A_2342, %dma_wait3A_2343, %dma_wait3A_2344] : memref<1024x1024x128xf32, #tpu.memory_space<hbm>> -> memref<1x400x128xf32, #tpu.memory_space<hbm>>
    %dma_wait3A_2346 = tpu.memref_squeeze %dma_wait3A_2345 : memref<1x400x128xf32, #tpu.memory_space<hbm>> -> memref<400x128xf32, #tpu.memory_space<hbm>>
    %dma_wait3A_2347 = arith.constant 0 : i32
    %dma_wait3A_2348 = tpu.memref_slice %arg7[%add3A_2340, %dma_wait3A_2347] : memref<1536x128xf32, #tpu.memory_space<vmem_shared>> -> memref<400x128xf32, #tpu.memory_space<vmem_shared>>
    tpu.wait_dma2 semaphore(%arg10 : memref<!tpu.dma_semaphore, #tpu.memory_space<semaphore_mem>>) src(%dma_wait3A_2348 : memref<400x128xf32, #tpu.memory_space<vmem_shared>>) dst(%dma_wait3A_2346 : memref<400x128xf32, #tpu.memory_space<hbm>>)
    %add3A_2349 = arith.constant 26 : i32
    %add3A_2350 = arith.addi %add3A, %add3A_2349 : i32
    %dma_wait3A_2351 = arith.constant 5 : i32
    %dma_wait3A_2352 = arith.constant 0 : i32
    %dma_wait3A_2353 = tpu.memref_slice %arg5[%dma_wait3A_2351, %dma_wait3A_2352] : memref<656x128xf32, #tpu.memory_space<vmem>> -> memref<624x128xf32, #tpu.memory_space<vmem>>
    %dma_wait3A_2354 = arith.constant 0 : i32
    %dma_wait3A_2355 = arith.constant 0 : i32
    %dma_wait3A_2356 = tpu.memref_slice %arg3[%add3A_2350, %dma_wait3A_2354, %dma_wait3A_2355] : memref<1024x1024x128xf32, #tpu.memory_space<hbm>> -> memref<1x624x128xf32, #tpu.memory_space<hbm>>
    %dma_wait3A_2357 = tpu.memref_squeeze %dma_wait3A_2356 : memref<1x624x128xf32, #tpu.memory_space<hbm>> -> memref<624x128xf32, #tpu.memory_space<hbm>>
    %dma_wait3A_2358 = arith.constant 0 : i32
    %dma_wait3A_2359 = arith.constant 0 : i32
    %dma_wait3A_2360 = tpu.memref_slice %arg3[%add3A_2350, %dma_wait3A_2358, %dma_wait3A_2359] : memref<1024x1024x128xf32, #tpu.memory_space<hbm>> -> memref<1x624x128xf32, #tpu.memory_space<hbm>>
    %dma_wait3A_2361 = tpu.memref_squeeze %dma_wait3A_2360 : memref<1x624x128xf32, #tpu.memory_space<hbm>> -> memref<624x128xf32, #tpu.memory_space<hbm>>
    %dma_wait3A_2362 = arith.constant 5 : i32
    %dma_wait3A_2363 = arith.constant 0 : i32
    %dma_wait3A_2364 = tpu.memref_slice %arg5[%dma_wait3A_2362, %dma_wait3A_2363] : memref<656x128xf32, #tpu.memory_space<vmem>> -> memref<624x128xf32, #tpu.memory_space<vmem>>
    tpu.wait_dma2 semaphore(%arg9 : memref<!tpu.dma_semaphore, #tpu.memory_space<semaphore_mem>>) src(%dma_wait3A_2364 : memref<624x128xf32, #tpu.memory_space<vmem>>) dst(%dma_wait3A_2361 : memref<624x128xf32, #tpu.memory_space<hbm>>)
    %sub3A_2365 = arith.subi %add3A, %mul3A_0 : i32
    %add3A_2366 = arith.constant 26 : i32
    %add3A_2367 = arith.addi %sub3A_2365, %add3A_2366 : i32
    %sub3A_2368 = arith.constant 511 : i32
    %sub3A_2369 = arith.subi %sub3A_2368, %add3A_2367 : i32
    %add3A_2370 = arith.constant 624 : i32
    %add3A_2371 = arith.addi %sub3A_2369, %add3A_2370 : i32
    %add3A_2372 = arith.constant 26 : i32
    %add3A_2373 = arith.addi %add3A, %add3A_2372 : i32
    %dma_wait3A_2374 = arith.constant 624 : i32
    %dma_wait3A_2375 = arith.constant 0 : i32
    %dma_wait3A_2376 = tpu.memref_slice %arg3[%add3A_2373, %dma_wait3A_2374, %dma_wait3A_2375] : memref<1024x1024x128xf32, #tpu.memory_space<hbm>> -> memref<1x400x128xf32, #tpu.memory_space<hbm>>
    %dma_wait3A_2377 = tpu.memref_squeeze %dma_wait3A_2376 : memref<1x400x128xf32, #tpu.memory_space<hbm>> -> memref<400x128xf32, #tpu.memory_space<hbm>>
    %dma_wait3A_2378 = arith.constant 0 : i32
    %dma_wait3A_2379 = tpu.memref_slice %arg7[%add3A_2371, %dma_wait3A_2378] : memref<1536x128xf32, #tpu.memory_space<vmem_shared>> -> memref<400x128xf32, #tpu.memory_space<vmem_shared>>
    tpu.wait_dma2 semaphore(%arg10 : memref<!tpu.dma_semaphore, #tpu.memory_space<semaphore_mem>>) src(%dma_wait3A_2379 : memref<400x128xf32, #tpu.memory_space<vmem_shared>>) dst(%dma_wait3A_2377 : memref<400x128xf32, #tpu.memory_space<hbm>>)
    %add3A_2380 = arith.constant 27 : i32
    %add3A_2381 = arith.addi %add3A, %add3A_2380 : i32
    %dma_wait3A_2382 = arith.constant 4 : i32
    %dma_wait3A_2383 = arith.constant 0 : i32
    %dma_wait3A_2384 = tpu.memref_slice %arg5[%dma_wait3A_2382, %dma_wait3A_2383] : memref<656x128xf32, #tpu.memory_space<vmem>> -> memref<624x128xf32, #tpu.memory_space<vmem>>
    %dma_wait3A_2385 = arith.constant 0 : i32
    %dma_wait3A_2386 = arith.constant 0 : i32
    %dma_wait3A_2387 = tpu.memref_slice %arg3[%add3A_2381, %dma_wait3A_2385, %dma_wait3A_2386] : memref<1024x1024x128xf32, #tpu.memory_space<hbm>> -> memref<1x624x128xf32, #tpu.memory_space<hbm>>
    %dma_wait3A_2388 = tpu.memref_squeeze %dma_wait3A_2387 : memref<1x624x128xf32, #tpu.memory_space<hbm>> -> memref<624x128xf32, #tpu.memory_space<hbm>>
    %dma_wait3A_2389 = arith.constant 0 : i32
    %dma_wait3A_2390 = arith.constant 0 : i32
    %dma_wait3A_2391 = tpu.memref_slice %arg3[%add3A_2381, %dma_wait3A_2389, %dma_wait3A_2390] : memref<1024x1024x128xf32, #tpu.memory_space<hbm>> -> memref<1x624x128xf32, #tpu.memory_space<hbm>>
    %dma_wait3A_2392 = tpu.memref_squeeze %dma_wait3A_2391 : memref<1x624x128xf32, #tpu.memory_space<hbm>> -> memref<624x128xf32, #tpu.memory_space<hbm>>
    %dma_wait3A_2393 = arith.constant 4 : i32
    %dma_wait3A_2394 = arith.constant 0 : i32
    %dma_wait3A_2395 = tpu.memref_slice %arg5[%dma_wait3A_2393, %dma_wait3A_2394] : memref<656x128xf32, #tpu.memory_space<vmem>> -> memref<624x128xf32, #tpu.memory_space<vmem>>
    tpu.wait_dma2 semaphore(%arg9 : memref<!tpu.dma_semaphore, #tpu.memory_space<semaphore_mem>>) src(%dma_wait3A_2395 : memref<624x128xf32, #tpu.memory_space<vmem>>) dst(%dma_wait3A_2392 : memref<624x128xf32, #tpu.memory_space<hbm>>)
    %sub3A_2396 = arith.subi %add3A, %mul3A_0 : i32
    %add3A_2397 = arith.constant 27 : i32
    %add3A_2398 = arith.addi %sub3A_2396, %add3A_2397 : i32
    %sub3A_2399 = arith.constant 511 : i32
    %sub3A_2400 = arith.subi %sub3A_2399, %add3A_2398 : i32
    %add3A_2401 = arith.constant 624 : i32
    %add3A_2402 = arith.addi %sub3A_2400, %add3A_2401 : i32
    %add3A_2403 = arith.constant 27 : i32
    %add3A_2404 = arith.addi %add3A, %add3A_2403 : i32
    %dma_wait3A_2405 = arith.constant 624 : i32
    %dma_wait3A_2406 = arith.constant 0 : i32
    %dma_wait3A_2407 = tpu.memref_slice %arg3[%add3A_2404, %dma_wait3A_2405, %dma_wait3A_2406] : memref<1024x1024x128xf32, #tpu.memory_space<hbm>> -> memref<1x400x128xf32, #tpu.memory_space<hbm>>
    %dma_wait3A_2408 = tpu.memref_squeeze %dma_wait3A_2407 : memref<1x400x128xf32, #tpu.memory_space<hbm>> -> memref<400x128xf32, #tpu.memory_space<hbm>>
    %dma_wait3A_2409 = arith.constant 0 : i32
    %dma_wait3A_2410 = tpu.memref_slice %arg7[%add3A_2402, %dma_wait3A_2409] : memref<1536x128xf32, #tpu.memory_space<vmem_shared>> -> memref<400x128xf32, #tpu.memory_space<vmem_shared>>
    tpu.wait_dma2 semaphore(%arg10 : memref<!tpu.dma_semaphore, #tpu.memory_space<semaphore_mem>>) src(%dma_wait3A_2410 : memref<400x128xf32, #tpu.memory_space<vmem_shared>>) dst(%dma_wait3A_2408 : memref<400x128xf32, #tpu.memory_space<hbm>>)
    %add3A_2411 = arith.constant 28 : i32
    %add3A_2412 = arith.addi %add3A, %add3A_2411 : i32
    %dma_wait3A_2413 = arith.constant 3 : i32
    %dma_wait3A_2414 = arith.constant 0 : i32
    %dma_wait3A_2415 = tpu.memref_slice %arg5[%dma_wait3A_2413, %dma_wait3A_2414] : memref<656x128xf32, #tpu.memory_space<vmem>> -> memref<624x128xf32, #tpu.memory_space<vmem>>
    %dma_wait3A_2416 = arith.constant 0 : i32
    %dma_wait3A_2417 = arith.constant 0 : i32
    %dma_wait3A_2418 = tpu.memref_slice %arg3[%add3A_2412, %dma_wait3A_2416, %dma_wait3A_2417] : memref<1024x1024x128xf32, #tpu.memory_space<hbm>> -> memref<1x624x128xf32, #tpu.memory_space<hbm>>
    %dma_wait3A_2419 = tpu.memref_squeeze %dma_wait3A_2418 : memref<1x624x128xf32, #tpu.memory_space<hbm>> -> memref<624x128xf32, #tpu.memory_space<hbm>>
    %dma_wait3A_2420 = arith.constant 0 : i32
    %dma_wait3A_2421 = arith.constant 0 : i32
    %dma_wait3A_2422 = tpu.memref_slice %arg3[%add3A_2412, %dma_wait3A_2420, %dma_wait3A_2421] : memref<1024x1024x128xf32, #tpu.memory_space<hbm>> -> memref<1x624x128xf32, #tpu.memory_space<hbm>>
    %dma_wait3A_2423 = tpu.memref_squeeze %dma_wait3A_2422 : memref<1x624x128xf32, #tpu.memory_space<hbm>> -> memref<624x128xf32, #tpu.memory_space<hbm>>
    %dma_wait3A_2424 = arith.constant 3 : i32
    %dma_wait3A_2425 = arith.constant 0 : i32
    %dma_wait3A_2426 = tpu.memref_slice %arg5[%dma_wait3A_2424, %dma_wait3A_2425] : memref<656x128xf32, #tpu.memory_space<vmem>> -> memref<624x128xf32, #tpu.memory_space<vmem>>
    tpu.wait_dma2 semaphore(%arg9 : memref<!tpu.dma_semaphore, #tpu.memory_space<semaphore_mem>>) src(%dma_wait3A_2426 : memref<624x128xf32, #tpu.memory_space<vmem>>) dst(%dma_wait3A_2423 : memref<624x128xf32, #tpu.memory_space<hbm>>)
    %sub3A_2427 = arith.subi %add3A, %mul3A_0 : i32
    %add3A_2428 = arith.constant 28 : i32
    %add3A_2429 = arith.addi %sub3A_2427, %add3A_2428 : i32
    %sub3A_2430 = arith.constant 511 : i32
    %sub3A_2431 = arith.subi %sub3A_2430, %add3A_2429 : i32
    %add3A_2432 = arith.constant 624 : i32
    %add3A_2433 = arith.addi %sub3A_2431, %add3A_2432 : i32
    %add3A_2434 = arith.constant 28 : i32
    %add3A_2435 = arith.addi %add3A, %add3A_2434 : i32
    %dma_wait3A_2436 = arith.constant 624 : i32
    %dma_wait3A_2437 = arith.constant 0 : i32
    %dma_wait3A_2438 = tpu.memref_slice %arg3[%add3A_2435, %dma_wait3A_2436, %dma_wait3A_2437] : memref<1024x1024x128xf32, #tpu.memory_space<hbm>> -> memref<1x400x128xf32, #tpu.memory_space<hbm>>
    %dma_wait3A_2439 = tpu.memref_squeeze %dma_wait3A_2438 : memref<1x400x128xf32, #tpu.memory_space<hbm>> -> memref<400x128xf32, #tpu.memory_space<hbm>>
    %dma_wait3A_2440 = arith.constant 0 : i32
    %dma_wait3A_2441 = tpu.memref_slice %arg7[%add3A_2433, %dma_wait3A_2440] : memref<1536x128xf32, #tpu.memory_space<vmem_shared>> -> memref<400x128xf32, #tpu.memory_space<vmem_shared>>
    tpu.wait_dma2 semaphore(%arg10 : memref<!tpu.dma_semaphore, #tpu.memory_space<semaphore_mem>>) src(%dma_wait3A_2441 : memref<400x128xf32, #tpu.memory_space<vmem_shared>>) dst(%dma_wait3A_2439 : memref<400x128xf32, #tpu.memory_space<hbm>>)
    %add3A_2442 = arith.constant 29 : i32
    %add3A_2443 = arith.addi %add3A, %add3A_2442 : i32
    %dma_wait3A_2444 = arith.constant 2 : i32
    %dma_wait3A_2445 = arith.constant 0 : i32
    %dma_wait3A_2446 = tpu.memref_slice %arg5[%dma_wait3A_2444, %dma_wait3A_2445] : memref<656x128xf32, #tpu.memory_space<vmem>> -> memref<624x128xf32, #tpu.memory_space<vmem>>
    %dma_wait3A_2447 = arith.constant 0 : i32
    %dma_wait3A_2448 = arith.constant 0 : i32
    %dma_wait3A_2449 = tpu.memref_slice %arg3[%add3A_2443, %dma_wait3A_2447, %dma_wait3A_2448] : memref<1024x1024x128xf32, #tpu.memory_space<hbm>> -> memref<1x624x128xf32, #tpu.memory_space<hbm>>
    %dma_wait3A_2450 = tpu.memref_squeeze %dma_wait3A_2449 : memref<1x624x128xf32, #tpu.memory_space<hbm>> -> memref<624x128xf32, #tpu.memory_space<hbm>>
    %dma_wait3A_2451 = arith.constant 0 : i32
    %dma_wait3A_2452 = arith.constant 0 : i32
    %dma_wait3A_2453 = tpu.memref_slice %arg3[%add3A_2443, %dma_wait3A_2451, %dma_wait3A_2452] : memref<1024x1024x128xf32, #tpu.memory_space<hbm>> -> memref<1x624x128xf32, #tpu.memory_space<hbm>>
    %dma_wait3A_2454 = tpu.memref_squeeze %dma_wait3A_2453 : memref<1x624x128xf32, #tpu.memory_space<hbm>> -> memref<624x128xf32, #tpu.memory_space<hbm>>
    %dma_wait3A_2455 = arith.constant 2 : i32
    %dma_wait3A_2456 = arith.constant 0 : i32
    %dma_wait3A_2457 = tpu.memref_slice %arg5[%dma_wait3A_2455, %dma_wait3A_2456] : memref<656x128xf32, #tpu.memory_space<vmem>> -> memref<624x128xf32, #tpu.memory_space<vmem>>
    tpu.wait_dma2 semaphore(%arg9 : memref<!tpu.dma_semaphore, #tpu.memory_space<semaphore_mem>>) src(%dma_wait3A_2457 : memref<624x128xf32, #tpu.memory_space<vmem>>) dst(%dma_wait3A_2454 : memref<624x128xf32, #tpu.memory_space<hbm>>)
    %sub3A_2458 = arith.subi %add3A, %mul3A_0 : i32
    %add3A_2459 = arith.constant 29 : i32
    %add3A_2460 = arith.addi %sub3A_2458, %add3A_2459 : i32
    %sub3A_2461 = arith.constant 511 : i32
    %sub3A_2462 = arith.subi %sub3A_2461, %add3A_2460 : i32
    %add3A_2463 = arith.constant 624 : i32
    %add3A_2464 = arith.addi %sub3A_2462, %add3A_2463 : i32
    %add3A_2465 = arith.constant 29 : i32
    %add3A_2466 = arith.addi %add3A, %add3A_2465 : i32
    %dma_wait3A_2467 = arith.constant 624 : i32
    %dma_wait3A_2468 = arith.constant 0 : i32
    %dma_wait3A_2469 = tpu.memref_slice %arg3[%add3A_2466, %dma_wait3A_2467, %dma_wait3A_2468] : memref<1024x1024x128xf32, #tpu.memory_space<hbm>> -> memref<1x400x128xf32, #tpu.memory_space<hbm>>
    %dma_wait3A_2470 = tpu.memref_squeeze %dma_wait3A_2469 : memref<1x400x128xf32, #tpu.memory_space<hbm>> -> memref<400x128xf32, #tpu.memory_space<hbm>>
    %dma_wait3A_2471 = arith.constant 0 : i32
    %dma_wait3A_2472 = tpu.memref_slice %arg7[%add3A_2464, %dma_wait3A_2471] : memref<1536x128xf32, #tpu.memory_space<vmem_shared>> -> memref<400x128xf32, #tpu.memory_space<vmem_shared>>
    tpu.wait_dma2 semaphore(%arg10 : memref<!tpu.dma_semaphore, #tpu.memory_space<semaphore_mem>>) src(%dma_wait3A_2472 : memref<400x128xf32, #tpu.memory_space<vmem_shared>>) dst(%dma_wait3A_2470 : memref<400x128xf32, #tpu.memory_space<hbm>>)
    %add3A_2473 = arith.constant 30 : i32
    %add3A_2474 = arith.addi %add3A, %add3A_2473 : i32
    %dma_wait3A_2475 = arith.constant 1 : i32
    %dma_wait3A_2476 = arith.constant 0 : i32
    %dma_wait3A_2477 = tpu.memref_slice %arg5[%dma_wait3A_2475, %dma_wait3A_2476] : memref<656x128xf32, #tpu.memory_space<vmem>> -> memref<624x128xf32, #tpu.memory_space<vmem>>
    %dma_wait3A_2478 = arith.constant 0 : i32
    %dma_wait3A_2479 = arith.constant 0 : i32
    %dma_wait3A_2480 = tpu.memref_slice %arg3[%add3A_2474, %dma_wait3A_2478, %dma_wait3A_2479] : memref<1024x1024x128xf32, #tpu.memory_space<hbm>> -> memref<1x624x128xf32, #tpu.memory_space<hbm>>
    %dma_wait3A_2481 = tpu.memref_squeeze %dma_wait3A_2480 : memref<1x624x128xf32, #tpu.memory_space<hbm>> -> memref<624x128xf32, #tpu.memory_space<hbm>>
    %dma_wait3A_2482 = arith.constant 0 : i32
    %dma_wait3A_2483 = arith.constant 0 : i32
    %dma_wait3A_2484 = tpu.memref_slice %arg3[%add3A_2474, %dma_wait3A_2482, %dma_wait3A_2483] : memref<1024x1024x128xf32, #tpu.memory_space<hbm>> -> memref<1x624x128xf32, #tpu.memory_space<hbm>>
    %dma_wait3A_2485 = tpu.memref_squeeze %dma_wait3A_2484 : memref<1x624x128xf32, #tpu.memory_space<hbm>> -> memref<624x128xf32, #tpu.memory_space<hbm>>
    %dma_wait3A_2486 = arith.constant 1 : i32
    %dma_wait3A_2487 = arith.constant 0 : i32
    %dma_wait3A_2488 = tpu.memref_slice %arg5[%dma_wait3A_2486, %dma_wait3A_2487] : memref<656x128xf32, #tpu.memory_space<vmem>> -> memref<624x128xf32, #tpu.memory_space<vmem>>
    tpu.wait_dma2 semaphore(%arg9 : memref<!tpu.dma_semaphore, #tpu.memory_space<semaphore_mem>>) src(%dma_wait3A_2488 : memref<624x128xf32, #tpu.memory_space<vmem>>) dst(%dma_wait3A_2485 : memref<624x128xf32, #tpu.memory_space<hbm>>)
    %sub3A_2489 = arith.subi %add3A, %mul3A_0 : i32
    %add3A_2490 = arith.constant 30 : i32
    %add3A_2491 = arith.addi %sub3A_2489, %add3A_2490 : i32
    %sub3A_2492 = arith.constant 511 : i32
    %sub3A_2493 = arith.subi %sub3A_2492, %add3A_2491 : i32
    %add3A_2494 = arith.constant 624 : i32
    %add3A_2495 = arith.addi %sub3A_2493, %add3A_2494 : i32
    %add3A_2496 = arith.constant 30 : i32
    %add3A_2497 = arith.addi %add3A, %add3A_2496 : i32
    %dma_wait3A_2498 = arith.constant 624 : i32
    %dma_wait3A_2499 = arith.constant 0 : i32
    %dma_wait3A_2500 = tpu.memref_slice %arg3[%add3A_2497, %dma_wait3A_2498, %dma_wait3A_2499] : memref<1024x1024x128xf32, #tpu.memory_space<hbm>> -> memref<1x400x128xf32, #tpu.memory_space<hbm>>
    %dma_wait3A_2501 = tpu.memref_squeeze %dma_wait3A_2500 : memref<1x400x128xf32, #tpu.memory_space<hbm>> -> memref<400x128xf32, #tpu.memory_space<hbm>>
    %dma_wait3A_2502 = arith.constant 0 : i32
    %dma_wait3A_2503 = tpu.memref_slice %arg7[%add3A_2495, %dma_wait3A_2502] : memref<1536x128xf32, #tpu.memory_space<vmem_shared>> -> memref<400x128xf32, #tpu.memory_space<vmem_shared>>
    tpu.wait_dma2 semaphore(%arg10 : memref<!tpu.dma_semaphore, #tpu.memory_space<semaphore_mem>>) src(%dma_wait3A_2503 : memref<400x128xf32, #tpu.memory_space<vmem_shared>>) dst(%dma_wait3A_2501 : memref<400x128xf32, #tpu.memory_space<hbm>>)
    %add3A_2504 = arith.constant 31 : i32
    %add3A_2505 = arith.addi %add3A, %add3A_2504 : i32
    %dma_wait3A_2506 = arith.constant 0 : i32
    %dma_wait3A_2507 = arith.constant 0 : i32
    %dma_wait3A_2508 = tpu.memref_slice %arg5[%dma_wait3A_2506, %dma_wait3A_2507] : memref<656x128xf32, #tpu.memory_space<vmem>> -> memref<624x128xf32, #tpu.memory_space<vmem>>
    %dma_wait3A_2509 = arith.constant 0 : i32
    %dma_wait3A_2510 = arith.constant 0 : i32
    %dma_wait3A_2511 = tpu.memref_slice %arg3[%add3A_2505, %dma_wait3A_2509, %dma_wait3A_2510] : memref<1024x1024x128xf32, #tpu.memory_space<hbm>> -> memref<1x624x128xf32, #tpu.memory_space<hbm>>
    %dma_wait3A_2512 = tpu.memref_squeeze %dma_wait3A_2511 : memref<1x624x128xf32, #tpu.memory_space<hbm>> -> memref<624x128xf32, #tpu.memory_space<hbm>>
    %dma_wait3A_2513 = arith.constant 0 : i32
    %dma_wait3A_2514 = arith.constant 0 : i32
    %dma_wait3A_2515 = tpu.memref_slice %arg3[%add3A_2505, %dma_wait3A_2513, %dma_wait3A_2514] : memref<1024x1024x128xf32, #tpu.memory_space<hbm>> -> memref<1x624x128xf32, #tpu.memory_space<hbm>>
    %dma_wait3A_2516 = tpu.memref_squeeze %dma_wait3A_2515 : memref<1x624x128xf32, #tpu.memory_space<hbm>> -> memref<624x128xf32, #tpu.memory_space<hbm>>
    %dma_wait3A_2517 = arith.constant 0 : i32
    %dma_wait3A_2518 = arith.constant 0 : i32
    %dma_wait3A_2519 = tpu.memref_slice %arg5[%dma_wait3A_2517, %dma_wait3A_2518] : memref<656x128xf32, #tpu.memory_space<vmem>> -> memref<624x128xf32, #tpu.memory_space<vmem>>
    tpu.wait_dma2 semaphore(%arg9 : memref<!tpu.dma_semaphore, #tpu.memory_space<semaphore_mem>>) src(%dma_wait3A_2519 : memref<624x128xf32, #tpu.memory_space<vmem>>) dst(%dma_wait3A_2516 : memref<624x128xf32, #tpu.memory_space<hbm>>)
    %sub3A_2520 = arith.subi %add3A, %mul3A_0 : i32
    %add3A_2521 = arith.constant 31 : i32
    %add3A_2522 = arith.addi %sub3A_2520, %add3A_2521 : i32
    %sub3A_2523 = arith.constant 511 : i32
    %sub3A_2524 = arith.subi %sub3A_2523, %add3A_2522 : i32
    %add3A_2525 = arith.constant 624 : i32
    %add3A_2526 = arith.addi %sub3A_2524, %add3A_2525 : i32
    %add3A_2527 = arith.constant 31 : i32
    %add3A_2528 = arith.addi %add3A, %add3A_2527 : i32
    %dma_wait3A_2529 = arith.constant 624 : i32
    %dma_wait3A_2530 = arith.constant 0 : i32
    %dma_wait3A_2531 = tpu.memref_slice %arg3[%add3A_2528, %dma_wait3A_2529, %dma_wait3A_2530] : memref<1024x1024x128xf32, #tpu.memory_space<hbm>> -> memref<1x400x128xf32, #tpu.memory_space<hbm>>
    %dma_wait3A_2532 = tpu.memref_squeeze %dma_wait3A_2531 : memref<1x400x128xf32, #tpu.memory_space<hbm>> -> memref<400x128xf32, #tpu.memory_space<hbm>>
    %dma_wait3A_2533 = arith.constant 0 : i32
    %dma_wait3A_2534 = tpu.memref_slice %arg7[%add3A_2526, %dma_wait3A_2533] : memref<1536x128xf32, #tpu.memory_space<vmem_shared>> -> memref<400x128xf32, #tpu.memory_space<vmem_shared>>
    tpu.wait_dma2 semaphore(%arg10 : memref<!tpu.dma_semaphore, #tpu.memory_space<semaphore_mem>>) src(%dma_wait3A_2534 : memref<400x128xf32, #tpu.memory_space<vmem_shared>>) dst(%dma_wait3A_2532 : memref<400x128xf32, #tpu.memory_space<hbm>>)
    return
  }
}

</mosaic_0001>

<sc_bundles>
// kernel: kernel.3.cloned.1.call-start
scs
__scs_entry_jumppad:
0x0: {  	(pc) =	sbr.rel $0x88, $3  }
0x1: {  	(tag) =	ssettag $0x0;
	lr =	simm.s32 $0x1  }
0x2: {  	[smem:$0x3FA0] =	sst lr;
	_ =	strace $0xD0000000  }
0x3: {  	_ = 	snop  }
0x4: {  	_ = 	snop  }
0x5: {  	_ = 	snop  }
0x6: {  	_ = 	snop  }
0x7: {  	_ = 	snop  }
__scs_overlays_trampoline_lowered:
0x8: {  	[smem:$0x3FAF] =	sst s0  }
0x9: {  	[smem:$0x3FB0] =	sst s1  }
0xa: {  	[smem:$0x3FB1] =	sst s2  }
0xb: {  	[smem:$0x3FB2] =	sst s3  }
0xc: {  	[smem:$0x3FB3] =	sst s4  }
0xd: {  	[smem:$0x3FB4] =	sst s5  }
0xe: {  	[smem:$0x3FB5] =	sst s6  }
0xf: {  	[smem:$0x3FB6] =	sst s7  }
0x10: {  	[smem:$0x3FB7] =	sst s8  }
0x11: {  	[smem:$0x3FB8] =	sst s9;
	s0 =	simm.s32 @!p0 $0x0  }
0x12: {  	s1 =	sld [smem:$0x3F9E];
	s0 =	simm.s32 @p0 $0x1  }
0x13: {  	[smem:$0x3FB9] =	sst s0;
	s0 =	simm.s32 @!p1 $0x0  }
0x14: {  	s2 =	sld [smem:$0x3F9D];
	s0 =	simm.s32 @p1 $0x1  }
0x15: {  	[smem:$0x3FBA] =	sst s0;
	s0 =	simm.s32 @!p2 $0x0  }
0x16: {  	s3 =	sld [smem:$0x3FDB];
	s0 =	simm.s32 @p2 $0x1  }
0x17: {  	s4 =	simm.s32 $0x1BF5;
	[smem:$0x3FBC] =	sst s0  }
0x18: {  	s0 =	sld [smem:$0x3F9F];
	_ =	swait.ge [sflag:s4], $0x0  }
0x19: {  	s7 =	sld [smem:$0x3FA0]  }
0x1a: {  	s8 =	sadd.s32 $0xFFFFE003, lr  }
0x1b: {  	s9 =	sadd.s32 $0xFFFFFEF7, lr;
	s5 =	simm.s32 $0xFFFFFFFF;
	p2 =	slt.u32 s8, $0xFFFFF086  }
0x1c: {  	p1 =	slt.u32 s9, $0xF7A;
	s5 =	simm.s32 @!p2 $0x0  }
0x1d: {  	s5 =	simm.s32 @p1 $0x1;
	p0 =	seq.s32 s7, s2  }
0x1e: {  	s7 =	smul.u32 @!p0 $0xF7A, s2;
	p2 =	seq.s32 @!p0 s5, $0x0  }
0x1f: {  	s9 =	smul.u32 $0xF7A, s1;
	s8 =	simm.s32 @!p0 $0x1BF5;
	p2 =	por !p2, p0  }
0x20: {  	[sflag:s8] =	ssyncset.s32 @!p0 $0xFFFFF086;
	s6 =	sadd.s32 @!p0 s3, s7;
	s7 =	simm.s32 @!p0 $0x108  }
0x21: {  	s3 =	sadd.s32 s3, s9;
	s6 =	sadd.s32 @!p0 $0x88, s6;
	s7 =	simm.s32 @p2 $0x1082  }
0x22: {  	[simem:s7], [sflag:s8] =	dma.local @!p0 [hbm:s6], $0xF7A  }
0x23: {  	s9 =	sor.u32 $0xD0000000, s2;
	s6 =	simm.s32 $0x108;
	_ =	swait.ge @!p0 [sflag:s8], $0x0  }
0x24: {  	s3 =	sadd.s32 $0x88, s3;
	s6 =	simm.s32 @!p1 $0x1082;
	[sflag:s4] =	ssyncset.s32 $0xFFFFF086  }
0x25: {  	[simem:s6], [sflag:s4] =	dma.local [hbm:s3], $0xF7A  }
0x26: {  	[smem:$0x3FA0] =	sst s1;
	(tag) =	ssettag s2;
	_ =	strace s9  }
0x27: {  	s1 =	sld [smem:$0x3FB0]  }
0x28: {  	s2 =	sld [smem:$0x3FB1]  }
0x29: {  	s4 =	sld [smem:$0x3FB3]  }
0x2a: {  	p0 =	seq.s32 s5, $0x0;
	s5 =	sld [smem:$0x3FB4]  }
0x2b: {  	s6 =	sld [smem:$0x3FB5]  }
0x2c: {  	s7 =	sld [smem:$0x3FB6]  }
0x2d: {  	s3 =	simm.s32 $0x108;
	s8 =	sld [smem:$0x3FB7]  }
0x2e: {  	s3 =	simm.s32 @!p0 $0x1082;
	s9 =	sld [smem:$0x3FB8]  }
0x2f: {  	lr =	sadd.s32 s0, s3;
	s0 =	sld [smem:$0x3FAF]  }
0x30: {  	s3 =	sld [smem:$0x3FB2]  }
0x31: {  	[smem:$0x3FBB] =	sst s10  }
0x32: {  	s10 =	sld [smem:$0x3FB9];
	_ =	sdelay $0x3  }
0x33: {  	p0 =	seq.s32 s10, $0x1;
	s10 =	sld [smem:$0x3FBB];
	_ =	sdelay $0x3  }
0x34: {  	[smem:$0x3FBB] =	sst s10  }
0x35: {  	s10 =	sld [smem:$0x3FBA];
	_ =	sdelay $0x3  }
0x36: {  	p1 =	seq.s32 s10, $0x1;
	s10 =	sld [smem:$0x3FBB];
	_ =	sdelay $0x3  }
0x37: {  	[smem:$0x3FBB] =	sst s10  }
0x38: {  	s10 =	sld [smem:$0x3FBC]  }
0x39: {  	_ = 	snop;
	(pc) =	sbr.ind lr, $3  }
0x3a: {  	_ = 	snop  }
0x3b: {  	_ = 	snop  }
0x3c: {  	p2 =	seq.s32 s10, $0x1;
	s10 =	sld [smem:$0x3FBB]  }
0x3d: {  	_ =	shalt  }
0x3e: {  	_ =	shalt  }
0x3f: {  	_ =	shalt  }
0x40: {  	_ =	shalt  }
0x41: {  	_ =	shalt  }
0x42: {  	_ =	shalt  }
0x43: {  	_ =	shalt  }
0x44: {  	_ =	shalt  }
0x45: {  	_ =	shalt  }
0x46: {  	_ =	shalt  }
0x47: {  	_ =	shalt  }
0x48: {  	_ =	shalt  }
0x49: {  	_ =	shalt  }
0x4a: {  	_ =	shalt  }
0x4b: {  	_ =	shalt  }
0x4c: {  	_ =	shalt  }
0x4d: {  	_ =	shalt  }
0x4e: {  	_ =	shalt  }
0x4f: {  	_ =	shalt  }
0x50: {  	_ =	shalt  }
0x51: {  	_ =	shalt  }
0x52: {  	_ =	shalt  }
0x53: {  	_ =	shalt  }
0x54: {  	_ =	shalt  }
0x55: {  	_ =	shalt  }
0x56: {  	_ =	shalt  }
0x57: {  	_ =	shalt  }
0x58: {  	_ =	shalt  }
0x59: {  	_ =	shalt  }
0x5a: {  	_ =	shalt  }
0x5b: {  	_ =	shalt  }
0x5c: {  	_ =	shalt  }
0x5d: {  	_ =	shalt  }
0x5e: {  	_ =	shalt  }
0x5f: {  	_ =	shalt  }
0x60: {  	_ =	shalt  }
0x61: {  	_ =	shalt  }
0x62: {  	_ =	shalt  }
0x63: {  	_ =	shalt  }
0x64: {  	_ =	shalt  }
0x65: {  	_ =	shalt  }
0x66: {  	_ =	shalt  }
0x67: {  	_ =	shalt  }
0x68: {  	_ =	shalt  }
0x69: {  	_ =	shalt  }
0x6a: {  	_ =	shalt  }
0x6b: {  	_ =	shalt  }
0x6c: {  	_ =	shalt  }
0x6d: {  	_ =	shalt  }
0x6e: {  	_ =	shalt  }
0x6f: {  	_ =	shalt  }
0x70: {  	_ =	shalt  }
0x71: {  	_ =	shalt  }
0x72: {  	_ =	shalt  }
0x73: {  	_ =	shalt  }
0x74: {  	_ =	shalt  }
0x75: {  	_ =	shalt  }
0x76: {  	_ =	shalt  }
0x77: {  	_ =	shalt  }
0x78: {  	_ =	shalt  }
0x79: {  	_ =	shalt  }
0x7a: {  	_ =	shalt  }
0x7b: {  	_ =	shalt  }
0x7c: {  	_ =	shalt  }
0x7d: {  	_ =	shalt  }
0x7e: {  	_ =	shalt  }
0x7f: {  	_ =	shalt  }
0x80: {  	_ =	shalt  }
0x81: {  	_ =	shalt  }
0x82: {  	_ =	shalt  }
0x83: {  	_ =	shalt  }
0x84: {  	_ =	shalt  }
0x85: {  	_ =	shalt  }
0x86: {  	_ =	shalt  }
0x87: {  	_ =	shalt  }
.Lfunc_end0:
.L_simem_size_0:
called_computation_lowered:
.L_overlay_start_0:
0x88: {  	s2 =	sld [smem:$0x3FD9]  }
0x89: {  	s3 =	sld [smem:$0x3FFE];
	_ =	sdelay $0x1  }
0x8a: {  	s1 =	srdreg.scid  }
0x8b: {  	s0 =	sand.u32 $0x1, s1  }
0x8c: {  	s18 =	sshll.u32 s0, $0xA;
	s2 =	sadd.s32 s3, s2  }
0x8d: {  	s2 =	sadd.s32 s2, s18  }
0x8e: {  	[smem:$0x3FC7] =	sst s2  }
0x8f: {  	_ = 	snop  }
0x90: {  	s2 =	sld [smem:$0x3FC9]  }
0x91: {  	s19 =	sld [smem:$0x3FD0];
	(tm) =	ssettm $0x1  }
0x92: {  	s4 =	sld [smem:$0x3FFB];
	_ =	sdelay $0x3  }
0x93: {  	_ =	strace s4  }
0x94: {  	s4 =	sld [smem:$0x3FFC];
	_ =	sdelay $0x3  }
0x95: {  	_ =	strace s4  }
0x96: {  	s4 =	sld [smem:$0x3FFD];
	_ =	sdelay $0x3  }
0x97: {  	_ =	strace s4  }
0x98: {  	_ =	strace $0x8FFFFFFF  }
0x99: {  	s20 =	sld [smem:$0x3FDB];
	_ =	sdelay $0x1  }
0x9a: {  	s5 =	simm.s32 $_scs_section_size  }
0x9b: {  	s6 =	simm.s32 $_size__tile_overlayer_lowered;
	s7 =	simm.s32 $_tile_overlayer_lowered  }
0x9c: {  	s23 =	simm.s32 $0x1BFF;
	s22 =	sshll.u32 s7, $0x1;
	s4 =	sadd.s32 s5, s20  }
0x9d: {  	s8 =	simm.s32 $0x0;
	s21 =	sshll.u32 s6, $0x1;
	s6 =	sadd.s32 s22, s4  }
0x9e: {  	[timem:s8], [sflag:s23] =	dma.local [hbm:s6], s21  }
0x9f: {  	_ =	swait.ge [sflag:s23], s21  }
0xa0: {  	s5 =	ssub.s32 $0x0, s21;
	[sflag:s23] =	ssyncset.done $0x0  }
0xa1: {  	[sflag:s23] =	ssyncadd.s32 s5;
	_ =	sdelay $0x1  }
0xa2: {  	s24 =	simm.s32 $0x1B8B  }
0xa3: {  	_ =	swait.ge [sflag:s24], $0x1  }
0xa4: {  	[sflag:s24] =	ssyncset.done $0x0  }
0xa5: {  	s25 =	simm.s32 $0x1B8E;
	[sflag:s24] =	ssyncadd.s32 $0xFFFFFFFF  }
0xa6: {  	s26 =	simm.s32 $execute0_lowered;
	[smem:$0x3FD2] =	sst s25  }
0xa7: {  	s5 =	sshll.u32 s26, $0x1;
	_ =	strace $0x80000046;
	[dreg:$0x1] =	wrdreg $0xFFFFFFFF  }
0xa8: {  	s28 =	simm.s32 $_size_execute0_lowered;
	s4 =	sadd.s32 s4, s5;
	[dreg:$0x0] =	wrdreg $0x0  }
0xa9: {  	s5 =	sshll.u32 s28, $0x1;
	[dreg:$0x2] =	wrdreg s4  }
0xaa: {  	[dreg:$0x3] =	wrdreg s5  }
0xab: {  	[dreg:$0x4] =	wrdreg $0xC0  }
0xac: {  	_ =	task [dreg:s8], $0x5FFFF  }
0xad: {  	[dreg:$0x1] =	wrdreg $0xFFFFFFFF  }
0xae: {  	[dreg:$0x0] =	wrdreg $0x60  }
0xaf: {  	[dreg:$0x2] =	wrdreg s2  }
0xb0: {  	[dreg:$0x3] =	wrdreg s19  }
0xb1: {  	[dreg:$0x4] =	wrdreg $0x17B000  }
0xb2: {  	[dreg:$0x5] =	wrdreg $0x9  }
0xb3: {  	_ =	task.clear_ibuf [dreg:s8], $0x6FFFF;
	_ =	strace $0x90000046  }
0xb4: {  	s29 =	simm.s32 $0x9;
	_ =	strace $0x80000048  }
0xb5: {  	_ =	swait.ge [sflag:s29], $0x1  }
0xb6: {  	[sflag:s29] =	ssyncadd.s32 $0xFFFFFFFF  }
0xb7: {  	_ =	strace $0x90000048  }
0xb8: {  	_ =	sfence  }
0xb9: {  	s30 =	sld [smem:$0x0];
	_ =	sdelay $0x2  }
0xba: {  	s31 =	sshll.u32 s1, $0xD;
	s1 =	sshrl.u32 s1, $0x2  }
0xbb: {  	s3 =	sand.u32 $0x4000, s31;
	s1 =	sadd.s32 s1, s30  }
0xbc: {  	s0 =	sor.u32 s3, s0;
	s1 =	sshll.u32 s1, $0x11  }
0xbd: {  	s0 =	sor.u32 s1, s0  }
0xbe: {  	s0 =	sadd.s32 $0x8F2B, s0  }
0xbf: {  	[sflag:s0] =	ssyncadd.remote.s32 $0x1  }
0xc0: {  	_ =	sfence.sel $0xFFFF  }
0xc1: {  	[dreg:$0x0] =	wrdreg $0xFFFFFFFF;
	(pc) =	sbr.abs _section_cstart, $3  }
0xc2: {  	[dreg:$0x1] =	wrdreg $0xFFFFFFFF  }
0xc3: {  	_ =	task.clear_ibuf [dreg:s8], $0x2FFFF;
	_ =	strace $0x9FFFFFFF  }
0xc4: {  	(tm) =	ssettm $0x7FFFFFFF  }
0xc5: {  	_ =	shalt  }
tec
execute0_lowered:
.L_overlay_start_1:
0x0: {  	(tag) =	ssettag $0x1  }
0x1: {  	s1 =	rddreg [dreg:$0x0];
	s2 =	srdreg.scid  }
0x2: {  	s4 =	rddreg [dreg:$0x1];
	s0 =	stileid.u32;
	s6 =	sand.u32 $0x1, s2  }
0x3: {  	s5 =	sshll.u32 s0, $0x5;
	s9 =	smul.u32 $0xC000, s0;
	s8 =	sshll.u32 s6, $0x9  }
0x4: {  	s7 =	rddreg [dreg:$0x2];
	s5 =	sor.u32 s5, s8  }
0x5: {  	s3 =	simm.s32 $0x0;
	s9 =	sshrl.u32 s9, $0x2;
	s10 =	sshll.u32 s5, $0xE  }
0x6: {  	[smem:$0x7FF] =	sst s3;
	s9 =	sadd.s32 s9, s7;
	s4 =	sadd.s32 s4, s10  }
0x7: {  	_ =	strace $0x80000047;
	[dreg:$0x4] =	wrdreg s9;
	s14 =	sadd.s32 $0x2700, s4  }
0x8: {  	s15 =	sadd.s32 $0x4000, s4;
	[dreg:$0x5] =	wrdreg s14  }
0x9: {  	s16 =	sadd.s32 $0x6700, s4;
	[dreg:$0x6] =	wrdreg s15  }
0xa: {  	s17 =	sadd.s32 $0x8000, s4;
	[dreg:$0x7] =	wrdreg s16  }
0xb: {  	s18 =	sadd.s32 $0xA700, s4;
	[dreg:$0x8] =	wrdreg s17  }
0xc: {  	s19 =	sadd.s32 $0xC000, s4;
	[dreg:$0x9] =	wrdreg s18  }
0xd: {  	s20 =	sadd.s32 $0xE700, s4;
	[dreg:$0xa] =	wrdreg s19  }
0xe: {  	s21 =	sadd.s32 $0x10000, s4;
	[dreg:$0xb] =	wrdreg s20  }
0xf: {  	s22 =	sadd.s32 $0x12700, s4;
	[dreg:$0xc] =	wrdreg s21  }
0x10: {  	s23 =	sadd.s32 $0x14000, s4;
	[dreg:$0xd] =	wrdreg s22  }
0x11: {  	s24 =	sadd.s32 $0x16700, s4;
	[dreg:$0xe] =	wrdreg s23  }
0x12: {  	s25 =	sadd.s32 $0x18000, s4;
	[dreg:$0xf] =	wrdreg s24  }
0x13: {  	s26 =	sadd.s32 $0x1A700, s4;
	[dreg:$0x10] =	wrdreg s25  }
0x14: {  	s30 =	sadd.s32 $0x1C000, s4;
	[dreg:$0x11] =	wrdreg s26  }
0x15: {  	s31 =	sadd.s32 $0x1E700, s4;
	[dreg:$0x12] =	wrdreg s30  }
0x16: {  	s2 =	sadd.s32 $0x20000, s4;
	[dreg:$0x13] =	wrdreg s31  }
0x17: {  	s10 =	sadd.s32 $0x22700, s4;
	[dreg:$0x14] =	wrdreg s2  }
0x18: {  	s11 =	sadd.s32 $0x24000, s4;
	[dreg:$0x15] =	wrdreg s10  }
0x19: {  	s12 =	sadd.s32 $0x26700, s4;
	[dreg:$0x16] =	wrdreg s11  }
0x1a: {  	s13 =	sadd.s32 $0x28000, s4;
	[dreg:$0x17] =	wrdreg s12  }
0x1b: {  	s9 =	sadd.s32 $0x7A700, s4;
	[dreg:$0x18] =	wrdreg s13  }
0x1c: {  	s14 =	sadd.s32 $0x2A700, s4;
	[smem:$0x7CA] =	sst s9  }
0x1d: {  	s15 =	sadd.s32 $0x2C000, s4;
	[dreg:$0x19] =	wrdreg s14  }
0x1e: {  	s16 =	sadd.s32 $0x2E700, s4;
	[dreg:$0x1a] =	wrdreg s15  }
0x1f: {  	s17 =	sadd.s32 $0x30000, s4;
	[dreg:$0x1b] =	wrdreg s16  }
0x20: {  	s18 =	sadd.s32 $0x32700, s4;
	[dreg:$0x1c] =	wrdreg s17  }
0x21: {  	s19 =	sadd.s32 $0x34000, s4;
	[dreg:$0x1d] =	wrdreg s18  }
0x22: {  	s20 =	sadd.s32 $0x36700, s4;
	[dreg:$0x1e] =	wrdreg s19  }
0x23: {  	s21 =	sadd.s32 $0x38000, s4;
	[dreg:$0x1f] =	wrdreg s20  }
0x24: {  	s22 =	sadd.s32 $0x3A700, s4;
	[smem:$0x7A9] =	sst s21  }
0x25: {  	s23 =	sadd.s32 $0x3C000, s4;
	[smem:$0x7AA] =	sst s22  }
0x26: {  	s24 =	sadd.s32 $0x3E700, s4;
	[smem:$0x7AB] =	sst s23  }
0x27: {  	s25 =	sadd.s32 $0x40000, s4;
	[smem:$0x7AC] =	sst s24  }
0x28: {  	s26 =	sadd.s32 $0x42700, s4;
	[smem:$0x7AD] =	sst s25  }
0x29: {  	s30 =	sadd.s32 $0x44000, s4;
	[smem:$0x7AE] =	sst s26  }
0x2a: {  	s31 =	sadd.s32 $0x46700, s4;
	[smem:$0x7AF] =	sst s30  }
0x2b: {  	s2 =	sadd.s32 $0x48000, s4;
	[smem:$0x7B0] =	sst s31  }
0x2c: {  	s10 =	sadd.s32 $0x4A700, s4;
	[smem:$0x7B1] =	sst s2  }
0x2d: {  	s11 =	sadd.s32 $0x4C000, s4;
	[smem:$0x7B2] =	sst s10  }
0x2e: {  	s12 =	sadd.s32 $0x4E700, s4;
	[smem:$0x7B3] =	sst s11  }
0x2f: {  	s13 =	sadd.s32 $0x50000, s4;
	[smem:$0x7B4] =	sst s12  }
0x30: {  	[smem:$0x7B5] =	sst s13;
	s14 =	sadd.s32 $0x52700, s4  }
0x31: {  	s15 =	sadd.s32 $0x54000, s4;
	[smem:$0x7B6] =	sst s14  }
0x32: {  	s16 =	sadd.s32 $0x56700, s4;
	[smem:$0x7B7] =	sst s15  }
0x33: {  	s17 =	sadd.s32 $0x58000, s4;
	[smem:$0x7B8] =	sst s16  }
0x34: {  	s18 =	sadd.s32 $0x5A700, s4;
	[smem:$0x7B9] =	sst s17  }
0x35: {  	s19 =	sadd.s32 $0x5C000, s4;
	[smem:$0x7BA] =	sst s18  }
0x36: {  	s20 =	sadd.s32 $0x5E700, s4;
	[smem:$0x7BB] =	sst s19  }
0x37: {  	s21 =	sadd.s32 $0x60000, s4;
	[smem:$0x7BC] =	sst s20  }
0x38: {  	s22 =	sadd.s32 $0x62700, s4;
	[smem:$0x7BD] =	sst s21  }
0x39: {  	s24 =	sadd.s32 $0x64000, s4;
	[smem:$0x7BE] =	sst s22  }
0x3a: {  	s25 =	sadd.s32 $0x66700, s4;
	[smem:$0x7BF] =	sst s24  }
0x3b: {  	s30 =	sadd.s32 $0x68000, s4;
	[smem:$0x7C0] =	sst s25  }
0x3c: {  	s6 =	ssub.s32 $0x2, s6;
	s31 =	sadd.s32 $0x6A700, s4;
	[smem:$0x7C1] =	sst s30  }
0x3d: {  	v0 =	vlaneseq.u32;
	s28 =	sadd.s32 $0x3AE, s5;
	s2 =	sadd.s32 $0x6C000, s4;
	[smem:$0x7C2] =	sst s31  }
0x3e: {  	v44 =	vmul.u32 $0xFFFFFFFF, v0;
	s29 =	sadd.s32 $0x39E, s5;
	s12 =	sadd.s32 $0x70000, s4;
	[smem:$0x7C3] =	sst s2  }
0x3f: {  	s23 =	sshrl.u32 s6, $0x1;
	s10 =	sadd.s32 $0x7C000, s4;
	[smem:$0x7C5] =	sst s12  }
0x40: {  	v14 =	vadd.s32 s29, v44;
	s29 =	simm.s32 $0x3;
	s26 =	ssub.s32 s6, s23;
	[smem:$0x7CB] =	sst s10  }
0x41: {  	s11 =	smul.u32 $0xFFFFFFA0, s0;
	s6 =	sadd.s32 $0x6E700, s4;
	[smem:$0x7F8] =	sst s26  }
0x42: {  	s14 =	sadd.s32 $0x72700, s4;
	s15 =	sadd.s32 $0x74000, s4;
	[smem:$0x7C4] =	sst s6  }
0x43: {  	s16 =	sadd.s32 $0x78000, s4;
	s17 =	sadd.s32 $0x3FE, s5;
	[smem:$0x7C6] =	sst s14  }
0x44: {  	s18 =	sadd.s32 $0x3EE, s5;
	s12 =	sadd.s32 $0x7E700, s4;
	[smem:$0x7C7] =	sst s15  }
0x45: {  	s19 =	sshll.u32 s0, $0xC;
	s20 =	simm.s32 $0x60;
	[smem:$0x7C9] =	sst s16  }
0x46: {  	s22 =	simm.s32 $0x290;
	s0 =	simm.s32 $0x1200;
	[smem:$0x7CC] =	sst s12  }
0x47: {  	s13 =	sadd.s32 s8, s11;
	s8 =	sadd.s32 $0x76700, s4;
	[smem:$0x7CD] =	sst s20  }
0x48: {  	s15 =	sor.u32 $0x40E, s5;
	s7 =	ssub.s32 s7, s19;
	[smem:$0x7CE] =	sst s22  }
0x49: {  	s26 =	simm.s32 $0x1280;
	s19 =	sadd.s32 $0x3DE, s5;
	s22 =	sadd.s32 $0x3CE, s5  }
0x4a: {  	[smem:$0x7D1] =	sst s0;
	s12 =	simm.s32 $0x1100;
	s0 =	simm.s32 $0x1080  }
0x4b: {  	s16 =	sadd.s32 $0x2EE, s5;
	v8 =	vadd.s32 s17, v44;
	s17 =	sadd.s32 $0x2CE, s5;
	v9 =	vadd.s32 s18, v44;
	s18 =	sadd.s32 $0x25E, s5  }
0x4c: {  	s21 =	sadd.s32 $0x5FE, s13;
	s23 =	sadd.s32 $0x5EE, s13;
	s11 =	sadd.s32 $0x5DE, s13  }
0x4d: {  	s24 =	sadd.s32 $0x5CE, s13;
	s25 =	sadd.s32 $0x5BE, s13;
	s14 =	sadd.s32 $0x5AE, s13  }
0x4e: {  	s13 =	sor.u32 $0x41E, s5;
	[smem:$0x7C8] =	sst s8;
	s20 =	sadd.s32 $0x23780, s7  }
0x4f: {  	[smem:$0x7CF] =	sst s26;
	s31 =	sadd.s32 $0x23700, s7;
	s6 =	sadd.s32 $0x23680, s7  }
0x50: {  	s8 =	simm.s32 $0x1180;
	s26 =	sadd.s32 $0x3BE, s5;
	[smem:$0x7D5] =	sst s12  }
0x51: {  	s10 =	sadd.s32 $0x23600, s7;
	[smem:$0x7D7] =	sst s0;
	s12 =	simm.s32 $0xF80  }
0x52: {  	s0 =	sadd.s32 $0x31E, s5;
	v10 =	vadd.s32 s19, v44;
	v11 =	vadd.s32 s22, v44;
	s22 =	sadd.s32 $0x27E, s5;
	s19 =	sadd.s32 $0x26E, s5  }
0x53: {  	v7 =	vadd.s32 s15, v44;
	s15 =	sadd.s32 $0x24E, s5;
	v25 =	vadd.s32 s16, v44;
	s16 =	sadd.s32 $0x1DE, s5;
	v27 =	vadd.s32 s17, v44;
	s17 =	sadd.s32 $0x1BE, s5  }
0x54: {  	v13 =	vadd.s32 s28, v44;
	v34 =	vadd.s32 s18, v44;
	s18 =	sadd.s32 $0x22C00, s7;
	s28 =	sadd.s32 $0x22800, s7;
	s30 =	sshrl.u32 s20, $0x3  }
0x55: {  	s2 =	sshrl.u32 s31, $0x3;
	[smem:$0x7D3] =	sst s8;
	s9 =	sshrl.u32 s6, $0x3  }
0x56: {  	s31 =	sadd.s32 $0x23580, s7;
	s6 =	sadd.s32 $0x23500, s7;
	s8 =	simm.s32 $0x1000  }
0x57: {  	[smem:$0x7DB] =	sst s12;
	v2 =	vadd.s32 s11, v44;
	s11 =	sadd.s32 $0x33E, s5;
	s12 =	sadd.s32 $0x32E, s5  }
0x58: {  	v0 =	vadd.s32 s21, v44;
	v5 =	vadd.s32 s14, v44;
	s21 =	sadd.s32 $0x2FE, s5;
	s14 =	sadd.s32 $0x2DE, s5;
	s20 =	sadd.s32 $0x2BE, s5  }
0x59: {  	v1 =	vadd.s32 s23, v44;
	v3 =	vadd.s32 s24, v44;
	v4 =	vadd.s32 s25, v44;
	s25 =	sadd.s32 $0x2AE, s5;
	s24 =	sadd.s32 $0x29E, s5;
	s23 =	sadd.s32 $0x28E, s5  }
0x5a: {  	v6 =	vadd.s32 s13, v44;
	v12 =	vadd.s32 s26, v44;
	s13 =	sadd.s32 $0x23380, s7;
	s26 =	simm.s32 $0xE80;
	[smem:$0x7D0] =	sst s30  }
0x5b: {  	v32 =	vadd.s32 s22, v44;
	v33 =	vadd.s32 s19, v44;
	s22 =	simm.s32 $0xA00;
	s19 =	sadd.s32 $0x22C80, s7;
	[smem:$0x7D2] =	sst s2  }
0x5c: {  	v35 =	vadd.s32 s15, v44;
	s15 =	sadd.s32 $0x22B00, s7;
	v42 =	vadd.s32 s16, v44;
	s16 =	simm.s32 $0x580;
	[smem:$0x7D4] =	sst s9  }
0x5d: {  	s30 =	sshrl.u32 s10, $0x3;
	s2 =	sshrl.u32 s31, $0x3;
	[smem:$0x7D9] =	sst s8  }
0x5e: {  	s9 =	sshrl.u32 s6, $0x3;
	s10 =	sadd.s32 $0x23480, s7;
	s31 =	sadd.s32 $0x37E, s5  }
0x5f: {  	s8 =	sadd.s32 $0x36E, s5;
	s6 =	sadd.s32 $0x30E, s5;
	[smem:$0x7DF] =	sst s26  }
0x60: {  	v22 =	vadd.s32 s0, v44;
	v20 =	vadd.s32 s11, v44;
	v21 =	vadd.s32 s12, v44;
	s0 =	sshrl.u32 s13, $0x3;
	s11 =	sadd.s32 $0x1FE, s5;
	s12 =	sadd.s32 $0x23280, s7  }
0x61: {  	v24 =	vadd.s32 s21, v44;
	s21 =	simm.s32 $0xD80;
	s13 =	sadd.s32 $0x1EE, s5;
	v26 =	vadd.s32 s14, v44;
	s14 =	sadd.s32 $0x1CE, s5  }
0x62: {  	vm6 =	vgt.s32 v13, $0x0;
	v28 =	vadd.s32 s20, v44;
	s20 =	sadd.s32 $0x1AE, s5;
	v29 =	vadd.s32 s25, v44;
	s25 =	sadd.s32 $0x23000, s7;
	[smem:$0x7F1] =	sst s22  }
0x63: {  	vm7 =	vgt.s32 v14, $0x0;
	v30 =	vadd.s32 s24, v44;
	v31 =	vadd.s32 s23, v44;
	s23 =	sadd.s32 $0x22F00, s7;
	s24 =	sadd.s32 $0x22E00, s7;
	[smem:$0x7D6] =	sst s30  }
0x64: {  	v13 =	vnsel vm6, $0x0, v13;
	v14 =	vnsel vm7, $0x0, v14;
	vm13 =	vgt.s32 v8, $0x0;
	s22 =	sadd.s32 $0x22B80, s7;
	s15 =	sshrl.u32 s15, $0x3;
	[smem:$0x7D8] =	sst s2  }
0x65: {  	vm14 =	vgt.s32 v9, $0x0;
	vm12 =	vgt.s32 v7, $0x0;
	v8 =	vnsel vm13, $0x0, v8;
	s30 =	sadd.s32 $0x38E, s5;
	[smem:$0x7DA] =	sst s9;
	s2 =	sshrl.u32 s10, $0x3  }
0x66: {  	v9 =	vnsel vm14, $0x0, v9;
	vm15 =	vgt.s32 v10, $0x0;
	vm4 =	vgt.s32 v11, $0x0;
	s9 =	sadd.s32 $0x35E, s5;
	s10 =	sadd.s32 $0x34E, s5;
	[smem:$0x7E0] =	sst s0  }
0x67: {  	vm6 =	vgt.s32 v25, $0x0;
	v45 =	vadd.s32 s17, v44;
	v16 =	vadd.s32 s31, v44;
	s31 =	simm.s32 $0xF00;
	[smem:$0x7E3] =	sst s21;
	s26 =	sshrl.u32 s12, $0x3  }
0x68: {  	vm0 =	vgt.s32 v0, $0x0;
	vm8 =	vgt.s32 v1, $0x0;
	s21 =	simm.s32 $0xC80;
	s23 =	sshrl.u32 s23, $0x3;
	v40 =	vadd.s32 s11, v44;
	s11 =	sshrl.u32 s18, $0x3  }
0x69: {  	vm1 =	vgt.s32 v2, $0x0;
	v41 =	vadd.s32 s13, v44;
	s13 =	sshrl.u32 s22, $0x3;
	v43 =	vadd.s32 s14, v44;
	s14 =	simm.s32 $0x600;
	s18 =	simm.s32 $0x500  }
0x6a: {  	vm9 =	vgt.s32 v3, $0x0;
	vm10 =	vgt.s32 v4, $0x0;
	v46 =	vadd.s32 s20, v44;
	s20 =	simm.s32 $0x480;
	s22 =	simm.s32 $0x400;
	[smem:$0x7DC] =	sst s2  }
0x6b: {  	vm2 =	vgt.s32 v5, $0x0;
	vm11 =	vgt.s32 v6, $0x0;
	s2 =	sadd.s32 $0x23E, s5;
	v18 =	vadd.s32 s9, v44;
	s9 =	sadd.s32 $0x22E, s5;
	[smem:$0x7DD] =	sst s31  }
0x6c: {  	v7 =	vnsel vm12, $0x0, v7;
	v15 =	vadd.s32 s30, v44;
	v19 =	vadd.s32 s10, v44;
	s30 =	sadd.s32 $0x23400, s7;
	s10 =	sadd.s32 $0x21E, s5;
	[smem:$0x7E4] =	sst s26  }
0x6d: {  	v10 =	vnsel vm15, $0x0, v10;
	v11 =	vnsel vm4, $0x0, v11;
	vm5 =	vgt.s32 v12, $0x0;
	s31 =	simm.s32 $0xE00;
	[smem:$0x7E7] =	sst s21;
	s26 =	sadd.s32 $0x23180, s7  }
0x6e: {  	vm15 =	vgt.s32 v22, $0x0;
	v25 =	vnsel vm6, $0x0, v25;
	v17 =	vadd.s32 s8, v44;
	s21 =	sadd.s32 $0x19E, s5;
	[smem:$0x7F2] =	sst s23;
	s23 =	sadd.s32 $0x22A80, s7  }
0x6f: {  	v0 =	vnsel vm0, $0x0, v0;
	v1 =	vnsel vm8, $0x0, v1;
	v2 =	vnsel vm1, $0x0, v2;
	s8 =	sshrl.u32 s30, $0x3;
	s30 =	sadd.s32 $0x23300, s7;
	[smem:$0x7E1] =	sst s31  }
0x70: {  	v23 =	vadd.s32 s6, v44;
	v3 =	vnsel vm9, $0x0, v3;
	s31 =	simm.s32 $0xD00;
	s0 =	sshrl.u32 s26, $0x3;
	v38 =	vadd.s32 s10, v44;
	s10 =	sld [smem:$0x7F8]  }
0x71: {  	v4 =	vnsel vm10, $0x0, v4;
	v5 =	vnsel vm2, $0x0, v5;
	s26 =	simm.s32 $0xB00;
	v36 =	vadd.s32 s2, v44;
	s2 =	sadd.s32 $0x22A00, s7;
	[smem:$0x7DE] =	sst s8  }
0x72: {  	v6 =	vnsel vm11, $0x0, v6;
	v12 =	vnsel vm5, $0x0, v12;
	v37 =	vadd.s32 s9, v44;
	s9 =	simm.s32 $0x300;
	s17 =	sshrl.u32 s23, $0x3;
	[smem:$0x7E5] =	sst s31  }
0x73: {  	vm13 =	vgt.s32 v20, $0x0;
	vm14 =	vgt.s32 v21, $0x0;
	v22 =	vnsel vm15, $0x0, v22;
	s8 =	sadd.s32 $0x20E, s5;
	s6 =	sshrl.u32 s30, $0x3;
	[smem:$0x7E8] =	sst s0  }
0x74: {  	vm5 =	vgt.s32 v24, $0x0;
	vm7 =	vgt.s32 v26, $0x0;
	vm15 =	vgt.s32 v34, $0x0;
	s30 =	sadd.s32 $0x23200, s7;
	s31 =	simm.s32 $0xC00;
	[smem:$0x7ED] =	sst s26  }
0x75: {  	vm9 =	vgt.s32 v16, $0x0;
	vm10 =	vgt.s32 v17, $0x0;
	v20 =	vnsel vm13, $0x0, v20;
	s26 =	simm.s32 $0x980;
	[smem:$0x7E2] =	sst s6;
	s12 =	sshrl.u32 s30, $0x3  }
0x76: {  	vm4 =	vgt.s32 v23, $0x0;
	v21 =	vnsel vm14, $0x0, v21;
	v24 =	vnsel vm5, $0x0, v24;
	s30 =	sadd.s32 $0x23100, s7;
	[smem:$0x7E9] =	sst s31;
	s6 =	sadd.s32 $0x23080, s7  }
0x77: {  	v26 =	vnsel vm7, $0x0, v26;
	vm13 =	vgt.s32 v32, $0x0;
	vm14 =	vgt.s32 v33, $0x0;
	s31 =	simm.s32 $0xB80;
	[smem:$0x7F3] =	sst s26;
	s26 =	sadd.s32 $0x22980, s7  }
0x78: {  	v34 =	vnsel vm15, $0x0, v34;
	vm8 =	vgt.s32 v15, $0x0;
	v39 =	vadd.s32 s8, v44;
	s8 =	simm.s32 $0x4;
	[smem:$0x7E6] =	sst s12;
	s5 =	sshrl.u32 s30, $0x3  }
0x79: {  	vm11 =	vgt.s32 v18, $0x0;
	v16 =	vnsel vm9, $0x0, v16;
	v17 =	vnsel vm10, $0x0, v17;
	[smem:$0x7EB] =	sst s31;
	s12 =	sadd.s32 $0x22F80, s7;
	s0 =	sshrl.u32 s6, $0x3  }
0x7a: {  	vm12 =	vgt.s32 v19, $0x0;
	v23 =	vnsel vm4, $0x0, v23;
	vm9 =	vgt.s32 v28, $0x0;
	s30 =	sadd.s32 $0x22E80, s7;
	s6 =	sshrl.u32 s25, $0x3;
	[smem:$0x7EA] =	sst s5  }
0x7b: {  	vm10 =	vgt.s32 v29, $0x0;
	v32 =	vnsel vm13, $0x0, v32;
	v33 =	vnsel vm14, $0x0, v33;
	s31 =	simm.s32 $0xA80;
	s25 =	sadd.s32 $0x22D00, s7;
	[smem:$0x7EC] =	sst s0  }
0x7c: {  	vm4 =	vgt.s32 v35, $0x0;
	v47 =	vadd.s32 s21, v44;
	vm13 =	vgt.s32 v45, $0x0;
	s21 =	sshrl.u32 s26, $0x3;
	s26 =	simm.s32 $0x380;
	[smem:$0x7EE] =	sst s6  }
0x7d: {  	vm14 =	vgt.s32 v46, $0x0;
	v15 =	vnsel vm8, $0x0, v15;
	v18 =	vnsel vm11, $0x0, v18;
	[smem:$0x7EF] =	sst s31;
	s6 =	sadd.s32 $0x22D80, s7;
	s5 =	sshrl.u32 s12, $0x3  }
0x7e: {  	v19 =	vnsel vm12, $0x0, v19;
	vm8 =	vgt.s32 v27, $0x0;
	v28 =	vnsel vm9, $0x0, v28;
	s0 =	sshrl.u32 s30, $0x3;
	s30 =	simm.s32 $0x900;
	[smem:$0x7F0] =	sst s5  }
0x7f: {  	vm11 =	vgt.s32 v30, $0x0;
	v29 =	vnsel vm10, $0x0, v29;
	vm12 =	vgt.s32 v31, $0x0;
	s31 =	sshrl.u32 s24, $0x3;
	s24 =	sadd.s32 $0x22900, s7;
	[smem:$0x7F4] =	sst s0  }
0x80: {  	vm5 =	vgt.s32 v36, $0x0;
	v35 =	vnsel vm4, $0x0, v35;
	vm6 =	vgt.s32 v37, $0x0;
	s12 =	simm.s32 $0x800;
	s25 =	sshrl.u32 s25, $0x3;
	[smem:$0x7F5] =	sst s30  }
0x81: {  	vm7 =	vgt.s32 v38, $0x0;
	vm9 =	vgt.s32 v40, $0x0;
	vm10 =	vgt.s32 v41, $0x0;
	[smem:$0x7F6] =	sst s31;
	s5 =	simm.s32 $0x880;
	s0 =	sadd.s32 $0x22880, s7  }
0x82: {  	vm15 =	vgt.s32 v47, $0x0;
	v27 =	vnsel vm8, $0x0, v27;
	v30 =	vnsel vm11, $0x0, v30;
	s6 =	sshrl.u32 s6, $0x3;
	[smem:$0x7FA] =	sst s12;
	s7 =	simm.s32 $0x1  }
0x83: {  	v31 =	vnsel vm12, $0x0, v31;
	v36 =	vnsel vm5, $0x0, v36;
	v37 =	vnsel vm6, $0x0, v37;
	[smem:$0x7FB] =	sst s25;
	s30 =	simm.s32 $0x780;
	s31 =	sshrl.u32 s19, $0x3  }
0x84: {  	v38 =	vnsel vm7, $0x0, v38;
	v40 =	vnsel vm9, $0x0, v40;
	v41 =	vnsel vm10, $0x0, v41;
	s12 =	simm.s32 $0x680;
	s19 =	sshrl.u32 s2, $0x3;
	[smem:$0x7F7] =	sst s5  }
0x85: {  	vm11 =	vgt.s32 v42, $0x0;
	vm12 =	vgt.s32 v43, $0x0;
	v44 =	vnsel vm13, $0x0, v45;
	s23 =	sshrl.u32 s24, $0x3;
	s25 =	sshrl.u32 s28, $0x3;
	[smem:$0x7F9] =	sst s6  }
0x86: {  	v45 =	vnsel vm14, $0x0, v46;
	v46 =	vnsel vm15, $0x0, v47;
	vm8 =	vgt.s32 v39, $0x0;
	s28 =	simm.s32 $0x2;
	s5 =	smax.u32 s10, $0x1;
	[smem:$0x7FC] =	sst s30  }
0x87: {  	v42 =	vnsel vm11, $0x0, v42;
	v43 =	vnsel vm12, $0x0, v43;
	v39 =	vnsel vm8, $0x0, v39;
	s6 =	simm.s32 $0x14B00;
	[smem:$0x7FD] =	sst s31;
	s24 =	sshrl.u32 s0, $0x3  }
.LBB2_1:
0x88: {  	[tilespmem:$0x0] =	vst v0  }
0x89: {  	[tilespmem:$0x10] =	vst v1  }
0x8a: {  	[tilespmem:$0x20] =	vst v2  }
0x8b: {  	[tilespmem:$0x30] =	vst v3;
	s0 =	sld [smem:$0x7CD]  }
0x8c: {  	[tilespmem:$0x40] =	vst v4  }
0x8d: {  	[tilespmem:$0x50] =	vst v5  }
0x8e: {  	[tilespmem:s6], [sflag:$0x1] =	stream.indirect.gather [hbm4b:s1+s0], $0x80, s3, s0, $0xb8;
	[tilespmem:$0x1AB00] =	vst v63  }
0x8f: {  	_ =	swait.ge [sflag:s7], $0x3000  }
0x90: {  	[sflag:s7] =	ssyncset.done $0x0  }
0x91: {  	s2 =	rddreg [dreg:$0x4];
	[sflag:s7] =	ssyncadd.s32 $0xFFFFD000  }
0x92: {  	[spmem:s2] =	stream.linear.scatter [tilespmem:s6], [sflag:$0x4], $0x3000, $0x38;
	[tilespmem:$0x1AB00] =	vst v63  }
0x93: {  	_ =	swait.ge [sflag:s8], $0x3000  }
0x94: {  	[sflag:s8] =	ssyncset.done $0x0  }
0x95: {  	[sflag:s8] =	ssyncadd.s32 $0xFFFFD000  }
0x96: {  	[tilespmem:$0x0] =	vst v6  }
0x97: {  	[tilespmem:$0x10] =	vst v7  }
0x98: {  	[tilespmem:$0x20] =	vst v8  }
0x99: {  	[tilespmem:$0x30] =	vst v9  }
0x9a: {  	[tilespmem:$0x40] =	vst v10  }
0x9b: {  	[tilespmem:$0x50] =	vst v11  }
0x9c: {  	[tilespmem:$0x60] =	vst v12  }
0x9d: {  	[tilespmem:$0x70] =	vst v13  }
0x9e: {  	[tilespmem:$0x80] =	vst v14  }
0x9f: {  	[tilespmem:$0x90] =	vst v15  }
0xa0: {  	[tilespmem:$0xA0] =	vst v16  }
0xa1: {  	[tilespmem:$0xB0] =	vst v17  }
0xa2: {  	[tilespmem:$0xC0] =	vst v18  }
0xa3: {  	[tilespmem:$0xD0] =	vst v19  }
0xa4: {  	[tilespmem:$0xE0] =	vst v20  }
0xa5: {  	[tilespmem:$0xF0] =	vst v21  }
0xa6: {  	[tilespmem:$0x100] =	vst v22  }
0xa7: {  	[tilespmem:$0x110] =	vst v23  }
0xa8: {  	[tilespmem:$0x120] =	vst v24  }
0xa9: {  	[tilespmem:$0x130] =	vst v25  }
0xaa: {  	[tilespmem:$0x140] =	vst v26  }
0xab: {  	[tilespmem:$0x150] =	vst v27  }
0xac: {  	[tilespmem:$0x160] =	vst v28  }
0xad: {  	[tilespmem:$0x170] =	vst v29  }
0xae: {  	[tilespmem:$0x180] =	vst v30  }
0xaf: {  	[tilespmem:$0x190] =	vst v31  }
0xb0: {  	[tilespmem:$0x1A0] =	vst v32  }
0xb1: {  	[tilespmem:$0x1B0] =	vst v33  }
0xb2: {  	[tilespmem:$0x1C0] =	vst v34  }
0xb3: {  	[tilespmem:$0x1D0] =	vst v35  }
0xb4: {  	[tilespmem:$0x1E0] =	vst v36  }
0xb5: {  	[tilespmem:$0x1F0] =	vst v37  }
0xb6: {  	[tilespmem:$0x200] =	vst v38  }
0xb7: {  	[tilespmem:$0x210] =	vst v39  }
0xb8: {  	[tilespmem:$0x220] =	vst v40  }
0xb9: {  	[tilespmem:$0x230] =	vst v41  }
0xba: {  	[tilespmem:$0x240] =	vst v42  }
0xbb: {  	[tilespmem:$0x250] =	vst v43  }
0xbc: {  	s10 =	sld [smem:$0x7CE];
	[tilespmem:$0x260] =	vst v44  }
0xbd: {  	[tilespmem:$0x270] =	vst v45  }
0xbe: {  	[tilespmem:$0x280] =	vst v46  }
0xbf: {  	[tilespmem:s9], [sflag:$0x1] =	stream.indirect.gather [hbm4b:s1+s10], $0x80, s3, s10, $0xb8;
	[tilespmem:$0x1AB00] =	vst v63  }
0xc0: {  	_ =	swait.ge [sflag:s7], $0x14800  }
0xc1: {  	[sflag:s7] =	ssyncset.done $0x0  }
0xc2: {  	[sflag:s7] =	ssyncadd.s32 $0xFFFEB800  }
0xc3: {  	[bflag:$0x0] =	sbarrier.arrive $0xFFFF  }
0xc4: {  	s30 =	sld [smem:$0x7CF];
	_ =	sdelay $0x1  }
0xc5: {  	s10 =	stileid.u32;
	s2 =	sld [smem:$0x7D0]  }
0xc6: {  	[hbm4b:s4+s3] =	stream.linear.scatter [tilespmem:s30], [sflag:$0x2], $0x13800, $0x38;
	[tilespmem:$0x1AB00] =	vst v63  }
0xc7: {  	s30 =	sshll.u32 s10, $0x6  }
0xc8: {  	s31 =	rddreg [dreg:$0x5];
	s30 =	sor.u32 $0x1C03, s30  }
0xc9: {  	[hbm:s31], [sflag:s30] =	dma.local [spmem:s2], $0x1900  }
0xca: {  	s0 =	rddreg [dreg:$0x6]  }
0xcb: {  	s2 =	sld [smem:$0x7D1]  }
0xcc: {  	s10 =	sld [smem:$0x7D2]  }
0xcd: {  	s31 =	rddreg [dreg:$0x7]  }
0xce: {  	[hbm4b:s0+s3] =	stream.linear.scatter [tilespmem:s2], [sflag:$0x2], $0x13800, $0x38;
	[tilespmem:$0x1AB00] =	vst v63  }
0xcf: {  	[hbm:s31], [sflag:s30] =	dma.local [spmem:s10], $0x1900  }
0xd0: {  	s0 =	rddreg [dreg:$0x8]  }
0xd1: {  	s2 =	sld [smem:$0x7D3]  }
0xd2: {  	s31 =	sld [smem:$0x7D4]  }
0xd3: {  	s10 =	rddreg [dreg:$0x9]  }
0xd4: {  	[hbm4b:s0+s3] =	stream.linear.scatter [tilespmem:s2], [sflag:$0x2], $0x13800, $0x38;
	[tilespmem:$0x1AB00] =	vst v63  }
0xd5: {  	[hbm:s10], [sflag:s30] =	dma.local [spmem:s31], $0x1900  }
0xd6: {  	s0 =	rddreg [dreg:$0xa]  }
0xd7: {  	s2 =	sld [smem:$0x7D5]  }
0xd8: {  	s31 =	sld [smem:$0x7D6]  }
0xd9: {  	s10 =	rddreg [dreg:$0xb]  }
0xda: {  	[hbm4b:s0+s3] =	stream.linear.scatter [tilespmem:s2], [sflag:$0x2], $0x13800, $0x38;
	[tilespmem:$0x1AB00] =	vst v63  }
0xdb: {  	[hbm:s10], [sflag:s30] =	dma.local [spmem:s31], $0x1900  }
0xdc: {  	s0 =	rddreg [dreg:$0xc]  }
0xdd: {  	s2 =	sld [smem:$0x7D7]  }
0xde: {  	s31 =	sld [smem:$0x7D8]  }
0xdf: {  	s10 =	rddreg [dreg:$0xd]  }
0xe0: {  	[hbm4b:s0+s3] =	stream.linear.scatter [tilespmem:s2], [sflag:$0x2], $0x13800, $0x38;
	[tilespmem:$0x1AB00] =	vst v63  }
0xe1: {  	[hbm:s10], [sflag:s30] =	dma.local [spmem:s31], $0x1900  }
0xe2: {  	s0 =	rddreg [dreg:$0xe]  }
0xe3: {  	s2 =	sld [smem:$0x7D9]  }
0xe4: {  	s31 =	sld [smem:$0x7DA]  }
0xe5: {  	s10 =	rddreg [dreg:$0xf]  }
0xe6: {  	[hbm4b:s0+s3] =	stream.linear.scatter [tilespmem:s2], [sflag:$0x2], $0x13800, $0x38;
	[tilespmem:$0x1AB00] =	vst v63  }
0xe7: {  	[hbm:s10], [sflag:s30] =	dma.local [spmem:s31], $0x1900  }
0xe8: {  	s0 =	rddreg [dreg:$0x10]  }
0xe9: {  	s2 =	sld [smem:$0x7DB]  }
0xea: {  	s31 =	sld [smem:$0x7DC]  }
0xeb: {  	s10 =	rddreg [dreg:$0x11]  }
0xec: {  	[hbm4b:s0+s3] =	stream.linear.scatter [tilespmem:s2], [sflag:$0x2], $0x13800, $0x38;
	[tilespmem:$0x1AB00] =	vst v63  }
0xed: {  	[hbm:s10], [sflag:s30] =	dma.local [spmem:s31], $0x1900  }
0xee: {  	s0 =	rddreg [dreg:$0x12]  }
0xef: {  	s2 =	sld [smem:$0x7DD]  }
0xf0: {  	s31 =	sld [smem:$0x7DE]  }
0xf1: {  	s10 =	rddreg [dreg:$0x13]  }
0xf2: {  	[hbm4b:s0+s3] =	stream.linear.scatter [tilespmem:s2], [sflag:$0x2], $0x13800, $0x38;
	[tilespmem:$0x1AB00] =	vst v63  }
0xf3: {  	[hbm:s10], [sflag:s30] =	dma.local [spmem:s31], $0x1900  }
0xf4: {  	s0 =	rddreg [dreg:$0x14]  }
0xf5: {  	s2 =	sld [smem:$0x7DF]  }
0xf6: {  	s31 =	sld [smem:$0x7E0]  }
0xf7: {  	s10 =	rddreg [dreg:$0x15]  }
0xf8: {  	[hbm4b:s0+s3] =	stream.linear.scatter [tilespmem:s2], [sflag:$0x2], $0x13800, $0x38;
	[tilespmem:$0x1AB00] =	vst v63  }
0xf9: {  	[hbm:s10], [sflag:s30] =	dma.local [spmem:s31], $0x1900  }
0xfa: {  	s0 =	rddreg [dreg:$0x16]  }
0xfb: {  	s2 =	sld [smem:$0x7E1]  }
0xfc: {  	s31 =	sld [smem:$0x7E2]  }
0xfd: {  	s10 =	rddreg [dreg:$0x17]  }
0xfe: {  	[hbm4b:s0+s3] =	stream.linear.scatter [tilespmem:s2], [sflag:$0x2], $0x13800, $0x38;
	[tilespmem:$0x1AB00] =	vst v63  }
0xff: {  	[hbm:s10], [sflag:s30] =	dma.local [spmem:s31], $0x1900  }
0x100: {  	s0 =	rddreg [dreg:$0x18]  }
0x101: {  	s2 =	sld [smem:$0x7E3]  }
0x102: {  	s31 =	sld [smem:$0x7E4]  }
0x103: {  	s10 =	rddreg [dreg:$0x19]  }
0x104: {  	[hbm4b:s0+s3] =	stream.linear.scatter [tilespmem:s2], [sflag:$0x2], $0x13800, $0x38;
	[tilespmem:$0x1AB00] =	vst v63  }
0x105: {  	[hbm:s10], [sflag:s30] =	dma.local [spmem:s31], $0x1900  }
0x106: {  	s0 =	rddreg [dreg:$0x1a]  }
0x107: {  	s2 =	sld [smem:$0x7E5]  }
0x108: {  	s31 =	sld [smem:$0x7E6]  }
0x109: {  	s10 =	rddreg [dreg:$0x1b]  }
0x10a: {  	[hbm4b:s0+s3] =	stream.linear.scatter [tilespmem:s2], [sflag:$0x2], $0x13800, $0x38;
	[tilespmem:$0x1AB00] =	vst v63  }
0x10b: {  	[hbm:s10], [sflag:s30] =	dma.local [spmem:s31], $0x1900  }
0x10c: {  	s0 =	rddreg [dreg:$0x1c]  }
0x10d: {  	s2 =	sld [smem:$0x7E7]  }
0x10e: {  	s31 =	sld [smem:$0x7E8]  }
0x10f: {  	s10 =	rddreg [dreg:$0x1d]  }
0x110: {  	[hbm4b:s0+s3] =	stream.linear.scatter [tilespmem:s2], [sflag:$0x2], $0x13800, $0x38;
	[tilespmem:$0x1AB00] =	vst v63  }
0x111: {  	[hbm:s10], [sflag:s30] =	dma.local [spmem:s31], $0x1900  }
0x112: {  	s0 =	rddreg [dreg:$0x1e]  }
0x113: {  	s2 =	sld [smem:$0x7E9]  }
0x114: {  	s31 =	sld [smem:$0x7EA]  }
0x115: {  	s10 =	rddreg [dreg:$0x1f]  }
0x116: {  	[hbm4b:s0+s3] =	stream.linear.scatter [tilespmem:s2], [sflag:$0x2], $0x13800, $0x38;
	[tilespmem:$0x1AB00] =	vst v63  }
0x117: {  	[hbm:s10], [sflag:s30] =	dma.local [spmem:s31], $0x1900  }
0x118: {  	s0 =	sld [smem:$0x7A9]  }
0x119: {  	s2 =	sld [smem:$0x7EB]  }
0x11a: {  	s10 =	sld [smem:$0x7AA]  }
0x11b: {  	s31 =	sld [smem:$0x7EC];
	_ =	sdelay $0x1  }
0x11c: {  	[hbm4b:s0+s3] =	stream.linear.scatter [tilespmem:s2], [sflag:$0x2], $0x13800, $0x38;
	[tilespmem:$0x1AB00] =	vst v63  }
0x11d: {  	[hbm:s10], [sflag:s30] =	dma.local [spmem:s31], $0x1900  }
0x11e: {  	s0 =	sld [smem:$0x7AB]  }
0x11f: {  	s2 =	sld [smem:$0x7ED]  }
0x120: {  	s10 =	sld [smem:$0x7AC]  }
0x121: {  	s31 =	sld [smem:$0x7EE];
	_ =	sdelay $0x1  }
0x122: {  	[hbm4b:s0+s3] =	stream.linear.scatter [tilespmem:s2], [sflag:$0x2], $0x13800, $0x38;
	[tilespmem:$0x1AB00] =	vst v63  }
0x123: {  	[hbm:s10], [sflag:s30] =	dma.local [spmem:s31], $0x1900  }
0x124: {  	s0 =	sld [smem:$0x7AD]  }
0x125: {  	s2 =	sld [smem:$0x7EF]  }
0x126: {  	s10 =	sld [smem:$0x7AE]  }
0x127: {  	s31 =	sld [smem:$0x7F0];
	_ =	sdelay $0x1  }
0x128: {  	[hbm4b:s0+s3] =	stream.linear.scatter [tilespmem:s2], [sflag:$0x2], $0x13800, $0x38;
	[tilespmem:$0x1AB00] =	vst v63  }
0x129: {  	[hbm:s10], [sflag:s30] =	dma.local [spmem:s31], $0x1900  }
0x12a: {  	s0 =	sld [smem:$0x7AF]  }
0x12b: {  	s2 =	sld [smem:$0x7F1]  }
0x12c: {  	s10 =	sld [smem:$0x7B0]  }
0x12d: {  	s31 =	sld [smem:$0x7F2];
	_ =	sdelay $0x1  }
0x12e: {  	[hbm4b:s0+s3] =	stream.linear.scatter [tilespmem:s2], [sflag:$0x2], $0x13800, $0x38;
	[tilespmem:$0x1AB00] =	vst v63  }
0x12f: {  	[hbm:s10], [sflag:s30] =	dma.local [spmem:s31], $0x1900  }
0x130: {  	s0 =	sld [smem:$0x7B1]  }
0x131: {  	s2 =	sld [smem:$0x7F3]  }
0x132: {  	s10 =	sld [smem:$0x7B2]  }
0x133: {  	s31 =	sld [smem:$0x7F4];
	_ =	sdelay $0x1  }
0x134: {  	[hbm4b:s0+s3] =	stream.linear.scatter [tilespmem:s2], [sflag:$0x2], $0x13800, $0x38;
	[tilespmem:$0x1AB00] =	vst v63  }
0x135: {  	[hbm:s10], [sflag:s30] =	dma.local [spmem:s31], $0x1900  }
0x136: {  	s0 =	sld [smem:$0x7B3]  }
0x137: {  	s2 =	sld [smem:$0x7F5]  }
0x138: {  	s10 =	sld [smem:$0x7B4]  }
0x139: {  	s31 =	sld [smem:$0x7F6];
	_ =	sdelay $0x1  }
0x13a: {  	[hbm4b:s0+s3] =	stream.linear.scatter [tilespmem:s2], [sflag:$0x2], $0x13800, $0x38;
	[tilespmem:$0x1AB00] =	vst v63  }
0x13b: {  	[hbm:s10], [sflag:s30] =	dma.local [spmem:s31], $0x1900  }
0x13c: {  	s0 =	sld [smem:$0x7B5]  }
0x13d: {  	s2 =	sld [smem:$0x7F7]  }
0x13e: {  	s10 =	sld [smem:$0x7B6]  }
0x13f: {  	s31 =	sld [smem:$0x7F9];
	_ =	sdelay $0x1  }
0x140: {  	[hbm4b:s0+s3] =	stream.linear.scatter [tilespmem:s2], [sflag:$0x2], $0x13800, $0x38;
	[tilespmem:$0x1AB00] =	vst v63  }
0x141: {  	[hbm:s10], [sflag:s30] =	dma.local [spmem:s31], $0x1900  }
0x142: {  	s0 =	sld [smem:$0x7B7]  }
0x143: {  	s2 =	sld [smem:$0x7FA]  }
0x144: {  	s10 =	sld [smem:$0x7B8]  }
0x145: {  	s31 =	sld [smem:$0x7FB];
	_ =	sdelay $0x1  }
0x146: {  	[hbm4b:s0+s3] =	stream.linear.scatter [tilespmem:s2], [sflag:$0x2], $0x13800, $0x38;
	[tilespmem:$0x1AB00] =	vst v63  }
0x147: {  	[hbm:s10], [sflag:s30] =	dma.local [spmem:s31], $0x1900  }
0x148: {  	s0 =	sld [smem:$0x7B9]  }
0x149: {  	s2 =	sld [smem:$0x7FC]  }
0x14a: {  	s10 =	sld [smem:$0x7BA]  }
0x14b: {  	s31 =	sld [smem:$0x7FD];
	_ =	sdelay $0x1  }
0x14c: {  	[hbm4b:s0+s3] =	stream.linear.scatter [tilespmem:s2], [sflag:$0x2], $0x13800, $0x38;
	[tilespmem:$0x1AB00] =	vst v63  }
0x14d: {  	[hbm:s10], [sflag:s30] =	dma.local [spmem:s31], $0x1900  }
0x14e: {  	s10 =	sld [smem:$0x7BB]  }
0x14f: {  	s2 =	sld [smem:$0x7BC]  }
0x150: {  	s31 =	simm.s32 $0x700  }
0x151: {  	[hbm4b:s10+s3] =	stream.linear.scatter [tilespmem:s31], [sflag:$0x2], $0x13800, $0x38;
	[tilespmem:$0x1AB00] =	vst v63  }
0x152: {  	[hbm:s2], [sflag:s30] =	dma.local [spmem:s11], $0x1900  }
0x153: {  	s10 =	sld [smem:$0x7BD]  }
0x154: {  	s2 =	sld [smem:$0x7BE];
	_ =	sdelay $0x1  }
0x155: {  	[hbm4b:s10+s3] =	stream.linear.scatter [tilespmem:s12], [sflag:$0x2], $0x13800, $0x38;
	[tilespmem:$0x1AB00] =	vst v63  }
0x156: {  	[hbm:s2], [sflag:s30] =	dma.local [spmem:s13], $0x1900  }
0x157: {  	s31 =	sld [smem:$0x7BF]  }
0x158: {  	s2 =	sld [smem:$0x7C0];
	_ =	sdelay $0x1  }
0x159: {  	[hbm4b:s31+s3] =	stream.linear.scatter [tilespmem:s14], [sflag:$0x2], $0x13800, $0x38;
	[tilespmem:$0x1AB00] =	vst v63  }
0x15a: {  	[hbm:s2], [sflag:s30] =	dma.local [spmem:s15], $0x1900  }
0x15b: {  	s10 =	sld [smem:$0x7C1]  }
0x15c: {  	s2 =	sld [smem:$0x7C2];
	_ =	sdelay $0x1  }
0x15d: {  	[hbm4b:s10+s3] =	stream.linear.scatter [tilespmem:s16], [sflag:$0x2], $0x13800, $0x38;
	[tilespmem:$0x1AB00] =	vst v63  }
0x15e: {  	[hbm:s2], [sflag:s30] =	dma.local [spmem:s17], $0x1900  }
0x15f: {  	s31 =	sld [smem:$0x7C3]  }
0x160: {  	s2 =	sld [smem:$0x7C4];
	_ =	sdelay $0x1  }
0x161: {  	[hbm4b:s31+s3] =	stream.linear.scatter [tilespmem:s18], [sflag:$0x2], $0x13800, $0x38;
	[tilespmem:$0x1AB00] =	vst v63  }
0x162: {  	[hbm:s2], [sflag:s30] =	dma.local [spmem:s19], $0x1900  }
0x163: {  	s10 =	sld [smem:$0x7C5]  }
0x164: {  	s2 =	sld [smem:$0x7C6];
	_ =	sdelay $0x1  }
0x165: {  	[hbm4b:s10+s3] =	stream.linear.scatter [tilespmem:s20], [sflag:$0x2], $0x13800, $0x38;
	[tilespmem:$0x1AB00] =	vst v63  }
0x166: {  	[hbm:s2], [sflag:s30] =	dma.local [spmem:s21], $0x1900  }
0x167: {  	s31 =	sld [smem:$0x7C7]  }
0x168: {  	s2 =	sld [smem:$0x7C8];
	_ =	sdelay $0x1  }
0x169: {  	[hbm4b:s31+s3] =	stream.linear.scatter [tilespmem:s22], [sflag:$0x2], $0x13800, $0x38;
	[tilespmem:$0x1AB00] =	vst v63  }
0x16a: {  	[hbm:s2], [sflag:s30] =	dma.local [spmem:s23], $0x1900  }
0x16b: {  	s10 =	sld [smem:$0x7C9]  }
0x16c: {  	s2 =	sld [smem:$0x7CA];
	_ =	sdelay $0x1  }
0x16d: {  	[hbm4b:s10+s3] =	stream.linear.scatter [tilespmem:s26], [sflag:$0x2], $0x13800, $0x38;
	[tilespmem:$0x1AB00] =	vst v63  }
0x16e: {  	[hbm:s2], [sflag:s30] =	dma.local [spmem:s24], $0x1900  }
0x16f: {  	s31 =	sld [smem:$0x7CB]  }
0x170: {  	s2 =	sld [smem:$0x7CC];
	_ =	sdelay $0x1  }
0x171: {  	[hbm4b:s31+s3] =	stream.linear.scatter [tilespmem:s9], [sflag:$0x2], $0x13800, $0x38;
	[tilespmem:$0x1AB00] =	vst v63  }
0x172: {  	[hbm:s2], [sflag:s30] =	dma.local [spmem:s25], $0x1900  }
0x173: {  	_ =	swait.ge [sflag:s28], $0x13800  }
0x174: {  	[sflag:s28] =	ssyncset.done $0x0  }
0x175: {  	[sflag:s28] =	ssyncadd.s32 $0xFFFEC800  }
0x176: {  	_ =	swait.ge [sflag:s29], $0x1900  }
0x177: {  	[sflag:s29] =	ssyncset.done $0x0  }
0x178: {  	[sflag:s29] =	ssyncadd.s32 $0xFFFFE700  }
0x179: {  	_ =	swait.ge [sflag:s28], $0x13800  }
0x17a: {  	[sflag:s28] =	ssyncset.done $0x0  }
0x17b: {  	[sflag:s28] =	ssyncadd.s32 $0xFFFEC800  }
0x17c: {  	_ =	swait.ge [sflag:s29], $0x1900  }
0x17d: {  	[sflag:s29] =	ssyncset.done $0x0  }
0x17e: {  	[sflag:s29] =	ssyncadd.s32 $0xFFFFE700  }
0x17f: {  	_ =	swait.ge [sflag:s28], $0x13800  }
0x180: {  	[sflag:s28] =	ssyncset.done $0x0  }
0x181: {  	[sflag:s28] =	ssyncadd.s32 $0xFFFEC800  }
0x182: {  	_ =	swait.ge [sflag:s29], $0x1900  }
0x183: {  	[sflag:s29] =	ssyncset.done $0x0  }
0x184: {  	[sflag:s29] =	ssyncadd.s32 $0xFFFFE700  }
0x185: {  	_ =	swait.ge [sflag:s28], $0x13800  }
0x186: {  	[sflag:s28] =	ssyncset.done $0x0  }
0x187: {  	[sflag:s28] =	ssyncadd.s32 $0xFFFEC800  }
0x188: {  	_ =	swait.ge [sflag:s29], $0x1900  }
0x189: {  	[sflag:s29] =	ssyncset.done $0x0  }
0x18a: {  	[sflag:s29] =	ssyncadd.s32 $0xFFFFE700  }
0x18b: {  	_ =	swait.ge [sflag:s28], $0x13800  }
0x18c: {  	[sflag:s28] =	ssyncset.done $0x0  }
0x18d: {  	[sflag:s28] =	ssyncadd.s32 $0xFFFEC800  }
0x18e: {  	_ =	swait.ge [sflag:s29], $0x1900  }
0x18f: {  	[sflag:s29] =	ssyncset.done $0x0  }
0x190: {  	[sflag:s29] =	ssyncadd.s32 $0xFFFFE700  }
0x191: {  	_ =	swait.ge [sflag:s28], $0x13800  }
0x192: {  	[sflag:s28] =	ssyncset.done $0x0  }
0x193: {  	[sflag:s28] =	ssyncadd.s32 $0xFFFEC800  }
0x194: {  	_ =	swait.ge [sflag:s29], $0x1900  }
0x195: {  	[sflag:s29] =	ssyncset.done $0x0  }
0x196: {  	[sflag:s29] =	ssyncadd.s32 $0xFFFFE700  }
0x197: {  	_ =	swait.ge [sflag:s28], $0x13800  }
0x198: {  	[sflag:s28] =	ssyncset.done $0x0  }
0x199: {  	[sflag:s28] =	ssyncadd.s32 $0xFFFEC800  }
0x19a: {  	_ =	swait.ge [sflag:s29], $0x1900  }
0x19b: {  	[sflag:s29] =	ssyncset.done $0x0  }
0x19c: {  	[sflag:s29] =	ssyncadd.s32 $0xFFFFE700  }
0x19d: {  	_ =	swait.ge [sflag:s28], $0x13800  }
0x19e: {  	[sflag:s28] =	ssyncset.done $0x0  }
0x19f: {  	[sflag:s28] =	ssyncadd.s32 $0xFFFEC800  }
0x1a0: {  	_ =	swait.ge [sflag:s29], $0x1900  }
0x1a1: {  	[sflag:s29] =	ssyncset.done $0x0  }
0x1a2: {  	[sflag:s29] =	ssyncadd.s32 $0xFFFFE700  }
0x1a3: {  	_ =	swait.ge [sflag:s28], $0x13800  }
0x1a4: {  	[sflag:s28] =	ssyncset.done $0x0  }
0x1a5: {  	[sflag:s28] =	ssyncadd.s32 $0xFFFEC800  }
0x1a6: {  	_ =	swait.ge [sflag:s29], $0x1900  }
0x1a7: {  	[sflag:s29] =	ssyncset.done $0x0  }
0x1a8: {  	[sflag:s29] =	ssyncadd.s32 $0xFFFFE700  }
0x1a9: {  	_ =	swait.ge [sflag:s28], $0x13800  }
0x1aa: {  	[sflag:s28] =	ssyncset.done $0x0  }
0x1ab: {  	[sflag:s28] =	ssyncadd.s32 $0xFFFEC800  }
0x1ac: {  	_ =	swait.ge [sflag:s29], $0x1900  }
0x1ad: {  	[sflag:s29] =	ssyncset.done $0x0  }
0x1ae: {  	[sflag:s29] =	ssyncadd.s32 $0xFFFFE700  }
0x1af: {  	_ =	swait.ge [sflag:s28], $0x13800  }
0x1b0: {  	[sflag:s28] =	ssyncset.done $0x0  }
0x1b1: {  	[sflag:s28] =	ssyncadd.s32 $0xFFFEC800  }
0x1b2: {  	_ =	swait.ge [sflag:s29], $0x1900  }
0x1b3: {  	[sflag:s29] =	ssyncset.done $0x0  }
0x1b4: {  	[sflag:s29] =	ssyncadd.s32 $0xFFFFE700  }
0x1b5: {  	_ =	swait.ge [sflag:s28], $0x13800  }
0x1b6: {  	[sflag:s28] =	ssyncset.done $0x0  }
0x1b7: {  	[sflag:s28] =	ssyncadd.s32 $0xFFFEC800  }
0x1b8: {  	_ =	swait.ge [sflag:s29], $0x1900  }
0x1b9: {  	[sflag:s29] =	ssyncset.done $0x0  }
0x1ba: {  	[sflag:s29] =	ssyncadd.s32 $0xFFFFE700  }
0x1bb: {  	_ =	swait.ge [sflag:s28], $0x13800  }
0x1bc: {  	[sflag:s28] =	ssyncset.done $0x0  }
0x1bd: {  	[sflag:s28] =	ssyncadd.s32 $0xFFFEC800  }
0x1be: {  	_ =	swait.ge [sflag:s29], $0x1900  }
0x1bf: {  	[sflag:s29] =	ssyncset.done $0x0  }
0x1c0: {  	[sflag:s29] =	ssyncadd.s32 $0xFFFFE700  }
0x1c1: {  	_ =	swait.ge [sflag:s28], $0x13800  }
0x1c2: {  	[sflag:s28] =	ssyncset.done $0x0  }
0x1c3: {  	[sflag:s28] =	ssyncadd.s32 $0xFFFEC800  }
0x1c4: {  	_ =	swait.ge [sflag:s29], $0x1900  }
0x1c5: {  	[sflag:s29] =	ssyncset.done $0x0  }
0x1c6: {  	[sflag:s29] =	ssyncadd.s32 $0xFFFFE700  }
0x1c7: {  	_ =	swait.ge [sflag:s28], $0x13800  }
0x1c8: {  	[sflag:s28] =	ssyncset.done $0x0  }
0x1c9: {  	[sflag:s28] =	ssyncadd.s32 $0xFFFEC800  }
0x1ca: {  	_ =	swait.ge [sflag:s29], $0x1900  }
0x1cb: {  	[sflag:s29] =	ssyncset.done $0x0  }
0x1cc: {  	[sflag:s29] =	ssyncadd.s32 $0xFFFFE700  }
0x1cd: {  	_ =	swait.ge [sflag:s28], $0x13800  }
0x1ce: {  	[sflag:s28] =	ssyncset.done $0x0  }
0x1cf: {  	[sflag:s28] =	ssyncadd.s32 $0xFFFEC800  }
0x1d0: {  	_ =	swait.ge [sflag:s29], $0x1900  }
0x1d1: {  	[sflag:s29] =	ssyncset.done $0x0  }
0x1d2: {  	[sflag:s29] =	ssyncadd.s32 $0xFFFFE700  }
0x1d3: {  	_ =	swait.ge [sflag:s28], $0x13800  }
0x1d4: {  	[sflag:s28] =	ssyncset.done $0x0  }
0x1d5: {  	[sflag:s28] =	ssyncadd.s32 $0xFFFEC800  }
0x1d6: {  	_ =	swait.ge [sflag:s29], $0x1900  }
0x1d7: {  	[sflag:s29] =	ssyncset.done $0x0  }
0x1d8: {  	[sflag:s29] =	ssyncadd.s32 $0xFFFFE700  }
0x1d9: {  	_ =	swait.ge [sflag:s28], $0x13800  }
0x1da: {  	[sflag:s28] =	ssyncset.done $0x0  }
0x1db: {  	[sflag:s28] =	ssyncadd.s32 $0xFFFEC800  }
0x1dc: {  	_ =	swait.ge [sflag:s29], $0x1900  }
0x1dd: {  	[sflag:s29] =	ssyncset.done $0x0  }
0x1de: {  	[sflag:s29] =	ssyncadd.s32 $0xFFFFE700  }
0x1df: {  	_ =	swait.ge [sflag:s28], $0x13800  }
0x1e0: {  	[sflag:s28] =	ssyncset.done $0x0  }
0x1e1: {  	[sflag:s28] =	ssyncadd.s32 $0xFFFEC800  }
0x1e2: {  	_ =	swait.ge [sflag:s29], $0x1900  }
0x1e3: {  	[sflag:s29] =	ssyncset.done $0x0  }
0x1e4: {  	[sflag:s29] =	ssyncadd.s32 $0xFFFFE700  }
0x1e5: {  	_ =	swait.ge [sflag:s28], $0x13800  }
0x1e6: {  	[sflag:s28] =	ssyncset.done $0x0  }
0x1e7: {  	[sflag:s28] =	ssyncadd.s32 $0xFFFEC800  }
0x1e8: {  	_ =	swait.ge [sflag:s29], $0x1900  }
0x1e9: {  	[sflag:s29] =	ssyncset.done $0x0  }
0x1ea: {  	[sflag:s29] =	ssyncadd.s32 $0xFFFFE700  }
0x1eb: {  	_ =	swait.ge [sflag:s28], $0x13800  }
0x1ec: {  	[sflag:s28] =	ssyncset.done $0x0  }
0x1ed: {  	[sflag:s28] =	ssyncadd.s32 $0xFFFEC800  }
0x1ee: {  	_ =	swait.ge [sflag:s29], $0x1900  }
0x1ef: {  	[sflag:s29] =	ssyncset.done $0x0  }
0x1f0: {  	[sflag:s29] =	ssyncadd.s32 $0xFFFFE700  }
0x1f1: {  	_ =	swait.ge [sflag:s28], $0x13800  }
0x1f2: {  	[sflag:s28] =	ssyncset.done $0x0  }
0x1f3: {  	[sflag:s28] =	ssyncadd.s32 $0xFFFEC800  }
0x1f4: {  	_ =	swait.ge [sflag:s29], $0x1900  }
0x1f5: {  	[sflag:s29] =	ssyncset.done $0x0  }
0x1f6: {  	[sflag:s29] =	ssyncadd.s32 $0xFFFFE700  }
0x1f7: {  	_ =	swait.ge [sflag:s28], $0x13800  }
0x1f8: {  	[sflag:s28] =	ssyncset.done $0x0  }
0x1f9: {  	[sflag:s28] =	ssyncadd.s32 $0xFFFEC800  }
0x1fa: {  	_ =	swait.ge [sflag:s29], $0x1900  }
0x1fb: {  	[sflag:s29] =	ssyncset.done $0x0  }
0x1fc: {  	[sflag:s29] =	ssyncadd.s32 $0xFFFFE700  }
0x1fd: {  	_ =	swait.ge [sflag:s28], $0x13800  }
0x1fe: {  	[sflag:s28] =	ssyncset.done $0x0  }
0x1ff: {  	[sflag:s28] =	ssyncadd.s32 $0xFFFEC800  }
0x200: {  	_ =	swait.ge [sflag:s29], $0x1900  }
0x201: {  	[sflag:s29] =	ssyncset.done $0x0  }
0x202: {  	[sflag:s29] =	ssyncadd.s32 $0xFFFFE700  }
0x203: {  	_ =	swait.ge [sflag:s28], $0x13800  }
0x204: {  	[sflag:s28] =	ssyncset.done $0x0  }
0x205: {  	[sflag:s28] =	ssyncadd.s32 $0xFFFEC800  }
0x206: {  	_ =	swait.ge [sflag:s29], $0x1900  }
0x207: {  	[sflag:s29] =	ssyncset.done $0x0  }
0x208: {  	[sflag:s29] =	ssyncadd.s32 $0xFFFFE700  }
0x209: {  	_ =	swait.ge [sflag:s28], $0x13800  }
0x20a: {  	[sflag:s28] =	ssyncset.done $0x0  }
0x20b: {  	[sflag:s28] =	ssyncadd.s32 $0xFFFEC800  }
0x20c: {  	_ =	swait.ge [sflag:s29], $0x1900  }
0x20d: {  	[sflag:s29] =	ssyncset.done $0x0  }
0x20e: {  	[sflag:s29] =	ssyncadd.s32 $0xFFFFE700  }
0x20f: {  	_ =	swait.ge [sflag:s28], $0x13800  }
0x210: {  	[sflag:s28] =	ssyncset.done $0x0  }
0x211: {  	[sflag:s28] =	ssyncadd.s32 $0xFFFEC800  }
0x212: {  	_ =	swait.ge [sflag:s29], $0x1900  }
0x213: {  	[sflag:s29] =	ssyncset.done $0x0  }
0x214: {  	[sflag:s29] =	ssyncadd.s32 $0xFFFFE700  }
0x215: {  	_ =	swait.ge [sflag:s28], $0x13800  }
0x216: {  	[sflag:s28] =	ssyncset.done $0x0  }
0x217: {  	[sflag:s28] =	ssyncadd.s32 $0xFFFEC800  }
0x218: {  	_ =	swait.ge [sflag:s29], $0x1900  }
0x219: {  	[sflag:s29] =	ssyncset.done $0x0  }
0x21a: {  	[sflag:s29] =	ssyncadd.s32 $0xFFFFE700  }
0x21b: {  	_ =	swait.ge [sflag:s28], $0x13800  }
0x21c: {  	[sflag:s28] =	ssyncset.done $0x0  }
0x21d: {  	[sflag:s28] =	ssyncadd.s32 $0xFFFEC800  }
0x21e: {  	_ =	swait.ge [sflag:s29], $0x1900  }
0x21f: {  	[sflag:s29] =	ssyncset.done $0x0  }
0x220: {  	[sflag:s29] =	ssyncadd.s32 $0xFFFFE700  }
0x221: {  	_ =	swait.ge [sflag:s28], $0x13800  }
0x222: {  	[sflag:s28] =	ssyncset.done $0x0  }
0x223: {  	[sflag:s28] =	ssyncadd.s32 $0xFFFEC800  }
0x224: {  	_ =	swait.ge [sflag:s29], $0x1900  }
0x225: {  	[sflag:s29] =	ssyncset.done $0x0  }
0x226: {  	[sflag:s29] =	ssyncadd.s32 $0xFFFFE700  }
0x227: {  	_ =	swait.ge [sflag:s28], $0x13800  }
0x228: {  	[sflag:s28] =	ssyncset.done $0x0  }
0x229: {  	[sflag:s28] =	ssyncadd.s32 $0xFFFEC800  }
0x22a: {  	_ =	swait.ge [sflag:s29], $0x1900  }
0x22b: {  	[sflag:s29] =	ssyncset.done $0x0  }
0x22c: {  	[sflag:s29] =	ssyncadd.s32 $0xFFFFE700  }
0x22d: {  	p0 =	sne.s32 s5, $0x1;
	_ =	swait.ge [sflag:s28], $0x13800  }
.Ltmp0:
0x22e: {  	[sflag:s28] =	ssyncset.done $0x0;
	(pc) =	sbr.rel @p0 .LBB2_1-.Ltmp0, $4  }
0x22f: {  	[sflag:s28] =	ssyncadd.s32 $0xFFFEC800  }
0x230: {  	_ =	swait.ge [sflag:s29], $0x1900  }
0x231: {  	[sflag:s29] =	ssyncset.done $0x0  }
0x232: {  	s5 =	sadd.s32 $0xFFFFFFFF, s5;
	[sflag:s29] =	ssyncadd.s32 $0xFFFFE700  }
0x233: {  	_ =	sfence.sel $0x180000  }
0x234: {  	[bflag:$0x0] =	sbarrier.arrive $0xFFFF  }
0x235: {  	_ =	strace $0x90000047  }
0x236: {  	s0 =	stileid.u32;
	[bflag:$0x2] =	sbarrier.arrive $0xFFFF  }
0x237: {  	p0 =	sne.s32 s0, $0x0;
	s0 =	rddreg [dreg:$0x3]  }
0x238: {  	s0 =	sadd.s32 @!p0 $0x100000, s0  }
0x239: {  	[sflag:s0] =	ssyncadd.tile.s32 @!p0 $0x1;
	_ =	shalt  }
.Lfunc_end2:
_tile_overlayer_lowered:
.L_overlay_start_2:
0x23a: {  	(tag) =	ssettag $0x2  }
0x23b: {  	s0 =	rddreg [dreg:$0x0];
	s2 =	stileid.u32  }
0x23c: {  	s1 =	rddreg [dreg:$0x1];
	p0 =	sne.s32 s2, $0x0  }
0x23d: {  	s3 =	rddreg [dreg:$0x2];
	[bflag:$0x3] =	sbarrier.arrive $0xFFFF;
	s2 =	simm.s32 @!p0 $0x1C04  }
0x23e: {  	[timem:s3], [sflag:s2] =	dma.local @!p0 [hbm:s0], s1  }
0x23f: {  	s0 =	simm.s32 @!p0 $0x4  }
0x240: {  	_ =	swait.ge @!p0 [sflag:s0], s1  }
0x241: {  	s1 =	ssub.s32 @!p0 $0x0, s1;
	[sflag:s0] =	ssyncset.done @!p0 $0x0  }
0x242: {  	[sflag:s0] =	ssyncadd.s32 @!p0 s1  }
0x243: {  	[bflag:$0x3] =	sbarrier.arrive $0xFFFF  }
0x244: {  	_ =	shalt  }

</sc_bundles>
